<compile_context>
chip_gen: v7x
topology: tpu7x:2x2x1
jax: 0.10.2.dev20260603
libtpu: 0.0.44.dev20260713+nightly
codegen_flags: <defaults>
</compile_context>

<pallas_src>
import jax
import jax.numpy as jnp
from jax import lax
from jax.experimental import pallas as pl
from jax.experimental.pallas import tpu as pltpu
from jax.experimental.pallas import tpu_sc as plsc

DIM = 128
SPAN = 10
LANES = 16
NUM_WORKERS = 32
MACRO_B = 16
UNROLL = 4


def _cbow_body(words_hbm, table_hbm, out_hbm, idx_v, rows0, rows1, out0,
               out1, sem0, sem1, sem_o0, sem_o1):
    b_per_w = out_hbm.shape[0] // NUM_WORKERS
    n_macro = b_per_w // MACRO_B
    wid = lax.axis_index("s") * 2 + lax.axis_index("c")
    pltpu.sync_copy(words_hbm.at[pl.ds(wid * b_per_w, b_per_w)], idx_v)

    def fire(s, buf, sem):
        def one(g, _):
            base = s * MACRO_B + g * UNROLL
            for u in range(UNROLL):
                pltpu.async_copy(
                    table_hbm.at[idx_v.at[base + u]],
                    buf.at[pl.ds((g * UNROLL + u) * SPAN, SPAN)],
                    sem,
                )
            return 0

        lax.fori_loop(0, MACRO_B // UNROLL, one, 0)

    def drain(buf, sem):
        pltpu.make_async_copy(
            table_hbm.at[pl.ds(0, MACRO_B * SPAN)], buf, sem
        ).wait()

    def out_slice(s):
        return out_hbm.at[pl.ds(wid * b_per_w + s * MACRO_B, MACRO_B)]

    def compute(s, buf, out_v, sem_o):
        inv_span = jnp.float32(1.0 / SPAN)

        @plsc.parallel_loop(0, MACRO_B, unroll=4)
        def _(b):
            base = b * SPAN
            for g in range(DIM // LANES):
                sl = pl.ds(g * LANES, LANES)
                terms = [buf[base + j, sl] for j in range(SPAN)]
                while len(terms) > 1:
                    terms = [
                        terms[t] + terms[t + 1] if t + 1 < len(terms)
                        else terms[t]
                        for t in range(0, len(terms), 2)
                    ]
                out_v[b, sl] = terms[0] * inv_span

        pltpu.async_copy(out_v, out_slice(s), sem_o)

    fire(0, rows0, sem0)

    def pair(i, _):
        s0 = 2 * i
        fire(s0 + 1, rows1, sem1)
        drain(rows0, sem0)

        @pl.when(i > 0)
        def _():
            pltpu.make_async_copy(out0, out_slice(0), sem_o0).wait()

        compute(s0, rows0, out0, sem_o0)

        s1 = 2 * i + 1

        @pl.when(i < n_macro // 2 - 1)
        def _():
            fire(s1 + 1, rows0, sem0)

        drain(rows1, sem1)

        @pl.when(i > 0)
        def _():
            pltpu.make_async_copy(out1, out_slice(0), sem_o1).wait()

        compute(s1, rows1, out1, sem_o1)
        return 0

    lax.fori_loop(0, n_macro // 2, pair, 0)
    pltpu.make_async_copy(out0, out_slice(0), sem_o0).wait()
    pltpu.make_async_copy(out1, out_slice(0), sem_o1).wait()


def kernel(words, table):
    batch, span = words.shape
    assert span == SPAN and table.shape[1] == DIM

    mesh = plsc.VectorSubcoreMesh(core_axis_name="c", subcore_axis_name="s")
    f = pl.kernel(
        _cbow_body,
        out_type=jax.ShapeDtypeStruct((batch, DIM), jnp.float32),
        mesh=mesh,
        scratch_types=[
            pltpu.VMEM((batch // NUM_WORKERS, SPAN), jnp.int32),
            pltpu.VMEM((MACRO_B * SPAN, DIM), jnp.float32),
            pltpu.VMEM((MACRO_B * SPAN, DIM), jnp.float32),
            pltpu.VMEM((MACRO_B, DIM), jnp.float32),
            pltpu.VMEM((MACRO_B, DIM), jnp.float32),
            pltpu.SemaphoreType.DMA,
            pltpu.SemaphoreType.DMA,
            pltpu.SemaphoreType.DMA,
            pltpu.SemaphoreType.DMA,
        ],
    )
    return f(words, table)

# --- scband reference (transcript-rebuilt; emitter-appended) ---
"""Pipeline reference for scband-cbowlayer-55052890800182 (READ-ONLY COPY).

The authoritative reference and input builder live on the scoring server;
editing this copy changes nothing except your own understanding.
"""

import jax, jax.numpy as jnp
import numpy as np

VOCAB = 1000000
DIM = 128
BATCH = 16384
SPAN = 10

def setup_inputs(seed: int = 0) -> dict:
    key = jax.random.key(seed)
    k1, k2 = jax.random.split(key)
    words = jax.random.randint(k1, (BATCH, SPAN), 0, VOCAB, dtype=jnp.int32)
    # Keras Embedding default 'uniform' initializer: U(-0.05, 0.05)
    table = jax.random.uniform(k2, (VOCAB, DIM), dtype=jnp.float32, minval=-0.05, maxval=0.05)
    return {"words": words, "table": table}

def reference(words, table):
    # CBOWLayer: embedding lookup then mean over the context window axis
    ws = jnp.take(table, words, axis=0)          # [B, SPAN, DIM]
    context = jnp.mean(ws, axis=1)               # [B, DIM]
    return context

if __name__ == "__main__":
    import jax
    _d = setup_inputs()
    print(jax.jit(kernel)(*tuple(_d.values())))

</pallas_src>

<mosaic_0001>
#map = affine_map<(d0, d1) -> (0, 0)>
module attributes {stable_mosaic.version = 14 : i64} {
  func.func @_cbow_body(%arg0: i32, %arg1: i32, %arg2: memref<16384x10xi32, #tpu.memory_space<hbm>>, %arg3: memref<1000000x128xf32, #tpu.memory_space<hbm>>, %arg4: memref<16384x128xf32, #tpu.memory_space<hbm>>, %arg5: memref<512x10xi32, #tpu.memory_space<vmem>>, %arg6: memref<160x128xf32, #tpu.memory_space<vmem>>, %arg7: memref<160x128xf32, #tpu.memory_space<vmem>>, %arg8: memref<16x128xf32, #tpu.memory_space<vmem>>, %arg9: memref<16x128xf32, #tpu.memory_space<vmem>>, %arg10: memref<!tpu.dma_semaphore, #tpu.memory_space<semaphore_mem>>, %arg11: memref<!tpu.dma_semaphore, #tpu.memory_space<semaphore_mem>>, %arg12: memref<!tpu.dma_semaphore, #tpu.memory_space<semaphore_mem>>, %arg13: memref<!tpu.dma_semaphore, #tpu.memory_space<semaphore_mem>>) attributes {dimension_semantics = [#tpu.dimension_semantics<core_parallel>, #tpu.dimension_semantics<subcore_parallel>], iteration_bounds = array<i64: 2, 16>, scalar_prefetch = 0 : i64, scratch_operands = 9 : i64, tpu.core_type = #tpu.core_type<sc_vector_subcore>, window_params = [{transform_indices = #map}, {transform_indices = #map}, {transform_indices = #map}]} {
    %mul3A = arith.constant 2 : i32
    %mul3A_0 = arith.muli %arg1, %mul3A : i32
    %add3A = arith.addi %mul3A_0, %arg0 : i32
    %mul3A_1 = arith.constant 512 : i32
    %mul3A_2 = arith.muli %add3A, %mul3A_1 : i32
    "tpu.region"() ({
      %run_scoped3A = tpu.sem_alloc : memref<!tpu.dma_semaphore, #tpu.memory_space<semaphore_mem>>
      %dma_start3A = arith.constant 0 : i32
      %dma_start3A_31 = tpu.memref_slice %arg2[%mul3A_2, %dma_start3A] : memref<16384x10xi32, #tpu.memory_space<hbm>> -> memref<512x10xi32, #tpu.memory_space<hbm>>
      %dma_start3A_32 = arith.constant 0 : i32
      %dma_start3A_33 = tpu.memref_slice %arg2[%mul3A_2, %dma_start3A_32] : memref<16384x10xi32, #tpu.memory_space<hbm>> -> memref<512x10xi32, #tpu.memory_space<hbm>>
      tpu.enqueue_dma source(%dma_start3A_33 : memref<512x10xi32, #tpu.memory_space<hbm>>) target(%arg5 : memref<512x10xi32, #tpu.memory_space<vmem>>) target_semaphore(%run_scoped3A : memref<!tpu.dma_semaphore, #tpu.memory_space<semaphore_mem>>)
      %dma_wait3A_34 = arith.constant 0 : i32
      %dma_wait3A_35 = tpu.memref_slice %arg2[%mul3A_2, %dma_wait3A_34] : memref<16384x10xi32, #tpu.memory_space<hbm>> -> memref<512x10xi32, #tpu.memory_space<hbm>>
      %dma_wait3A_36 = arith.constant 0 : i32
      %dma_wait3A_37 = tpu.memref_slice %arg2[%mul3A_2, %dma_wait3A_36] : memref<16384x10xi32, #tpu.memory_space<hbm>> -> memref<512x10xi32, #tpu.memory_space<hbm>>
      tpu.wait_dma2 semaphore(%run_scoped3A : memref<!tpu.dma_semaphore, #tpu.memory_space<semaphore_mem>>) src(%dma_wait3A_37 : memref<512x10xi32, #tpu.memory_space<hbm>>) dst(%arg5 : memref<512x10xi32, #tpu.memory_space<vmem>>)
      tpu.yield
    }) : () -> ()
    %scan3A = arith.constant 0 : i32
    %scan3A_3 = arith.constant 0 : i32
    %scan3A_4 = arith.constant 4 : i32
    %scan3A_5 = arith.addi %scan3A_3, %scan3A_4 : i32
    %scan3A_6 = arith.constant 1 : i32
    %scan3A_7 = scf.for %scan3A_31 = %scan3A_3 to %scan3A_5 step %scan3A_6 iter_args(%scan3A_32 = %scan3A) -> (i32)  : i32 {
      %mul3A_33 = arith.constant 4 : i32
      %mul3A_34 = arith.muli %scan3A_31, %mul3A_33 : i32
      %add3A_35 = arith.constant 0 : i32
      %add3A_36 = arith.addi %add3A_35, %mul3A_34 : i32
      %add3A_37 = arith.constant 0 : i32
      %add3A_38 = arith.addi %add3A_36, %add3A_37 : i32
      %mul3A_39 = arith.constant 4 : i32
      %mul3A_40 = arith.muli %scan3A_31, %mul3A_39 : i32
      %add3A_41 = arith.constant 0 : i32
      %add3A_42 = arith.addi %mul3A_40, %add3A_41 : i32
      %mul3A_43 = arith.constant 10 : i32
      %mul3A_44 = arith.muli %add3A_42, %mul3A_43 : i32
      %dma_start3A = arith.constant 0 : i32
      %dma_start3A_45 = tpu.memref_slice %arg6[%mul3A_44, %dma_start3A] : memref<160x128xf32, #tpu.memory_space<vmem>> -> memref<10x128xf32, #tpu.memory_space<vmem>>
      %dma_start3A_46 = arith.constant 0 : i32
      %dma_start3A_47 = tpu.memref_slice %arg5[%add3A_38, %dma_start3A_46] : memref<512x10xi32, #tpu.memory_space<vmem>> -> memref<1x10xi32, #tpu.memory_space<vmem>>
      %dma_start3A_48 = tpu.memref_squeeze %dma_start3A_47 : memref<1x10xi32, #tpu.memory_space<vmem>> -> memref<10xi32, #tpu.memory_space<vmem>>
      %dma_start3A_49 = arith.constant 0 : i32
      %dma_start3A_50 = arith.constant 0 : i32
      %dma_start3A_51 = tpu.memref_slice %arg3[%dma_start3A_49, %dma_start3A_50] : memref<1000000x128xf32, #tpu.memory_space<hbm>> -> memref<1000000x128xf32, #tpu.memory_space<hbm>>
      tpu.enqueue_indirect_dma source(%dma_start3A_51 : memref<1000000x128xf32, #tpu.memory_space<hbm>>) target(%dma_start3A_45 : memref<10x128xf32, #tpu.memory_space<vmem>>) offsets(%dma_start3A_48 : memref<10xi32, #tpu.memory_space<vmem>>) semaphore(%arg10 : memref<!tpu.dma_semaphore, #tpu.memory_space<semaphore_mem>>)
      %add3A_52 = arith.constant 1 : i32
      %add3A_53 = arith.addi %add3A_36, %add3A_52 : i32
      %mul3A_54 = arith.constant 4 : i32
      %mul3A_55 = arith.muli %scan3A_31, %mul3A_54 : i32
      %add3A_56 = arith.constant 1 : i32
      %add3A_57 = arith.addi %mul3A_55, %add3A_56 : i32
      %mul3A_58 = arith.constant 10 : i32
      %mul3A_59 = arith.muli %add3A_57, %mul3A_58 : i32
      %dma_start3A_60 = arith.constant 0 : i32
      %dma_start3A_61 = tpu.memref_slice %arg6[%mul3A_59, %dma_start3A_60] : memref<160x128xf32, #tpu.memory_space<vmem>> -> memref<10x128xf32, #tpu.memory_space<vmem>>
      %dma_start3A_62 = arith.constant 0 : i32
      %dma_start3A_63 = tpu.memref_slice %arg5[%add3A_53, %dma_start3A_62] : memref<512x10xi32, #tpu.memory_space<vmem>> -> memref<1x10xi32, #tpu.memory_space<vmem>>
      %dma_start3A_64 = tpu.memref_squeeze %dma_start3A_63 : memref<1x10xi32, #tpu.memory_space<vmem>> -> memref<10xi32, #tpu.memory_space<vmem>>
      %dma_start3A_65 = arith.constant 0 : i32
      %dma_start3A_66 = arith.constant 0 : i32
      %dma_start3A_67 = tpu.memref_slice %arg3[%dma_start3A_65, %dma_start3A_66] : memref<1000000x128xf32, #tpu.memory_space<hbm>> -> memref<1000000x128xf32, #tpu.memory_space<hbm>>
      tpu.enqueue_indirect_dma source(%dma_start3A_67 : memref<1000000x128xf32, #tpu.memory_space<hbm>>) target(%dma_start3A_61 : memref<10x128xf32, #tpu.memory_space<vmem>>) offsets(%dma_start3A_64 : memref<10xi32, #tpu.memory_space<vmem>>) semaphore(%arg10 : memref<!tpu.dma_semaphore, #tpu.memory_space<semaphore_mem>>)
      %add3A_68 = arith.constant 2 : i32
      %add3A_69 = arith.addi %add3A_36, %add3A_68 : i32
      %mul3A_70 = arith.constant 4 : i32
      %mul3A_71 = arith.muli %scan3A_31, %mul3A_70 : i32
      %add3A_72 = arith.constant 2 : i32
      %add3A_73 = arith.addi %mul3A_71, %add3A_72 : i32
      %mul3A_74 = arith.constant 10 : i32
      %mul3A_75 = arith.muli %add3A_73, %mul3A_74 : i32
      %dma_start3A_76 = arith.constant 0 : i32
      %dma_start3A_77 = tpu.memref_slice %arg6[%mul3A_75, %dma_start3A_76] : memref<160x128xf32, #tpu.memory_space<vmem>> -> memref<10x128xf32, #tpu.memory_space<vmem>>
      %dma_start3A_78 = arith.constant 0 : i32
      %dma_start3A_79 = tpu.memref_slice %arg5[%add3A_69, %dma_start3A_78] : memref<512x10xi32, #tpu.memory_space<vmem>> -> memref<1x10xi32, #tpu.memory_space<vmem>>
      %dma_start3A_80 = tpu.memref_squeeze %dma_start3A_79 : memref<1x10xi32, #tpu.memory_space<vmem>> -> memref<10xi32, #tpu.memory_space<vmem>>
      %dma_start3A_81 = arith.constant 0 : i32
      %dma_start3A_82 = arith.constant 0 : i32
      %dma_start3A_83 = tpu.memref_slice %arg3[%dma_start3A_81, %dma_start3A_82] : memref<1000000x128xf32, #tpu.memory_space<hbm>> -> memref<1000000x128xf32, #tpu.memory_space<hbm>>
      tpu.enqueue_indirect_dma source(%dma_start3A_83 : memref<1000000x128xf32, #tpu.memory_space<hbm>>) target(%dma_start3A_77 : memref<10x128xf32, #tpu.memory_space<vmem>>) offsets(%dma_start3A_80 : memref<10xi32, #tpu.memory_space<vmem>>) semaphore(%arg10 : memref<!tpu.dma_semaphore, #tpu.memory_space<semaphore_mem>>)
      %add3A_84 = arith.constant 3 : i32
      %add3A_85 = arith.addi %add3A_36, %add3A_84 : i32
      %mul3A_86 = arith.constant 4 : i32
      %mul3A_87 = arith.muli %scan3A_31, %mul3A_86 : i32
      %add3A_88 = arith.constant 3 : i32
      %add3A_89 = arith.addi %mul3A_87, %add3A_88 : i32
      %mul3A_90 = arith.constant 10 : i32
      %mul3A_91 = arith.muli %add3A_89, %mul3A_90 : i32
      %dma_start3A_92 = arith.constant 0 : i32
      %dma_start3A_93 = tpu.memref_slice %arg6[%mul3A_91, %dma_start3A_92] : memref<160x128xf32, #tpu.memory_space<vmem>> -> memref<10x128xf32, #tpu.memory_space<vmem>>
      %dma_start3A_94 = arith.constant 0 : i32
      %dma_start3A_95 = tpu.memref_slice %arg5[%add3A_85, %dma_start3A_94] : memref<512x10xi32, #tpu.memory_space<vmem>> -> memref<1x10xi32, #tpu.memory_space<vmem>>
      %dma_start3A_96 = tpu.memref_squeeze %dma_start3A_95 : memref<1x10xi32, #tpu.memory_space<vmem>> -> memref<10xi32, #tpu.memory_space<vmem>>
      %dma_start3A_97 = arith.constant 0 : i32
      %dma_start3A_98 = arith.constant 0 : i32
      %dma_start3A_99 = tpu.memref_slice %arg3[%dma_start3A_97, %dma_start3A_98] : memref<1000000x128xf32, #tpu.memory_space<hbm>> -> memref<1000000x128xf32, #tpu.memory_space<hbm>>
      tpu.enqueue_indirect_dma source(%dma_start3A_99 : memref<1000000x128xf32, #tpu.memory_space<hbm>>) target(%dma_start3A_93 : memref<10x128xf32, #tpu.memory_space<vmem>>) offsets(%dma_start3A_96 : memref<10xi32, #tpu.memory_space<vmem>>) semaphore(%arg10 : memref<!tpu.dma_semaphore, #tpu.memory_space<semaphore_mem>>)
      %scan3A_100 = arith.constant 0 : i32
      scf.yield %scan3A_100 : i32
    }
    %scan3A_8 = arith.constant 4 : i32
    %scan3A_9 = arith.constant 0 : i32
    %scan3A_10 = arith.constant 0 : i32
    %scan3A_11 = arith.constant 16 : i32
    %scan3A_12 = arith.addi %scan3A_10, %scan3A_11 : i32
    %scan3A_13 = arith.constant 1 : i32
    %scan3A_14 = scf.for %scan3A_31 = %scan3A_10 to %scan3A_12 step %scan3A_13 iter_args(%scan3A_32 = %scan3A_9) -> (i32)  : i32 {
      %mul3A_33 = arith.constant 2 : i32
      %mul3A_34 = arith.muli %mul3A_33, %scan3A_31 : i32
      %add3A_35 = arith.constant 1 : i32
      %add3A_36 = arith.addi %mul3A_34, %add3A_35 : i32
      %scan3A_37 = arith.constant 0 : i32
      %scan3A_38 = arith.constant 0 : i32
      %scan3A_39 = arith.constant 4 : i32
      %scan3A_40 = arith.addi %scan3A_38, %scan3A_39 : i32
      %scan3A_41 = arith.constant 1 : i32
      %scan3A_42 = scf.for %scan3A_96 = %scan3A_38 to %scan3A_40 step %scan3A_41 iter_args(%scan3A_97 = %scan3A_37) -> (i32)  : i32 {
        %mul3A_98 = arith.constant 16 : i32
        %mul3A_99 = arith.muli %add3A_36, %mul3A_98 : i32
        %mul3A_100 = arith.constant 4 : i32
        %mul3A_101 = arith.muli %scan3A_96, %mul3A_100 : i32
        %add3A_102 = arith.addi %mul3A_99, %mul3A_101 : i32
        %add3A_103 = arith.constant 0 : i32
        %add3A_104 = arith.addi %add3A_102, %add3A_103 : i32
        %mul3A_105 = arith.constant 4 : i32
        %mul3A_106 = arith.muli %scan3A_96, %mul3A_105 : i32
        %add3A_107 = arith.constant 0 : i32
        %add3A_108 = arith.addi %mul3A_106, %add3A_107 : i32
        %mul3A_109 = arith.constant 10 : i32
        %mul3A_110 = arith.muli %add3A_108, %mul3A_109 : i32
        %dma_start3A_111 = arith.constant 0 : i32
        %dma_start3A_112 = tpu.memref_slice %arg7[%mul3A_110, %dma_start3A_111] : memref<160x128xf32, #tpu.memory_space<vmem>> -> memref<10x128xf32, #tpu.memory_space<vmem>>
        %dma_start3A_113 = arith.constant 0 : i32
        %dma_start3A_114 = tpu.memref_slice %arg5[%add3A_104, %dma_start3A_113] : memref<512x10xi32, #tpu.memory_space<vmem>> -> memref<1x10xi32, #tpu.memory_space<vmem>>
        %dma_start3A_115 = tpu.memref_squeeze %dma_start3A_114 : memref<1x10xi32, #tpu.memory_space<vmem>> -> memref<10xi32, #tpu.memory_space<vmem>>
        %dma_start3A_116 = arith.constant 0 : i32
        %dma_start3A_117 = arith.constant 0 : i32
        %dma_start3A_118 = tpu.memref_slice %arg3[%dma_start3A_116, %dma_start3A_117] : memref<1000000x128xf32, #tpu.memory_space<hbm>> -> memref<1000000x128xf32, #tpu.memory_space<hbm>>
        tpu.enqueue_indirect_dma source(%dma_start3A_118 : memref<1000000x128xf32, #tpu.memory_space<hbm>>) target(%dma_start3A_112 : memref<10x128xf32, #tpu.memory_space<vmem>>) offsets(%dma_start3A_115 : memref<10xi32, #tpu.memory_space<vmem>>) semaphore(%arg11 : memref<!tpu.dma_semaphore, #tpu.memory_space<semaphore_mem>>)
        %add3A_119 = arith.constant 1 : i32
        %add3A_120 = arith.addi %add3A_102, %add3A_119 : i32
        %mul3A_121 = arith.constant 4 : i32
        %mul3A_122 = arith.muli %scan3A_96, %mul3A_121 : i32
        %add3A_123 = arith.constant 1 : i32
        %add3A_124 = arith.addi %mul3A_122, %add3A_123 : i32
        %mul3A_125 = arith.constant 10 : i32
        %mul3A_126 = arith.muli %add3A_124, %mul3A_125 : i32
        %dma_start3A_127 = arith.constant 0 : i32
        %dma_start3A_128 = tpu.memref_slice %arg7[%mul3A_126, %dma_start3A_127] : memref<160x128xf32, #tpu.memory_space<vmem>> -> memref<10x128xf32, #tpu.memory_space<vmem>>
        %dma_start3A_129 = arith.constant 0 : i32
        %dma_start3A_130 = tpu.memref_slice %arg5[%add3A_120, %dma_start3A_129] : memref<512x10xi32, #tpu.memory_space<vmem>> -> memref<1x10xi32, #tpu.memory_space<vmem>>
        %dma_start3A_131 = tpu.memref_squeeze %dma_start3A_130 : memref<1x10xi32, #tpu.memory_space<vmem>> -> memref<10xi32, #tpu.memory_space<vmem>>
        %dma_start3A_132 = arith.constant 0 : i32
        %dma_start3A_133 = arith.constant 0 : i32
        %dma_start3A_134 = tpu.memref_slice %arg3[%dma_start3A_132, %dma_start3A_133] : memref<1000000x128xf32, #tpu.memory_space<hbm>> -> memref<1000000x128xf32, #tpu.memory_space<hbm>>
        tpu.enqueue_indirect_dma source(%dma_start3A_134 : memref<1000000x128xf32, #tpu.memory_space<hbm>>) target(%dma_start3A_128 : memref<10x128xf32, #tpu.memory_space<vmem>>) offsets(%dma_start3A_131 : memref<10xi32, #tpu.memory_space<vmem>>) semaphore(%arg11 : memref<!tpu.dma_semaphore, #tpu.memory_space<semaphore_mem>>)
        %add3A_135 = arith.constant 2 : i32
        %add3A_136 = arith.addi %add3A_102, %add3A_135 : i32
        %mul3A_137 = arith.constant 4 : i32
        %mul3A_138 = arith.muli %scan3A_96, %mul3A_137 : i32
        %add3A_139 = arith.constant 2 : i32
        %add3A_140 = arith.addi %mul3A_138, %add3A_139 : i32
        %mul3A_141 = arith.constant 10 : i32
        %mul3A_142 = arith.muli %add3A_140, %mul3A_141 : i32
        %dma_start3A_143 = arith.constant 0 : i32
        %dma_start3A_144 = tpu.memref_slice %arg7[%mul3A_142, %dma_start3A_143] : memref<160x128xf32, #tpu.memory_space<vmem>> -> memref<10x128xf32, #tpu.memory_space<vmem>>
        %dma_start3A_145 = arith.constant 0 : i32
        %dma_start3A_146 = tpu.memref_slice %arg5[%add3A_136, %dma_start3A_145] : memref<512x10xi32, #tpu.memory_space<vmem>> -> memref<1x10xi32, #tpu.memory_space<vmem>>
        %dma_start3A_147 = tpu.memref_squeeze %dma_start3A_146 : memref<1x10xi32, #tpu.memory_space<vmem>> -> memref<10xi32, #tpu.memory_space<vmem>>
        %dma_start3A_148 = arith.constant 0 : i32
        %dma_start3A_149 = arith.constant 0 : i32
        %dma_start3A_150 = tpu.memref_slice %arg3[%dma_start3A_148, %dma_start3A_149] : memref<1000000x128xf32, #tpu.memory_space<hbm>> -> memref<1000000x128xf32, #tpu.memory_space<hbm>>
        tpu.enqueue_indirect_dma source(%dma_start3A_150 : memref<1000000x128xf32, #tpu.memory_space<hbm>>) target(%dma_start3A_144 : memref<10x128xf32, #tpu.memory_space<vmem>>) offsets(%dma_start3A_147 : memref<10xi32, #tpu.memory_space<vmem>>) semaphore(%arg11 : memref<!tpu.dma_semaphore, #tpu.memory_space<semaphore_mem>>)
        %add3A_151 = arith.constant 3 : i32
        %add3A_152 = arith.addi %add3A_102, %add3A_151 : i32
        %mul3A_153 = arith.constant 4 : i32
        %mul3A_154 = arith.muli %scan3A_96, %mul3A_153 : i32
        %add3A_155 = arith.constant 3 : i32
        %add3A_156 = arith.addi %mul3A_154, %add3A_155 : i32
        %mul3A_157 = arith.constant 10 : i32
        %mul3A_158 = arith.muli %add3A_156, %mul3A_157 : i32
        %dma_start3A_159 = arith.constant 0 : i32
        %dma_start3A_160 = tpu.memref_slice %arg7[%mul3A_158, %dma_start3A_159] : memref<160x128xf32, #tpu.memory_space<vmem>> -> memref<10x128xf32, #tpu.memory_space<vmem>>
        %dma_start3A_161 = arith.constant 0 : i32
        %dma_start3A_162 = tpu.memref_slice %arg5[%add3A_152, %dma_start3A_161] : memref<512x10xi32, #tpu.memory_space<vmem>> -> memref<1x10xi32, #tpu.memory_space<vmem>>
        %dma_start3A_163 = tpu.memref_squeeze %dma_start3A_162 : memref<1x10xi32, #tpu.memory_space<vmem>> -> memref<10xi32, #tpu.memory_space<vmem>>
        %dma_start3A_164 = arith.constant 0 : i32
        %dma_start3A_165 = arith.constant 0 : i32
        %dma_start3A_166 = tpu.memref_slice %arg3[%dma_start3A_164, %dma_start3A_165] : memref<1000000x128xf32, #tpu.memory_space<hbm>> -> memref<1000000x128xf32, #tpu.memory_space<hbm>>
        tpu.enqueue_indirect_dma source(%dma_start3A_166 : memref<1000000x128xf32, #tpu.memory_space<hbm>>) target(%dma_start3A_160 : memref<10x128xf32, #tpu.memory_space<vmem>>) offsets(%dma_start3A_163 : memref<10xi32, #tpu.memory_space<vmem>>) semaphore(%arg11 : memref<!tpu.dma_semaphore, #tpu.memory_space<semaphore_mem>>)
        %scan3A_167 = arith.constant 0 : i32
        scf.yield %scan3A_167 : i32
      }
      %scan3A_43 = arith.constant 4 : i32
      %dma_wait3A_44 = arith.constant 0 : i32
      %dma_wait3A_45 = arith.constant 0 : i32
      %dma_wait3A_46 = tpu.memref_slice %arg3[%dma_wait3A_44, %dma_wait3A_45] : memref<1000000x128xf32, #tpu.memory_space<hbm>> -> memref<160x128xf32, #tpu.memory_space<hbm>>
      %dma_wait3A_47 = arith.constant 0 : i32
      %dma_wait3A_48 = arith.constant 0 : i32
      %dma_wait3A_49 = tpu.memref_slice %arg3[%dma_wait3A_47, %dma_wait3A_48] : memref<1000000x128xf32, #tpu.memory_space<hbm>> -> memref<160x128xf32, #tpu.memory_space<hbm>>
      tpu.wait_dma2 semaphore(%arg10 : memref<!tpu.dma_semaphore, #tpu.memory_space<semaphore_mem>>) src(%dma_wait3A_49 : memref<160x128xf32, #tpu.memory_space<hbm>>) dst(%arg6 : memref<160x128xf32, #tpu.memory_space<vmem>>)
      %gt3A = arith.constant 0 : i32
      %gt3A_50 = arith.cmpi sgt, %scan3A_31, %gt3A : i32
      %convert_element_type3A = arith.extui %gt3A_50 : i1 to i32
      %cond3A = arith.constant 0 : i32
      %cond3A_51 = arith.cmpi ne, %convert_element_type3A, %cond3A : i32
      scf.if %cond3A_51 {
        %mul3A_96 = arith.constant 512 : i32
        %mul3A_97 = arith.muli %add3A, %mul3A_96 : i32
        %add3A_98 = arith.constant 0 : i32
        %add3A_99 = arith.addi %mul3A_97, %add3A_98 : i32
        %dma_wait3A_100 = arith.constant 0 : i32
        %dma_wait3A_101 = tpu.memref_slice %arg4[%add3A_99, %dma_wait3A_100] : memref<16384x128xf32, #tpu.memory_space<hbm>> -> memref<16x128xf32, #tpu.memory_space<hbm>>
        %dma_wait3A_102 = arith.constant 0 : i32
        %dma_wait3A_103 = tpu.memref_slice %arg4[%add3A_99, %dma_wait3A_102] : memref<16384x128xf32, #tpu.memory_space<hbm>> -> memref<16x128xf32, #tpu.memory_space<hbm>>
        tpu.wait_dma2 semaphore(%arg12 : memref<!tpu.dma_semaphore, #tpu.memory_space<semaphore_mem>>) src(%arg8 : memref<16x128xf32, #tpu.memory_space<vmem>>) dst(%dma_wait3A_103 : memref<16x128xf32, #tpu.memory_space<hbm>>)
      } else {
      }
      %parallel_loop3A = arith.constant 0 : i32
      %parallel_loop3A_52 = arith.constant 16 : i32
      %parallel_loop3A_53 = arith.constant 1 : i32
      %parallel_loop3A_54 = arith.constant 1.000000e-01 : f32
      scf.for %parallel_loop3A_96 = %parallel_loop3A to %parallel_loop3A_52 step %parallel_loop3A_53  : i32 {
        %parallel_loop3A_97 = arith.constant 10 : i32
        %parallel_loop3A_98 = arith.muli %parallel_loop3A_96, %parallel_loop3A_97 : i32
        %parallel_loop3A_99 = arith.constant 0 : i32
        %parallel_loop3A_100 = arith.addi %parallel_loop3A_98, %parallel_loop3A_99 : i32
        %parallel_loop3A_101 = arith.index_cast %parallel_loop3A_100 : i32 to index
        %parallel_loop3A_102 = arith.constant 0 : index
        %parallel_loop3A_103 = tpu.vector_load %arg6[%parallel_loop3A_101, %parallel_loop3A_102] {strides = array<i32>} : memref<160x128xf32, #tpu.memory_space<vmem>>, vector<1x16xf32>,
        %parallel_loop3A_104 = vector.shape_cast %parallel_loop3A_103 : vector<1x16xf32> to vector<16xf32>
        %parallel_loop3A_105 = arith.constant 1 : i32
        %parallel_loop3A_106 = arith.addi %parallel_loop3A_98, %parallel_loop3A_105 : i32
        %parallel_loop3A_107 = arith.index_cast %parallel_loop3A_106 : i32 to index
        %parallel_loop3A_108 = arith.constant 0 : index
        %parallel_loop3A_109 = tpu.vector_load %arg6[%parallel_loop3A_107, %parallel_loop3A_108] {strides = array<i32>} : memref<160x128xf32, #tpu.memory_space<vmem>>, vector<1x16xf32>,
        %parallel_loop3A_110 = vector.shape_cast %parallel_loop3A_109 : vector<1x16xf32> to vector<16xf32>
        %parallel_loop3A_111 = arith.constant 2 : i32
        %parallel_loop3A_112 = arith.addi %parallel_loop3A_98, %parallel_loop3A_111 : i32
        %parallel_loop3A_113 = arith.index_cast %parallel_loop3A_112 : i32 to index
        %parallel_loop3A_114 = arith.constant 0 : index
        %parallel_loop3A_115 = tpu.vector_load %arg6[%parallel_loop3A_113, %parallel_loop3A_114] {strides = array<i32>} : memref<160x128xf32, #tpu.memory_space<vmem>>, vector<1x16xf32>,
        %parallel_loop3A_116 = vector.shape_cast %parallel_loop3A_115 : vector<1x16xf32> to vector<16xf32>
        %parallel_loop3A_117 = arith.constant 3 : i32
        %parallel_loop3A_118 = arith.addi %parallel_loop3A_98, %parallel_loop3A_117 : i32
        %parallel_loop3A_119 = arith.index_cast %parallel_loop3A_118 : i32 to index
        %parallel_loop3A_120 = arith.constant 0 : index
        %parallel_loop3A_121 = tpu.vector_load %arg6[%parallel_loop3A_119, %parallel_loop3A_120] {strides = array<i32>} : memref<160x128xf32, #tpu.memory_space<vmem>>, vector<1x16xf32>,
        %parallel_loop3A_122 = vector.shape_cast %parallel_loop3A_121 : vector<1x16xf32> to vector<16xf32>
        %parallel_loop3A_123 = arith.constant 4 : i32
        %parallel_loop3A_124 = arith.addi %parallel_loop3A_98, %parallel_loop3A_123 : i32
        %parallel_loop3A_125 = arith.index_cast %parallel_loop3A_124 : i32 to index
        %parallel_loop3A_126 = arith.constant 0 : index
        %parallel_loop3A_127 = tpu.vector_load %arg6[%parallel_loop3A_125, %parallel_loop3A_126] {strides = array<i32>} : memref<160x128xf32, #tpu.memory_space<vmem>>, vector<1x16xf32>,
        %parallel_loop3A_128 = vector.shape_cast %parallel_loop3A_127 : vector<1x16xf32> to vector<16xf32>
        %parallel_loop3A_129 = arith.constant 5 : i32
        %parallel_loop3A_130 = arith.addi %parallel_loop3A_98, %parallel_loop3A_129 : i32
        %parallel_loop3A_131 = arith.index_cast %parallel_loop3A_130 : i32 to index
        %parallel_loop3A_132 = arith.constant 0 : index
        %parallel_loop3A_133 = tpu.vector_load %arg6[%parallel_loop3A_131, %parallel_loop3A_132] {strides = array<i32>} : memref<160x128xf32, #tpu.memory_space<vmem>>, vector<1x16xf32>,
        %parallel_loop3A_134 = vector.shape_cast %parallel_loop3A_133 : vector<1x16xf32> to vector<16xf32>
        %parallel_loop3A_135 = arith.constant 6 : i32
        %parallel_loop3A_136 = arith.addi %parallel_loop3A_98, %parallel_loop3A_135 : i32
        %parallel_loop3A_137 = arith.index_cast %parallel_loop3A_136 : i32 to index
        %parallel_loop3A_138 = arith.constant 0 : index
        %parallel_loop3A_139 = tpu.vector_load %arg6[%parallel_loop3A_137, %parallel_loop3A_138] {strides = array<i32>} : memref<160x128xf32, #tpu.memory_space<vmem>>, vector<1x16xf32>,
        %parallel_loop3A_140 = vector.shape_cast %parallel_loop3A_139 : vector<1x16xf32> to vector<16xf32>
        %parallel_loop3A_141 = arith.constant 7 : i32
        %parallel_loop3A_142 = arith.addi %parallel_loop3A_98, %parallel_loop3A_141 : i32
        %parallel_loop3A_143 = arith.index_cast %parallel_loop3A_142 : i32 to index
        %parallel_loop3A_144 = arith.constant 0 : index
        %parallel_loop3A_145 = tpu.vector_load %arg6[%parallel_loop3A_143, %parallel_loop3A_144] {strides = array<i32>} : memref<160x128xf32, #tpu.memory_space<vmem>>, vector<1x16xf32>,
        %parallel_loop3A_146 = vector.shape_cast %parallel_loop3A_145 : vector<1x16xf32> to vector<16xf32>
        %parallel_loop3A_147 = arith.constant 8 : i32
        %parallel_loop3A_148 = arith.addi %parallel_loop3A_98, %parallel_loop3A_147 : i32
        %parallel_loop3A_149 = arith.index_cast %parallel_loop3A_148 : i32 to index
        %parallel_loop3A_150 = arith.constant 0 : index
        %parallel_loop3A_151 = tpu.vector_load %arg6[%parallel_loop3A_149, %parallel_loop3A_150] {strides = array<i32>} : memref<160x128xf32, #tpu.memory_space<vmem>>, vector<1x16xf32>,
        %parallel_loop3A_152 = vector.shape_cast %parallel_loop3A_151 : vector<1x16xf32> to vector<16xf32>
        %parallel_loop3A_153 = arith.constant 9 : i32
        %parallel_loop3A_154 = arith.addi %parallel_loop3A_98, %parallel_loop3A_153 : i32
        %parallel_loop3A_155 = arith.index_cast %parallel_loop3A_154 : i32 to index
        %parallel_loop3A_156 = arith.constant 0 : index
        %parallel_loop3A_157 = tpu.vector_load %arg6[%parallel_loop3A_155, %parallel_loop3A_156] {strides = array<i32>} : memref<160x128xf32, #tpu.memory_space<vmem>>, vector<1x16xf32>,
        %parallel_loop3A_158 = vector.shape_cast %parallel_loop3A_157 : vector<1x16xf32> to vector<16xf32>
        %parallel_loop3A_159 = arith.addf %parallel_loop3A_104, %parallel_loop3A_110 : vector<16xf32>
        %parallel_loop3A_160 = arith.addf %parallel_loop3A_116, %parallel_loop3A_122 : vector<16xf32>
        %parallel_loop3A_161 = arith.addf %parallel_loop3A_128, %parallel_loop3A_134 : vector<16xf32>
        %parallel_loop3A_162 = arith.addf %parallel_loop3A_140, %parallel_loop3A_146 : vector<16xf32>
        %parallel_loop3A_163 = arith.addf %parallel_loop3A_152, %parallel_loop3A_158 : vector<16xf32>
        %parallel_loop3A_164 = arith.addf %parallel_loop3A_159, %parallel_loop3A_160 : vector<16xf32>
        %parallel_loop3A_165 = arith.addf %parallel_loop3A_161, %parallel_loop3A_162 : vector<16xf32>
        %parallel_loop3A_166 = arith.addf %parallel_loop3A_164, %parallel_loop3A_165 : vector<16xf32>
        %parallel_loop3A_167 = arith.addf %parallel_loop3A_166, %parallel_loop3A_163 : vector<16xf32>
        %parallel_loop3A_168 = vector.broadcast %parallel_loop3A_54 : f32 to vector<16xf32>
        %parallel_loop3A_169 = arith.mulf %parallel_loop3A_167, %parallel_loop3A_168 : vector<16xf32>
        %parallel_loop3A_170 = arith.index_cast %parallel_loop3A_96 : i32 to index
        %parallel_loop3A_171 = arith.constant 0 : index
        %parallel_loop3A_172 = tpu.vector_load %arg8[%parallel_loop3A_170, %parallel_loop3A_171] {strides = array<i32>} : memref<16x128xf32, #tpu.memory_space<vmem>>, vector<1x16xf32>,
        %parallel_loop3A_173 = vector.shape_cast %parallel_loop3A_172 : vector<1x16xf32> to vector<16xf32>
        %parallel_loop3A_174 = vector.shape_cast %parallel_loop3A_169 : vector<16xf32> to vector<1x16xf32>
        tpu.vector_store %arg8[%parallel_loop3A_170, %parallel_loop3A_171], %parallel_loop3A_174 {strides = array<i32>} : memref<16x128xf32, #tpu.memory_space<vmem>>, vector<1x16xf32>,
        %parallel_loop3A_175 = arith.constant 0 : i32
        %parallel_loop3A_176 = arith.addi %parallel_loop3A_98, %parallel_loop3A_175 : i32
        %parallel_loop3A_177 = arith.index_cast %parallel_loop3A_176 : i32 to index
        %parallel_loop3A_178 = arith.constant 16 : index
        %parallel_loop3A_179 = tpu.vector_load %arg6[%parallel_loop3A_177, %parallel_loop3A_178] {strides = array<i32>} : memref<160x128xf32, #tpu.memory_space<vmem>>, vector<1x16xf32>,
        %parallel_loop3A_180 = vector.shape_cast %parallel_loop3A_179 : vector<1x16xf32> to vector<16xf32>
        %parallel_loop3A_181 = arith.constant 1 : i32
        %parallel_loop3A_182 = arith.addi %parallel_loop3A_98, %parallel_loop3A_181 : i32
        %parallel_loop3A_183 = arith.index_cast %parallel_loop3A_182 : i32 to index
        %parallel_loop3A_184 = arith.constant 16 : index
        %parallel_loop3A_185 = tpu.vector_load %arg6[%parallel_loop3A_183, %parallel_loop3A_184] {strides = array<i32>} : memref<160x128xf32, #tpu.memory_space<vmem>>, vector<1x16xf32>,
        %parallel_loop3A_186 = vector.shape_cast %parallel_loop3A_185 : vector<1x16xf32> to vector<16xf32>
        %parallel_loop3A_187 = arith.constant 2 : i32
        %parallel_loop3A_188 = arith.addi %parallel_loop3A_98, %parallel_loop3A_187 : i32
        %parallel_loop3A_189 = arith.index_cast %parallel_loop3A_188 : i32 to index
        %parallel_loop3A_190 = arith.constant 16 : index
        %parallel_loop3A_191 = tpu.vector_load %arg6[%parallel_loop3A_189, %parallel_loop3A_190] {strides = array<i32>} : memref<160x128xf32, #tpu.memory_space<vmem>>, vector<1x16xf32>,
        %parallel_loop3A_192 = vector.shape_cast %parallel_loop3A_191 : vector<1x16xf32> to vector<16xf32>
        %parallel_loop3A_193 = arith.constant 3 : i32
        %parallel_loop3A_194 = arith.addi %parallel_loop3A_98, %parallel_loop3A_193 : i32
        %parallel_loop3A_195 = arith.index_cast %parallel_loop3A_194 : i32 to index
        %parallel_loop3A_196 = arith.constant 16 : index
        %parallel_loop3A_197 = tpu.vector_load %arg6[%parallel_loop3A_195, %parallel_loop3A_196] {strides = array<i32>} : memref<160x128xf32, #tpu.memory_space<vmem>>, vector<1x16xf32>,
        %parallel_loop3A_198 = vector.shape_cast %parallel_loop3A_197 : vector<1x16xf32> to vector<16xf32>
        %parallel_loop3A_199 = arith.constant 4 : i32
        %parallel_loop3A_200 = arith.addi %parallel_loop3A_98, %parallel_loop3A_199 : i32
        %parallel_loop3A_201 = arith.index_cast %parallel_loop3A_200 : i32 to index
        %parallel_loop3A_202 = arith.constant 16 : index
        %parallel_loop3A_203 = tpu.vector_load %arg6[%parallel_loop3A_201, %parallel_loop3A_202] {strides = array<i32>} : memref<160x128xf32, #tpu.memory_space<vmem>>, vector<1x16xf32>,
        %parallel_loop3A_204 = vector.shape_cast %parallel_loop3A_203 : vector<1x16xf32> to vector<16xf32>
        %parallel_loop3A_205 = arith.constant 5 : i32
        %parallel_loop3A_206 = arith.addi %parallel_loop3A_98, %parallel_loop3A_205 : i32
        %parallel_loop3A_207 = arith.index_cast %parallel_loop3A_206 : i32 to index
        %parallel_loop3A_208 = arith.constant 16 : index
        %parallel_loop3A_209 = tpu.vector_load %arg6[%parallel_loop3A_207, %parallel_loop3A_208] {strides = array<i32>} : memref<160x128xf32, #tpu.memory_space<vmem>>, vector<1x16xf32>,
        %parallel_loop3A_210 = vector.shape_cast %parallel_loop3A_209 : vector<1x16xf32> to vector<16xf32>
        %parallel_loop3A_211 = arith.constant 6 : i32
        %parallel_loop3A_212 = arith.addi %parallel_loop3A_98, %parallel_loop3A_211 : i32
        %parallel_loop3A_213 = arith.index_cast %parallel_loop3A_212 : i32 to index
        %parallel_loop3A_214 = arith.constant 16 : index
        %parallel_loop3A_215 = tpu.vector_load %arg6[%parallel_loop3A_213, %parallel_loop3A_214] {strides = array<i32>} : memref<160x128xf32, #tpu.memory_space<vmem>>, vector<1x16xf32>,
        %parallel_loop3A_216 = vector.shape_cast %parallel_loop3A_215 : vector<1x16xf32> to vector<16xf32>
        %parallel_loop3A_217 = arith.constant 7 : i32
        %parallel_loop3A_218 = arith.addi %parallel_loop3A_98, %parallel_loop3A_217 : i32
        %parallel_loop3A_219 = arith.index_cast %parallel_loop3A_218 : i32 to index
        %parallel_loop3A_220 = arith.constant 16 : index
        %parallel_loop3A_221 = tpu.vector_load %arg6[%parallel_loop3A_219, %parallel_loop3A_220] {strides = array<i32>} : memref<160x128xf32, #tpu.memory_space<vmem>>, vector<1x16xf32>,
        %parallel_loop3A_222 = vector.shape_cast %parallel_loop3A_221 : vector<1x16xf32> to vector<16xf32>
        %parallel_loop3A_223 = arith.constant 8 : i32
        %parallel_loop3A_224 = arith.addi %parallel_loop3A_98, %parallel_loop3A_223 : i32
        %parallel_loop3A_225 = arith.index_cast %parallel_loop3A_224 : i32 to index
        %parallel_loop3A_226 = arith.constant 16 : index
        %parallel_loop3A_227 = tpu.vector_load %arg6[%parallel_loop3A_225, %parallel_loop3A_226] {strides = array<i32>} : memref<160x128xf32, #tpu.memory_space<vmem>>, vector<1x16xf32>,
        %parallel_loop3A_228 = vector.shape_cast %parallel_loop3A_227 : vector<1x16xf32> to vector<16xf32>
        %parallel_loop3A_229 = arith.constant 9 : i32
        %parallel_loop3A_230 = arith.addi %parallel_loop3A_98, %parallel_loop3A_229 : i32
        %parallel_loop3A_231 = arith.index_cast %parallel_loop3A_230 : i32 to index
        %parallel_loop3A_232 = arith.constant 16 : index
        %parallel_loop3A_233 = tpu.vector_load %arg6[%parallel_loop3A_231, %parallel_loop3A_232] {strides = array<i32>} : memref<160x128xf32, #tpu.memory_space<vmem>>, vector<1x16xf32>,
        %parallel_loop3A_234 = vector.shape_cast %parallel_loop3A_233 : vector<1x16xf32> to vector<16xf32>
        %parallel_loop3A_235 = arith.addf %parallel_loop3A_180, %parallel_loop3A_186 : vector<16xf32>
        %parallel_loop3A_236 = arith.addf %parallel_loop3A_192, %parallel_loop3A_198 : vector<16xf32>
        %parallel_loop3A_237 = arith.addf %parallel_loop3A_204, %parallel_loop3A_210 : vector<16xf32>
        %parallel_loop3A_238 = arith.addf %parallel_loop3A_216, %parallel_loop3A_222 : vector<16xf32>
        %parallel_loop3A_239 = arith.addf %parallel_loop3A_228, %parallel_loop3A_234 : vector<16xf32>
        %parallel_loop3A_240 = arith.addf %parallel_loop3A_235, %parallel_loop3A_236 : vector<16xf32>
        %parallel_loop3A_241 = arith.addf %parallel_loop3A_237, %parallel_loop3A_238 : vector<16xf32>
        %parallel_loop3A_242 = arith.addf %parallel_loop3A_240, %parallel_loop3A_241 : vector<16xf32>
        %parallel_loop3A_243 = arith.addf %parallel_loop3A_242, %parallel_loop3A_239 : vector<16xf32>
        %parallel_loop3A_244 = vector.broadcast %parallel_loop3A_54 : f32 to vector<16xf32>
        %parallel_loop3A_245 = arith.mulf %parallel_loop3A_243, %parallel_loop3A_244 : vector<16xf32>
        %parallel_loop3A_246 = arith.index_cast %parallel_loop3A_96 : i32 to index
        %parallel_loop3A_247 = arith.constant 16 : index
        %parallel_loop3A_248 = tpu.vector_load %arg8[%parallel_loop3A_246, %parallel_loop3A_247] {strides = array<i32>} : memref<16x128xf32, #tpu.memory_space<vmem>>, vector<1x16xf32>,
        %parallel_loop3A_249 = vector.shape_cast %parallel_loop3A_248 : vector<1x16xf32> to vector<16xf32>
        %parallel_loop3A_250 = vector.shape_cast %parallel_loop3A_245 : vector<16xf32> to vector<1x16xf32>
        tpu.vector_store %arg8[%parallel_loop3A_246, %parallel_loop3A_247], %parallel_loop3A_250 {strides = array<i32>} : memref<16x128xf32, #tpu.memory_space<vmem>>, vector<1x16xf32>,
        %parallel_loop3A_251 = arith.constant 0 : i32
        %parallel_loop3A_252 = arith.addi %parallel_loop3A_98, %parallel_loop3A_251 : i32
        %parallel_loop3A_253 = arith.index_cast %parallel_loop3A_252 : i32 to index
        %parallel_loop3A_254 = arith.constant 32 : index
        %parallel_loop3A_255 = tpu.vector_load %arg6[%parallel_loop3A_253, %parallel_loop3A_254] {strides = array<i32>} : memref<160x128xf32, #tpu.memory_space<vmem>>, vector<1x16xf32>,
        %parallel_loop3A_256 = vector.shape_cast %parallel_loop3A_255 : vector<1x16xf32> to vector<16xf32>
        %parallel_loop3A_257 = arith.constant 1 : i32
        %parallel_loop3A_258 = arith.addi %parallel_loop3A_98, %parallel_loop3A_257 : i32
        %parallel_loop3A_259 = arith.index_cast %parallel_loop3A_258 : i32 to index
        %parallel_loop3A_260 = arith.constant 32 : index
        %parallel_loop3A_261 = tpu.vector_load %arg6[%parallel_loop3A_259, %parallel_loop3A_260] {strides = array<i32>} : memref<160x128xf32, #tpu.memory_space<vmem>>, vector<1x16xf32>,
        %parallel_loop3A_262 = vector.shape_cast %parallel_loop3A_261 : vector<1x16xf32> to vector<16xf32>
        %parallel_loop3A_263 = arith.constant 2 : i32
        %parallel_loop3A_264 = arith.addi %parallel_loop3A_98, %parallel_loop3A_263 : i32
        %parallel_loop3A_265 = arith.index_cast %parallel_loop3A_264 : i32 to index
        %parallel_loop3A_266 = arith.constant 32 : index
        %parallel_loop3A_267 = tpu.vector_load %arg6[%parallel_loop3A_265, %parallel_loop3A_266] {strides = array<i32>} : memref<160x128xf32, #tpu.memory_space<vmem>>, vector<1x16xf32>,
        %parallel_loop3A_268 = vector.shape_cast %parallel_loop3A_267 : vector<1x16xf32> to vector<16xf32>
        %parallel_loop3A_269 = arith.constant 3 : i32
        %parallel_loop3A_270 = arith.addi %parallel_loop3A_98, %parallel_loop3A_269 : i32
        %parallel_loop3A_271 = arith.index_cast %parallel_loop3A_270 : i32 to index
        %parallel_loop3A_272 = arith.constant 32 : index
        %parallel_loop3A_273 = tpu.vector_load %arg6[%parallel_loop3A_271, %parallel_loop3A_272] {strides = array<i32>} : memref<160x128xf32, #tpu.memory_space<vmem>>, vector<1x16xf32>,
        %parallel_loop3A_274 = vector.shape_cast %parallel_loop3A_273 : vector<1x16xf32> to vector<16xf32>
        %parallel_loop3A_275 = arith.constant 4 : i32
        %parallel_loop3A_276 = arith.addi %parallel_loop3A_98, %parallel_loop3A_275 : i32
        %parallel_loop3A_277 = arith.index_cast %parallel_loop3A_276 : i32 to index
        %parallel_loop3A_278 = arith.constant 32 : index
        %parallel_loop3A_279 = tpu.vector_load %arg6[%parallel_loop3A_277, %parallel_loop3A_278] {strides = array<i32>} : memref<160x128xf32, #tpu.memory_space<vmem>>, vector<1x16xf32>,
        %parallel_loop3A_280 = vector.shape_cast %parallel_loop3A_279 : vector<1x16xf32> to vector<16xf32>
        %parallel_loop3A_281 = arith.constant 5 : i32
        %parallel_loop3A_282 = arith.addi %parallel_loop3A_98, %parallel_loop3A_281 : i32
        %parallel_loop3A_283 = arith.index_cast %parallel_loop3A_282 : i32 to index
        %parallel_loop3A_284 = arith.constant 32 : index
        %parallel_loop3A_285 = tpu.vector_load %arg6[%parallel_loop3A_283, %parallel_loop3A_284] {strides = array<i32>} : memref<160x128xf32, #tpu.memory_space<vmem>>, vector<1x16xf32>,
        %parallel_loop3A_286 = vector.shape_cast %parallel_loop3A_285 : vector<1x16xf32> to vector<16xf32>
        %parallel_loop3A_287 = arith.constant 6 : i32
        %parallel_loop3A_288 = arith.addi %parallel_loop3A_98, %parallel_loop3A_287 : i32
        %parallel_loop3A_289 = arith.index_cast %parallel_loop3A_288 : i32 to index
        %parallel_loop3A_290 = arith.constant 32 : index
        %parallel_loop3A_291 = tpu.vector_load %arg6[%parallel_loop3A_289, %parallel_loop3A_290] {strides = array<i32>} : memref<160x128xf32, #tpu.memory_space<vmem>>, vector<1x16xf32>,
        %parallel_loop3A_292 = vector.shape_cast %parallel_loop3A_291 : vector<1x16xf32> to vector<16xf32>
        %parallel_loop3A_293 = arith.constant 7 : i32
        %parallel_loop3A_294 = arith.addi %parallel_loop3A_98, %parallel_loop3A_293 : i32
        %parallel_loop3A_295 = arith.index_cast %parallel_loop3A_294 : i32 to index
        %parallel_loop3A_296 = arith.constant 32 : index
        %parallel_loop3A_297 = tpu.vector_load %arg6[%parallel_loop3A_295, %parallel_loop3A_296] {strides = array<i32>} : memref<160x128xf32, #tpu.memory_space<vmem>>, vector<1x16xf32>,
        %parallel_loop3A_298 = vector.shape_cast %parallel_loop3A_297 : vector<1x16xf32> to vector<16xf32>
        %parallel_loop3A_299 = arith.constant 8 : i32
        %parallel_loop3A_300 = arith.addi %parallel_loop3A_98, %parallel_loop3A_299 : i32
        %parallel_loop3A_301 = arith.index_cast %parallel_loop3A_300 : i32 to index
        %parallel_loop3A_302 = arith.constant 32 : index
        %parallel_loop3A_303 = tpu.vector_load %arg6[%parallel_loop3A_301, %parallel_loop3A_302] {strides = array<i32>} : memref<160x128xf32, #tpu.memory_space<vmem>>, vector<1x16xf32>,
        %parallel_loop3A_304 = vector.shape_cast %parallel_loop3A_303 : vector<1x16xf32> to vector<16xf32>
        %parallel_loop3A_305 = arith.constant 9 : i32
        %parallel_loop3A_306 = arith.addi %parallel_loop3A_98, %parallel_loop3A_305 : i32
        %parallel_loop3A_307 = arith.index_cast %parallel_loop3A_306 : i32 to index
        %parallel_loop3A_308 = arith.constant 32 : index
        %parallel_loop3A_309 = tpu.vector_load %arg6[%parallel_loop3A_307, %parallel_loop3A_308] {strides = array<i32>} : memref<160x128xf32, #tpu.memory_space<vmem>>, vector<1x16xf32>,
        %parallel_loop3A_310 = vector.shape_cast %parallel_loop3A_309 : vector<1x16xf32> to vector<16xf32>
        %parallel_loop3A_311 = arith.addf %parallel_loop3A_256, %parallel_loop3A_262 : vector<16xf32>
        %parallel_loop3A_312 = arith.addf %parallel_loop3A_268, %parallel_loop3A_274 : vector<16xf32>
        %parallel_loop3A_313 = arith.addf %parallel_loop3A_280, %parallel_loop3A_286 : vector<16xf32>
        %parallel_loop3A_314 = arith.addf %parallel_loop3A_292, %parallel_loop3A_298 : vector<16xf32>
        %parallel_loop3A_315 = arith.addf %parallel_loop3A_304, %parallel_loop3A_310 : vector<16xf32>
        %parallel_loop3A_316 = arith.addf %parallel_loop3A_311, %parallel_loop3A_312 : vector<16xf32>
        %parallel_loop3A_317 = arith.addf %parallel_loop3A_313, %parallel_loop3A_314 : vector<16xf32>
        %parallel_loop3A_318 = arith.addf %parallel_loop3A_316, %parallel_loop3A_317 : vector<16xf32>
        %parallel_loop3A_319 = arith.addf %parallel_loop3A_318, %parallel_loop3A_315 : vector<16xf32>
        %parallel_loop3A_320 = vector.broadcast %parallel_loop3A_54 : f32 to vector<16xf32>
        %parallel_loop3A_321 = arith.mulf %parallel_loop3A_319, %parallel_loop3A_320 : vector<16xf32>
        %parallel_loop3A_322 = arith.index_cast %parallel_loop3A_96 : i32 to index
        %parallel_loop3A_323 = arith.constant 32 : index
        %parallel_loop3A_324 = tpu.vector_load %arg8[%parallel_loop3A_322, %parallel_loop3A_323] {strides = array<i32>} : memref<16x128xf32, #tpu.memory_space<vmem>>, vector<1x16xf32>,
        %parallel_loop3A_325 = vector.shape_cast %parallel_loop3A_324 : vector<1x16xf32> to vector<16xf32>
        %parallel_loop3A_326 = vector.shape_cast %parallel_loop3A_321 : vector<16xf32> to vector<1x16xf32>
        tpu.vector_store %arg8[%parallel_loop3A_322, %parallel_loop3A_323], %parallel_loop3A_326 {strides = array<i32>} : memref<16x128xf32, #tpu.memory_space<vmem>>, vector<1x16xf32>,
        %parallel_loop3A_327 = arith.constant 0 : i32
        %parallel_loop3A_328 = arith.addi %parallel_loop3A_98, %parallel_loop3A_327 : i32
        %parallel_loop3A_329 = arith.index_cast %parallel_loop3A_328 : i32 to index
        %parallel_loop3A_330 = arith.constant 48 : index
        %parallel_loop3A_331 = tpu.vector_load %arg6[%parallel_loop3A_329, %parallel_loop3A_330] {strides = array<i32>} : memref<160x128xf32, #tpu.memory_space<vmem>>, vector<1x16xf32>,
        %parallel_loop3A_332 = vector.shape_cast %parallel_loop3A_331 : vector<1x16xf32> to vector<16xf32>
        %parallel_loop3A_333 = arith.constant 1 : i32
        %parallel_loop3A_334 = arith.addi %parallel_loop3A_98, %parallel_loop3A_333 : i32
        %parallel_loop3A_335 = arith.index_cast %parallel_loop3A_334 : i32 to index
        %parallel_loop3A_336 = arith.constant 48 : index
        %parallel_loop3A_337 = tpu.vector_load %arg6[%parallel_loop3A_335, %parallel_loop3A_336] {strides = array<i32>} : memref<160x128xf32, #tpu.memory_space<vmem>>, vector<1x16xf32>,
        %parallel_loop3A_338 = vector.shape_cast %parallel_loop3A_337 : vector<1x16xf32> to vector<16xf32>
        %parallel_loop3A_339 = arith.constant 2 : i32
        %parallel_loop3A_340 = arith.addi %parallel_loop3A_98, %parallel_loop3A_339 : i32
        %parallel_loop3A_341 = arith.index_cast %parallel_loop3A_340 : i32 to index
        %parallel_loop3A_342 = arith.constant 48 : index
        %parallel_loop3A_343 = tpu.vector_load %arg6[%parallel_loop3A_341, %parallel_loop3A_342] {strides = array<i32>} : memref<160x128xf32, #tpu.memory_space<vmem>>, vector<1x16xf32>,
        %parallel_loop3A_344 = vector.shape_cast %parallel_loop3A_343 : vector<1x16xf32> to vector<16xf32>
        %parallel_loop3A_345 = arith.constant 3 : i32
        %parallel_loop3A_346 = arith.addi %parallel_loop3A_98, %parallel_loop3A_345 : i32
        %parallel_loop3A_347 = arith.index_cast %parallel_loop3A_346 : i32 to index
        %parallel_loop3A_348 = arith.constant 48 : index
        %parallel_loop3A_349 = tpu.vector_load %arg6[%parallel_loop3A_347, %parallel_loop3A_348] {strides = array<i32>} : memref<160x128xf32, #tpu.memory_space<vmem>>, vector<1x16xf32>,
        %parallel_loop3A_350 = vector.shape_cast %parallel_loop3A_349 : vector<1x16xf32> to vector<16xf32>
        %parallel_loop3A_351 = arith.constant 4 : i32
        %parallel_loop3A_352 = arith.addi %parallel_loop3A_98, %parallel_loop3A_351 : i32
        %parallel_loop3A_353 = arith.index_cast %parallel_loop3A_352 : i32 to index
        %parallel_loop3A_354 = arith.constant 48 : index
        %parallel_loop3A_355 = tpu.vector_load %arg6[%parallel_loop3A_353, %parallel_loop3A_354] {strides = array<i32>} : memref<160x128xf32, #tpu.memory_space<vmem>>, vector<1x16xf32>,
        %parallel_loop3A_356 = vector.shape_cast %parallel_loop3A_355 : vector<1x16xf32> to vector<16xf32>
        %parallel_loop3A_357 = arith.constant 5 : i32
        %parallel_loop3A_358 = arith.addi %parallel_loop3A_98, %parallel_loop3A_357 : i32
        %parallel_loop3A_359 = arith.index_cast %parallel_loop3A_358 : i32 to index
        %parallel_loop3A_360 = arith.constant 48 : index
        %parallel_loop3A_361 = tpu.vector_load %arg6[%parallel_loop3A_359, %parallel_loop3A_360] {strides = array<i32>} : memref<160x128xf32, #tpu.memory_space<vmem>>, vector<1x16xf32>,
        %parallel_loop3A_362 = vector.shape_cast %parallel_loop3A_361 : vector<1x16xf32> to vector<16xf32>
        %parallel_loop3A_363 = arith.constant 6 : i32
        %parallel_loop3A_364 = arith.addi %parallel_loop3A_98, %parallel_loop3A_363 : i32
        %parallel_loop3A_365 = arith.index_cast %parallel_loop3A_364 : i32 to index
        %parallel_loop3A_366 = arith.constant 48 : index
        %parallel_loop3A_367 = tpu.vector_load %arg6[%parallel_loop3A_365, %parallel_loop3A_366] {strides = array<i32>} : memref<160x128xf32, #tpu.memory_space<vmem>>, vector<1x16xf32>,
        %parallel_loop3A_368 = vector.shape_cast %parallel_loop3A_367 : vector<1x16xf32> to vector<16xf32>
        %parallel_loop3A_369 = arith.constant 7 : i32
        %parallel_loop3A_370 = arith.addi %parallel_loop3A_98, %parallel_loop3A_369 : i32
        %parallel_loop3A_371 = arith.index_cast %parallel_loop3A_370 : i32 to index
        %parallel_loop3A_372 = arith.constant 48 : index
        %parallel_loop3A_373 = tpu.vector_load %arg6[%parallel_loop3A_371, %parallel_loop3A_372] {strides = array<i32>} : memref<160x128xf32, #tpu.memory_space<vmem>>, vector<1x16xf32>,
        %parallel_loop3A_374 = vector.shape_cast %parallel_loop3A_373 : vector<1x16xf32> to vector<16xf32>
        %parallel_loop3A_375 = arith.constant 8 : i32
        %parallel_loop3A_376 = arith.addi %parallel_loop3A_98, %parallel_loop3A_375 : i32
        %parallel_loop3A_377 = arith.index_cast %parallel_loop3A_376 : i32 to index
        %parallel_loop3A_378 = arith.constant 48 : index
        %parallel_loop3A_379 = tpu.vector_load %arg6[%parallel_loop3A_377, %parallel_loop3A_378] {strides = array<i32>} : memref<160x128xf32, #tpu.memory_space<vmem>>, vector<1x16xf32>,
        %parallel_loop3A_380 = vector.shape_cast %parallel_loop3A_379 : vector<1x16xf32> to vector<16xf32>
        %parallel_loop3A_381 = arith.constant 9 : i32
        %parallel_loop3A_382 = arith.addi %parallel_loop3A_98, %parallel_loop3A_381 : i32
        %parallel_loop3A_383 = arith.index_cast %parallel_loop3A_382 : i32 to index
        %parallel_loop3A_384 = arith.constant 48 : index
        %parallel_loop3A_385 = tpu.vector_load %arg6[%parallel_loop3A_383, %parallel_loop3A_384] {strides = array<i32>} : memref<160x128xf32, #tpu.memory_space<vmem>>, vector<1x16xf32>,
        %parallel_loop3A_386 = vector.shape_cast %parallel_loop3A_385 : vector<1x16xf32> to vector<16xf32>
        %parallel_loop3A_387 = arith.addf %parallel_loop3A_332, %parallel_loop3A_338 : vector<16xf32>
        %parallel_loop3A_388 = arith.addf %parallel_loop3A_344, %parallel_loop3A_350 : vector<16xf32>
        %parallel_loop3A_389 = arith.addf %parallel_loop3A_356, %parallel_loop3A_362 : vector<16xf32>
        %parallel_loop3A_390 = arith.addf %parallel_loop3A_368, %parallel_loop3A_374 : vector<16xf32>
        %parallel_loop3A_391 = arith.addf %parallel_loop3A_380, %parallel_loop3A_386 : vector<16xf32>
        %parallel_loop3A_392 = arith.addf %parallel_loop3A_387, %parallel_loop3A_388 : vector<16xf32>
        %parallel_loop3A_393 = arith.addf %parallel_loop3A_389, %parallel_loop3A_390 : vector<16xf32>
        %parallel_loop3A_394 = arith.addf %parallel_loop3A_392, %parallel_loop3A_393 : vector<16xf32>
        %parallel_loop3A_395 = arith.addf %parallel_loop3A_394, %parallel_loop3A_391 : vector<16xf32>
        %parallel_loop3A_396 = vector.broadcast %parallel_loop3A_54 : f32 to vector<16xf32>
        %parallel_loop3A_397 = arith.mulf %parallel_loop3A_395, %parallel_loop3A_396 : vector<16xf32>
        %parallel_loop3A_398 = arith.index_cast %parallel_loop3A_96 : i32 to index
        %parallel_loop3A_399 = arith.constant 48 : index
        %parallel_loop3A_400 = tpu.vector_load %arg8[%parallel_loop3A_398, %parallel_loop3A_399] {strides = array<i32>} : memref<16x128xf32, #tpu.memory_space<vmem>>, vector<1x16xf32>,
        %parallel_loop3A_401 = vector.shape_cast %parallel_loop3A_400 : vector<1x16xf32> to vector<16xf32>
        %parallel_loop3A_402 = vector.shape_cast %parallel_loop3A_397 : vector<16xf32> to vector<1x16xf32>
        tpu.vector_store %arg8[%parallel_loop3A_398, %parallel_loop3A_399], %parallel_loop3A_402 {strides = array<i32>} : memref<16x128xf32, #tpu.memory_space<vmem>>, vector<1x16xf32>,
        %parallel_loop3A_403 = arith.constant 0 : i32
        %parallel_loop3A_404 = arith.addi %parallel_loop3A_98, %parallel_loop3A_403 : i32
        %parallel_loop3A_405 = arith.index_cast %parallel_loop3A_404 : i32 to index
        %parallel_loop3A_406 = arith.constant 64 : index
        %parallel_loop3A_407 = tpu.vector_load %arg6[%parallel_loop3A_405, %parallel_loop3A_406] {strides = array<i32>} : memref<160x128xf32, #tpu.memory_space<vmem>>, vector<1x16xf32>,
        %parallel_loop3A_408 = vector.shape_cast %parallel_loop3A_407 : vector<1x16xf32> to vector<16xf32>
        %parallel_loop3A_409 = arith.constant 1 : i32
        %parallel_loop3A_410 = arith.addi %parallel_loop3A_98, %parallel_loop3A_409 : i32
        %parallel_loop3A_411 = arith.index_cast %parallel_loop3A_410 : i32 to index
        %parallel_loop3A_412 = arith.constant 64 : index
        %parallel_loop3A_413 = tpu.vector_load %arg6[%parallel_loop3A_411, %parallel_loop3A_412] {strides = array<i32>} : memref<160x128xf32, #tpu.memory_space<vmem>>, vector<1x16xf32>,
        %parallel_loop3A_414 = vector.shape_cast %parallel_loop3A_413 : vector<1x16xf32> to vector<16xf32>
        %parallel_loop3A_415 = arith.constant 2 : i32
        %parallel_loop3A_416 = arith.addi %parallel_loop3A_98, %parallel_loop3A_415 : i32
        %parallel_loop3A_417 = arith.index_cast %parallel_loop3A_416 : i32 to index
        %parallel_loop3A_418 = arith.constant 64 : index
        %parallel_loop3A_419 = tpu.vector_load %arg6[%parallel_loop3A_417, %parallel_loop3A_418] {strides = array<i32>} : memref<160x128xf32, #tpu.memory_space<vmem>>, vector<1x16xf32>,
        %parallel_loop3A_420 = vector.shape_cast %parallel_loop3A_419 : vector<1x16xf32> to vector<16xf32>
        %parallel_loop3A_421 = arith.constant 3 : i32
        %parallel_loop3A_422 = arith.addi %parallel_loop3A_98, %parallel_loop3A_421 : i32
        %parallel_loop3A_423 = arith.index_cast %parallel_loop3A_422 : i32 to index
        %parallel_loop3A_424 = arith.constant 64 : index
        %parallel_loop3A_425 = tpu.vector_load %arg6[%parallel_loop3A_423, %parallel_loop3A_424] {strides = array<i32>} : memref<160x128xf32, #tpu.memory_space<vmem>>, vector<1x16xf32>,
        %parallel_loop3A_426 = vector.shape_cast %parallel_loop3A_425 : vector<1x16xf32> to vector<16xf32>
        %parallel_loop3A_427 = arith.constant 4 : i32
        %parallel_loop3A_428 = arith.addi %parallel_loop3A_98, %parallel_loop3A_427 : i32
        %parallel_loop3A_429 = arith.index_cast %parallel_loop3A_428 : i32 to index
        %parallel_loop3A_430 = arith.constant 64 : index
        %parallel_loop3A_431 = tpu.vector_load %arg6[%parallel_loop3A_429, %parallel_loop3A_430] {strides = array<i32>} : memref<160x128xf32, #tpu.memory_space<vmem>>, vector<1x16xf32>,
        %parallel_loop3A_432 = vector.shape_cast %parallel_loop3A_431 : vector<1x16xf32> to vector<16xf32>
        %parallel_loop3A_433 = arith.constant 5 : i32
        %parallel_loop3A_434 = arith.addi %parallel_loop3A_98, %parallel_loop3A_433 : i32
        %parallel_loop3A_435 = arith.index_cast %parallel_loop3A_434 : i32 to index
        %parallel_loop3A_436 = arith.constant 64 : index
        %parallel_loop3A_437 = tpu.vector_load %arg6[%parallel_loop3A_435, %parallel_loop3A_436] {strides = array<i32>} : memref<160x128xf32, #tpu.memory_space<vmem>>, vector<1x16xf32>,
        %parallel_loop3A_438 = vector.shape_cast %parallel_loop3A_437 : vector<1x16xf32> to vector<16xf32>
        %parallel_loop3A_439 = arith.constant 6 : i32
        %parallel_loop3A_440 = arith.addi %parallel_loop3A_98, %parallel_loop3A_439 : i32
        %parallel_loop3A_441 = arith.index_cast %parallel_loop3A_440 : i32 to index
        %parallel_loop3A_442 = arith.constant 64 : index
        %parallel_loop3A_443 = tpu.vector_load %arg6[%parallel_loop3A_441, %parallel_loop3A_442] {strides = array<i32>} : memref<160x128xf32, #tpu.memory_space<vmem>>, vector<1x16xf32>,
        %parallel_loop3A_444 = vector.shape_cast %parallel_loop3A_443 : vector<1x16xf32> to vector<16xf32>
        %parallel_loop3A_445 = arith.constant 7 : i32
        %parallel_loop3A_446 = arith.addi %parallel_loop3A_98, %parallel_loop3A_445 : i32
        %parallel_loop3A_447 = arith.index_cast %parallel_loop3A_446 : i32 to index
        %parallel_loop3A_448 = arith.constant 64 : index
        %parallel_loop3A_449 = tpu.vector_load %arg6[%parallel_loop3A_447, %parallel_loop3A_448] {strides = array<i32>} : memref<160x128xf32, #tpu.memory_space<vmem>>, vector<1x16xf32>,
        %parallel_loop3A_450 = vector.shape_cast %parallel_loop3A_449 : vector<1x16xf32> to vector<16xf32>
        %parallel_loop3A_451 = arith.constant 8 : i32
        %parallel_loop3A_452 = arith.addi %parallel_loop3A_98, %parallel_loop3A_451 : i32
        %parallel_loop3A_453 = arith.index_cast %parallel_loop3A_452 : i32 to index
        %parallel_loop3A_454 = arith.constant 64 : index
        %parallel_loop3A_455 = tpu.vector_load %arg6[%parallel_loop3A_453, %parallel_loop3A_454] {strides = array<i32>} : memref<160x128xf32, #tpu.memory_space<vmem>>, vector<1x16xf32>,
        %parallel_loop3A_456 = vector.shape_cast %parallel_loop3A_455 : vector<1x16xf32> to vector<16xf32>
        %parallel_loop3A_457 = arith.constant 9 : i32
        %parallel_loop3A_458 = arith.addi %parallel_loop3A_98, %parallel_loop3A_457 : i32
        %parallel_loop3A_459 = arith.index_cast %parallel_loop3A_458 : i32 to index
        %parallel_loop3A_460 = arith.constant 64 : index
        %parallel_loop3A_461 = tpu.vector_load %arg6[%parallel_loop3A_459, %parallel_loop3A_460] {strides = array<i32>} : memref<160x128xf32, #tpu.memory_space<vmem>>, vector<1x16xf32>,
        %parallel_loop3A_462 = vector.shape_cast %parallel_loop3A_461 : vector<1x16xf32> to vector<16xf32>
        %parallel_loop3A_463 = arith.addf %parallel_loop3A_408, %parallel_loop3A_414 : vector<16xf32>
        %parallel_loop3A_464 = arith.addf %parallel_loop3A_420, %parallel_loop3A_426 : vector<16xf32>
        %parallel_loop3A_465 = arith.addf %parallel_loop3A_432, %parallel_loop3A_438 : vector<16xf32>
        %parallel_loop3A_466 = arith.addf %parallel_loop3A_444, %parallel_loop3A_450 : vector<16xf32>
        %parallel_loop3A_467 = arith.addf %parallel_loop3A_456, %parallel_loop3A_462 : vector<16xf32>
        %parallel_loop3A_468 = arith.addf %parallel_loop3A_463, %parallel_loop3A_464 : vector<16xf32>
        %parallel_loop3A_469 = arith.addf %parallel_loop3A_465, %parallel_loop3A_466 : vector<16xf32>
        %parallel_loop3A_470 = arith.addf %parallel_loop3A_468, %parallel_loop3A_469 : vector<16xf32>
        %parallel_loop3A_471 = arith.addf %parallel_loop3A_470, %parallel_loop3A_467 : vector<16xf32>
        %parallel_loop3A_472 = vector.broadcast %parallel_loop3A_54 : f32 to vector<16xf32>
        %parallel_loop3A_473 = arith.mulf %parallel_loop3A_471, %parallel_loop3A_472 : vector<16xf32>
        %parallel_loop3A_474 = arith.index_cast %parallel_loop3A_96 : i32 to index
        %parallel_loop3A_475 = arith.constant 64 : index
        %parallel_loop3A_476 = tpu.vector_load %arg8[%parallel_loop3A_474, %parallel_loop3A_475] {strides = array<i32>} : memref<16x128xf32, #tpu.memory_space<vmem>>, vector<1x16xf32>,
        %parallel_loop3A_477 = vector.shape_cast %parallel_loop3A_476 : vector<1x16xf32> to vector<16xf32>
        %parallel_loop3A_478 = vector.shape_cast %parallel_loop3A_473 : vector<16xf32> to vector<1x16xf32>
        tpu.vector_store %arg8[%parallel_loop3A_474, %parallel_loop3A_475], %parallel_loop3A_478 {strides = array<i32>} : memref<16x128xf32, #tpu.memory_space<vmem>>, vector<1x16xf32>,
        %parallel_loop3A_479 = arith.constant 0 : i32
        %parallel_loop3A_480 = arith.addi %parallel_loop3A_98, %parallel_loop3A_479 : i32
        %parallel_loop3A_481 = arith.index_cast %parallel_loop3A_480 : i32 to index
        %parallel_loop3A_482 = arith.constant 80 : index
        %parallel_loop3A_483 = tpu.vector_load %arg6[%parallel_loop3A_481, %parallel_loop3A_482] {strides = array<i32>} : memref<160x128xf32, #tpu.memory_space<vmem>>, vector<1x16xf32>,
        %parallel_loop3A_484 = vector.shape_cast %parallel_loop3A_483 : vector<1x16xf32> to vector<16xf32>
        %parallel_loop3A_485 = arith.constant 1 : i32
        %parallel_loop3A_486 = arith.addi %parallel_loop3A_98, %parallel_loop3A_485 : i32
        %parallel_loop3A_487 = arith.index_cast %parallel_loop3A_486 : i32 to index
        %parallel_loop3A_488 = arith.constant 80 : index
        %parallel_loop3A_489 = tpu.vector_load %arg6[%parallel_loop3A_487, %parallel_loop3A_488] {strides = array<i32>} : memref<160x128xf32, #tpu.memory_space<vmem>>, vector<1x16xf32>,
        %parallel_loop3A_490 = vector.shape_cast %parallel_loop3A_489 : vector<1x16xf32> to vector<16xf32>
        %parallel_loop3A_491 = arith.constant 2 : i32
        %parallel_loop3A_492 = arith.addi %parallel_loop3A_98, %parallel_loop3A_491 : i32
        %parallel_loop3A_493 = arith.index_cast %parallel_loop3A_492 : i32 to index
        %parallel_loop3A_494 = arith.constant 80 : index
        %parallel_loop3A_495 = tpu.vector_load %arg6[%parallel_loop3A_493, %parallel_loop3A_494] {strides = array<i32>} : memref<160x128xf32, #tpu.memory_space<vmem>>, vector<1x16xf32>,
        %parallel_loop3A_496 = vector.shape_cast %parallel_loop3A_495 : vector<1x16xf32> to vector<16xf32>
        %parallel_loop3A_497 = arith.constant 3 : i32
        %parallel_loop3A_498 = arith.addi %parallel_loop3A_98, %parallel_loop3A_497 : i32
        %parallel_loop3A_499 = arith.index_cast %parallel_loop3A_498 : i32 to index
        %parallel_loop3A_500 = arith.constant 80 : index
        %parallel_loop3A_501 = tpu.vector_load %arg6[%parallel_loop3A_499, %parallel_loop3A_500] {strides = array<i32>} : memref<160x128xf32, #tpu.memory_space<vmem>>, vector<1x16xf32>,
        %parallel_loop3A_502 = vector.shape_cast %parallel_loop3A_501 : vector<1x16xf32> to vector<16xf32>
        %parallel_loop3A_503 = arith.constant 4 : i32
        %parallel_loop3A_504 = arith.addi %parallel_loop3A_98, %parallel_loop3A_503 : i32
        %parallel_loop3A_505 = arith.index_cast %parallel_loop3A_504 : i32 to index
        %parallel_loop3A_506 = arith.constant 80 : index
        %parallel_loop3A_507 = tpu.vector_load %arg6[%parallel_loop3A_505, %parallel_loop3A_506] {strides = array<i32>} : memref<160x128xf32, #tpu.memory_space<vmem>>, vector<1x16xf32>,
        %parallel_loop3A_508 = vector.shape_cast %parallel_loop3A_507 : vector<1x16xf32> to vector<16xf32>
        %parallel_loop3A_509 = arith.constant 5 : i32
        %parallel_loop3A_510 = arith.addi %parallel_loop3A_98, %parallel_loop3A_509 : i32
        %parallel_loop3A_511 = arith.index_cast %parallel_loop3A_510 : i32 to index
        %parallel_loop3A_512 = arith.constant 80 : index
        %parallel_loop3A_513 = tpu.vector_load %arg6[%parallel_loop3A_511, %parallel_loop3A_512] {strides = array<i32>} : memref<160x128xf32, #tpu.memory_space<vmem>>, vector<1x16xf32>,
        %parallel_loop3A_514 = vector.shape_cast %parallel_loop3A_513 : vector<1x16xf32> to vector<16xf32>
        %parallel_loop3A_515 = arith.constant 6 : i32
        %parallel_loop3A_516 = arith.addi %parallel_loop3A_98, %parallel_loop3A_515 : i32
        %parallel_loop3A_517 = arith.index_cast %parallel_loop3A_516 : i32 to index
        %parallel_loop3A_518 = arith.constant 80 : index
        %parallel_loop3A_519 = tpu.vector_load %arg6[%parallel_loop3A_517, %parallel_loop3A_518] {strides = array<i32>} : memref<160x128xf32, #tpu.memory_space<vmem>>, vector<1x16xf32>,
        %parallel_loop3A_520 = vector.shape_cast %parallel_loop3A_519 : vector<1x16xf32> to vector<16xf32>
        %parallel_loop3A_521 = arith.constant 7 : i32
        %parallel_loop3A_522 = arith.addi %parallel_loop3A_98, %parallel_loop3A_521 : i32
        %parallel_loop3A_523 = arith.index_cast %parallel_loop3A_522 : i32 to index
        %parallel_loop3A_524 = arith.constant 80 : index
        %parallel_loop3A_525 = tpu.vector_load %arg6[%parallel_loop3A_523, %parallel_loop3A_524] {strides = array<i32>} : memref<160x128xf32, #tpu.memory_space<vmem>>, vector<1x16xf32>,
        %parallel_loop3A_526 = vector.shape_cast %parallel_loop3A_525 : vector<1x16xf32> to vector<16xf32>
        %parallel_loop3A_527 = arith.constant 8 : i32
        %parallel_loop3A_528 = arith.addi %parallel_loop3A_98, %parallel_loop3A_527 : i32
        %parallel_loop3A_529 = arith.index_cast %parallel_loop3A_528 : i32 to index
        %parallel_loop3A_530 = arith.constant 80 : index
        %parallel_loop3A_531 = tpu.vector_load %arg6[%parallel_loop3A_529, %parallel_loop3A_530] {strides = array<i32>} : memref<160x128xf32, #tpu.memory_space<vmem>>, vector<1x16xf32>,
        %parallel_loop3A_532 = vector.shape_cast %parallel_loop3A_531 : vector<1x16xf32> to vector<16xf32>
        %parallel_loop3A_533 = arith.constant 9 : i32
        %parallel_loop3A_534 = arith.addi %parallel_loop3A_98, %parallel_loop3A_533 : i32
        %parallel_loop3A_535 = arith.index_cast %parallel_loop3A_534 : i32 to index
        %parallel_loop3A_536 = arith.constant 80 : index
        %parallel_loop3A_537 = tpu.vector_load %arg6[%parallel_loop3A_535, %parallel_loop3A_536] {strides = array<i32>} : memref<160x128xf32, #tpu.memory_space<vmem>>, vector<1x16xf32>,
        %parallel_loop3A_538 = vector.shape_cast %parallel_loop3A_537 : vector<1x16xf32> to vector<16xf32>
        %parallel_loop3A_539 = arith.addf %parallel_loop3A_484, %parallel_loop3A_490 : vector<16xf32>
        %parallel_loop3A_540 = arith.addf %parallel_loop3A_496, %parallel_loop3A_502 : vector<16xf32>
        %parallel_loop3A_541 = arith.addf %parallel_loop3A_508, %parallel_loop3A_514 : vector<16xf32>
        %parallel_loop3A_542 = arith.addf %parallel_loop3A_520, %parallel_loop3A_526 : vector<16xf32>
        %parallel_loop3A_543 = arith.addf %parallel_loop3A_532, %parallel_loop3A_538 : vector<16xf32>
        %parallel_loop3A_544 = arith.addf %parallel_loop3A_539, %parallel_loop3A_540 : vector<16xf32>
        %parallel_loop3A_545 = arith.addf %parallel_loop3A_541, %parallel_loop3A_542 : vector<16xf32>
        %parallel_loop3A_546 = arith.addf %parallel_loop3A_544, %parallel_loop3A_545 : vector<16xf32>
        %parallel_loop3A_547 = arith.addf %parallel_loop3A_546, %parallel_loop3A_543 : vector<16xf32>
        %parallel_loop3A_548 = vector.broadcast %parallel_loop3A_54 : f32 to vector<16xf32>
        %parallel_loop3A_549 = arith.mulf %parallel_loop3A_547, %parallel_loop3A_548 : vector<16xf32>
        %parallel_loop3A_550 = arith.index_cast %parallel_loop3A_96 : i32 to index
        %parallel_loop3A_551 = arith.constant 80 : index
        %parallel_loop3A_552 = tpu.vector_load %arg8[%parallel_loop3A_550, %parallel_loop3A_551] {strides = array<i32>} : memref<16x128xf32, #tpu.memory_space<vmem>>, vector<1x16xf32>,
        %parallel_loop3A_553 = vector.shape_cast %parallel_loop3A_552 : vector<1x16xf32> to vector<16xf32>
        %parallel_loop3A_554 = vector.shape_cast %parallel_loop3A_549 : vector<16xf32> to vector<1x16xf32>
        tpu.vector_store %arg8[%parallel_loop3A_550, %parallel_loop3A_551], %parallel_loop3A_554 {strides = array<i32>} : memref<16x128xf32, #tpu.memory_space<vmem>>, vector<1x16xf32>,
        %parallel_loop3A_555 = arith.constant 0 : i32
        %parallel_loop3A_556 = arith.addi %parallel_loop3A_98, %parallel_loop3A_555 : i32
        %parallel_loop3A_557 = arith.index_cast %parallel_loop3A_556 : i32 to index
        %parallel_loop3A_558 = arith.constant 96 : index
        %parallel_loop3A_559 = tpu.vector_load %arg6[%parallel_loop3A_557, %parallel_loop3A_558] {strides = array<i32>} : memref<160x128xf32, #tpu.memory_space<vmem>>, vector<1x16xf32>,
        %parallel_loop3A_560 = vector.shape_cast %parallel_loop3A_559 : vector<1x16xf32> to vector<16xf32>
        %parallel_loop3A_561 = arith.constant 1 : i32
        %parallel_loop3A_562 = arith.addi %parallel_loop3A_98, %parallel_loop3A_561 : i32
        %parallel_loop3A_563 = arith.index_cast %parallel_loop3A_562 : i32 to index
        %parallel_loop3A_564 = arith.constant 96 : index
        %parallel_loop3A_565 = tpu.vector_load %arg6[%parallel_loop3A_563, %parallel_loop3A_564] {strides = array<i32>} : memref<160x128xf32, #tpu.memory_space<vmem>>, vector<1x16xf32>,
        %parallel_loop3A_566 = vector.shape_cast %parallel_loop3A_565 : vector<1x16xf32> to vector<16xf32>
        %parallel_loop3A_567 = arith.constant 2 : i32
        %parallel_loop3A_568 = arith.addi %parallel_loop3A_98, %parallel_loop3A_567 : i32
        %parallel_loop3A_569 = arith.index_cast %parallel_loop3A_568 : i32 to index
        %parallel_loop3A_570 = arith.constant 96 : index
        %parallel_loop3A_571 = tpu.vector_load %arg6[%parallel_loop3A_569, %parallel_loop3A_570] {strides = array<i32>} : memref<160x128xf32, #tpu.memory_space<vmem>>, vector<1x16xf32>,
        %parallel_loop3A_572 = vector.shape_cast %parallel_loop3A_571 : vector<1x16xf32> to vector<16xf32>
        %parallel_loop3A_573 = arith.constant 3 : i32
        %parallel_loop3A_574 = arith.addi %parallel_loop3A_98, %parallel_loop3A_573 : i32
        %parallel_loop3A_575 = arith.index_cast %parallel_loop3A_574 : i32 to index
        %parallel_loop3A_576 = arith.constant 96 : index
        %parallel_loop3A_577 = tpu.vector_load %arg6[%parallel_loop3A_575, %parallel_loop3A_576] {strides = array<i32>} : memref<160x128xf32, #tpu.memory_space<vmem>>, vector<1x16xf32>,
        %parallel_loop3A_578 = vector.shape_cast %parallel_loop3A_577 : vector<1x16xf32> to vector<16xf32>
        %parallel_loop3A_579 = arith.constant 4 : i32
        %parallel_loop3A_580 = arith.addi %parallel_loop3A_98, %parallel_loop3A_579 : i32
        %parallel_loop3A_581 = arith.index_cast %parallel_loop3A_580 : i32 to index
        %parallel_loop3A_582 = arith.constant 96 : index
        %parallel_loop3A_583 = tpu.vector_load %arg6[%parallel_loop3A_581, %parallel_loop3A_582] {strides = array<i32>} : memref<160x128xf32, #tpu.memory_space<vmem>>, vector<1x16xf32>,
        %parallel_loop3A_584 = vector.shape_cast %parallel_loop3A_583 : vector<1x16xf32> to vector<16xf32>
        %parallel_loop3A_585 = arith.constant 5 : i32
        %parallel_loop3A_586 = arith.addi %parallel_loop3A_98, %parallel_loop3A_585 : i32
        %parallel_loop3A_587 = arith.index_cast %parallel_loop3A_586 : i32 to index
        %parallel_loop3A_588 = arith.constant 96 : index
        %parallel_loop3A_589 = tpu.vector_load %arg6[%parallel_loop3A_587, %parallel_loop3A_588] {strides = array<i32>} : memref<160x128xf32, #tpu.memory_space<vmem>>, vector<1x16xf32>,
        %parallel_loop3A_590 = vector.shape_cast %parallel_loop3A_589 : vector<1x16xf32> to vector<16xf32>
        %parallel_loop3A_591 = arith.constant 6 : i32
        %parallel_loop3A_592 = arith.addi %parallel_loop3A_98, %parallel_loop3A_591 : i32
        %parallel_loop3A_593 = arith.index_cast %parallel_loop3A_592 : i32 to index
        %parallel_loop3A_594 = arith.constant 96 : index
        %parallel_loop3A_595 = tpu.vector_load %arg6[%parallel_loop3A_593, %parallel_loop3A_594] {strides = array<i32>} : memref<160x128xf32, #tpu.memory_space<vmem>>, vector<1x16xf32>,
        %parallel_loop3A_596 = vector.shape_cast %parallel_loop3A_595 : vector<1x16xf32> to vector<16xf32>
        %parallel_loop3A_597 = arith.constant 7 : i32
        %parallel_loop3A_598 = arith.addi %parallel_loop3A_98, %parallel_loop3A_597 : i32
        %parallel_loop3A_599 = arith.index_cast %parallel_loop3A_598 : i32 to index
        %parallel_loop3A_600 = arith.constant 96 : index
        %parallel_loop3A_601 = tpu.vector_load %arg6[%parallel_loop3A_599, %parallel_loop3A_600] {strides = array<i32>} : memref<160x128xf32, #tpu.memory_space<vmem>>, vector<1x16xf32>,
        %parallel_loop3A_602 = vector.shape_cast %parallel_loop3A_601 : vector<1x16xf32> to vector<16xf32>
        %parallel_loop3A_603 = arith.constant 8 : i32
        %parallel_loop3A_604 = arith.addi %parallel_loop3A_98, %parallel_loop3A_603 : i32
        %parallel_loop3A_605 = arith.index_cast %parallel_loop3A_604 : i32 to index
        %parallel_loop3A_606 = arith.constant 96 : index
        %parallel_loop3A_607 = tpu.vector_load %arg6[%parallel_loop3A_605, %parallel_loop3A_606] {strides = array<i32>} : memref<160x128xf32, #tpu.memory_space<vmem>>, vector<1x16xf32>,
        %parallel_loop3A_608 = vector.shape_cast %parallel_loop3A_607 : vector<1x16xf32> to vector<16xf32>
        %parallel_loop3A_609 = arith.constant 9 : i32
        %parallel_loop3A_610 = arith.addi %parallel_loop3A_98, %parallel_loop3A_609 : i32
        %parallel_loop3A_611 = arith.index_cast %parallel_loop3A_610 : i32 to index
        %parallel_loop3A_612 = arith.constant 96 : index
        %parallel_loop3A_613 = tpu.vector_load %arg6[%parallel_loop3A_611, %parallel_loop3A_612] {strides = array<i32>} : memref<160x128xf32, #tpu.memory_space<vmem>>, vector<1x16xf32>,
        %parallel_loop3A_614 = vector.shape_cast %parallel_loop3A_613 : vector<1x16xf32> to vector<16xf32>
        %parallel_loop3A_615 = arith.addf %parallel_loop3A_560, %parallel_loop3A_566 : vector<16xf32>
        %parallel_loop3A_616 = arith.addf %parallel_loop3A_572, %parallel_loop3A_578 : vector<16xf32>
        %parallel_loop3A_617 = arith.addf %parallel_loop3A_584, %parallel_loop3A_590 : vector<16xf32>
        %parallel_loop3A_618 = arith.addf %parallel_loop3A_596, %parallel_loop3A_602 : vector<16xf32>
        %parallel_loop3A_619 = arith.addf %parallel_loop3A_608, %parallel_loop3A_614 : vector<16xf32>
        %parallel_loop3A_620 = arith.addf %parallel_loop3A_615, %parallel_loop3A_616 : vector<16xf32>
        %parallel_loop3A_621 = arith.addf %parallel_loop3A_617, %parallel_loop3A_618 : vector<16xf32>
        %parallel_loop3A_622 = arith.addf %parallel_loop3A_620, %parallel_loop3A_621 : vector<16xf32>
        %parallel_loop3A_623 = arith.addf %parallel_loop3A_622, %parallel_loop3A_619 : vector<16xf32>
        %parallel_loop3A_624 = vector.broadcast %parallel_loop3A_54 : f32 to vector<16xf32>
        %parallel_loop3A_625 = arith.mulf %parallel_loop3A_623, %parallel_loop3A_624 : vector<16xf32>
        %parallel_loop3A_626 = arith.index_cast %parallel_loop3A_96 : i32 to index
        %parallel_loop3A_627 = arith.constant 96 : index
        %parallel_loop3A_628 = tpu.vector_load %arg8[%parallel_loop3A_626, %parallel_loop3A_627] {strides = array<i32>} : memref<16x128xf32, #tpu.memory_space<vmem>>, vector<1x16xf32>,
        %parallel_loop3A_629 = vector.shape_cast %parallel_loop3A_628 : vector<1x16xf32> to vector<16xf32>
        %parallel_loop3A_630 = vector.shape_cast %parallel_loop3A_625 : vector<16xf32> to vector<1x16xf32>
        tpu.vector_store %arg8[%parallel_loop3A_626, %parallel_loop3A_627], %parallel_loop3A_630 {strides = array<i32>} : memref<16x128xf32, #tpu.memory_space<vmem>>, vector<1x16xf32>,
        %parallel_loop3A_631 = arith.constant 0 : i32
        %parallel_loop3A_632 = arith.addi %parallel_loop3A_98, %parallel_loop3A_631 : i32
        %parallel_loop3A_633 = arith.index_cast %parallel_loop3A_632 : i32 to index
        %parallel_loop3A_634 = arith.constant 112 : index
        %parallel_loop3A_635 = tpu.vector_load %arg6[%parallel_loop3A_633, %parallel_loop3A_634] {strides = array<i32>} : memref<160x128xf32, #tpu.memory_space<vmem>>, vector<1x16xf32>,
        %parallel_loop3A_636 = vector.shape_cast %parallel_loop3A_635 : vector<1x16xf32> to vector<16xf32>
        %parallel_loop3A_637 = arith.constant 1 : i32
        %parallel_loop3A_638 = arith.addi %parallel_loop3A_98, %parallel_loop3A_637 : i32
        %parallel_loop3A_639 = arith.index_cast %parallel_loop3A_638 : i32 to index
        %parallel_loop3A_640 = arith.constant 112 : index
        %parallel_loop3A_641 = tpu.vector_load %arg6[%parallel_loop3A_639, %parallel_loop3A_640] {strides = array<i32>} : memref<160x128xf32, #tpu.memory_space<vmem>>, vector<1x16xf32>,
        %parallel_loop3A_642 = vector.shape_cast %parallel_loop3A_641 : vector<1x16xf32> to vector<16xf32>
        %parallel_loop3A_643 = arith.constant 2 : i32
        %parallel_loop3A_644 = arith.addi %parallel_loop3A_98, %parallel_loop3A_643 : i32
        %parallel_loop3A_645 = arith.index_cast %parallel_loop3A_644 : i32 to index
        %parallel_loop3A_646 = arith.constant 112 : index
        %parallel_loop3A_647 = tpu.vector_load %arg6[%parallel_loop3A_645, %parallel_loop3A_646] {strides = array<i32>} : memref<160x128xf32, #tpu.memory_space<vmem>>, vector<1x16xf32>,
        %parallel_loop3A_648 = vector.shape_cast %parallel_loop3A_647 : vector<1x16xf32> to vector<16xf32>
        %parallel_loop3A_649 = arith.constant 3 : i32
        %parallel_loop3A_650 = arith.addi %parallel_loop3A_98, %parallel_loop3A_649 : i32
        %parallel_loop3A_651 = arith.index_cast %parallel_loop3A_650 : i32 to index
        %parallel_loop3A_652 = arith.constant 112 : index
        %parallel_loop3A_653 = tpu.vector_load %arg6[%parallel_loop3A_651, %parallel_loop3A_652] {strides = array<i32>} : memref<160x128xf32, #tpu.memory_space<vmem>>, vector<1x16xf32>,
        %parallel_loop3A_654 = vector.shape_cast %parallel_loop3A_653 : vector<1x16xf32> to vector<16xf32>
        %parallel_loop3A_655 = arith.constant 4 : i32
        %parallel_loop3A_656 = arith.addi %parallel_loop3A_98, %parallel_loop3A_655 : i32
        %parallel_loop3A_657 = arith.index_cast %parallel_loop3A_656 : i32 to index
        %parallel_loop3A_658 = arith.constant 112 : index
        %parallel_loop3A_659 = tpu.vector_load %arg6[%parallel_loop3A_657, %parallel_loop3A_658] {strides = array<i32>} : memref<160x128xf32, #tpu.memory_space<vmem>>, vector<1x16xf32>,
        %parallel_loop3A_660 = vector.shape_cast %parallel_loop3A_659 : vector<1x16xf32> to vector<16xf32>
        %parallel_loop3A_661 = arith.constant 5 : i32
        %parallel_loop3A_662 = arith.addi %parallel_loop3A_98, %parallel_loop3A_661 : i32
        %parallel_loop3A_663 = arith.index_cast %parallel_loop3A_662 : i32 to index
        %parallel_loop3A_664 = arith.constant 112 : index
        %parallel_loop3A_665 = tpu.vector_load %arg6[%parallel_loop3A_663, %parallel_loop3A_664] {strides = array<i32>} : memref<160x128xf32, #tpu.memory_space<vmem>>, vector<1x16xf32>,
        %parallel_loop3A_666 = vector.shape_cast %parallel_loop3A_665 : vector<1x16xf32> to vector<16xf32>
        %parallel_loop3A_667 = arith.constant 6 : i32
        %parallel_loop3A_668 = arith.addi %parallel_loop3A_98, %parallel_loop3A_667 : i32
        %parallel_loop3A_669 = arith.index_cast %parallel_loop3A_668 : i32 to index
        %parallel_loop3A_670 = arith.constant 112 : index
        %parallel_loop3A_671 = tpu.vector_load %arg6[%parallel_loop3A_669, %parallel_loop3A_670] {strides = array<i32>} : memref<160x128xf32, #tpu.memory_space<vmem>>, vector<1x16xf32>,
        %parallel_loop3A_672 = vector.shape_cast %parallel_loop3A_671 : vector<1x16xf32> to vector<16xf32>
        %parallel_loop3A_673 = arith.constant 7 : i32
        %parallel_loop3A_674 = arith.addi %parallel_loop3A_98, %parallel_loop3A_673 : i32
        %parallel_loop3A_675 = arith.index_cast %parallel_loop3A_674 : i32 to index
        %parallel_loop3A_676 = arith.constant 112 : index
        %parallel_loop3A_677 = tpu.vector_load %arg6[%parallel_loop3A_675, %parallel_loop3A_676] {strides = array<i32>} : memref<160x128xf32, #tpu.memory_space<vmem>>, vector<1x16xf32>,
        %parallel_loop3A_678 = vector.shape_cast %parallel_loop3A_677 : vector<1x16xf32> to vector<16xf32>
        %parallel_loop3A_679 = arith.constant 8 : i32
        %parallel_loop3A_680 = arith.addi %parallel_loop3A_98, %parallel_loop3A_679 : i32
        %parallel_loop3A_681 = arith.index_cast %parallel_loop3A_680 : i32 to index
        %parallel_loop3A_682 = arith.constant 112 : index
        %parallel_loop3A_683 = tpu.vector_load %arg6[%parallel_loop3A_681, %parallel_loop3A_682] {strides = array<i32>} : memref<160x128xf32, #tpu.memory_space<vmem>>, vector<1x16xf32>,
        %parallel_loop3A_684 = vector.shape_cast %parallel_loop3A_683 : vector<1x16xf32> to vector<16xf32>
        %parallel_loop3A_685 = arith.constant 9 : i32
        %parallel_loop3A_686 = arith.addi %parallel_loop3A_98, %parallel_loop3A_685 : i32
        %parallel_loop3A_687 = arith.index_cast %parallel_loop3A_686 : i32 to index
        %parallel_loop3A_688 = arith.constant 112 : index
        %parallel_loop3A_689 = tpu.vector_load %arg6[%parallel_loop3A_687, %parallel_loop3A_688] {strides = array<i32>} : memref<160x128xf32, #tpu.memory_space<vmem>>, vector<1x16xf32>,
        %parallel_loop3A_690 = vector.shape_cast %parallel_loop3A_689 : vector<1x16xf32> to vector<16xf32>
        %parallel_loop3A_691 = arith.addf %parallel_loop3A_636, %parallel_loop3A_642 : vector<16xf32>
        %parallel_loop3A_692 = arith.addf %parallel_loop3A_648, %parallel_loop3A_654 : vector<16xf32>
        %parallel_loop3A_693 = arith.addf %parallel_loop3A_660, %parallel_loop3A_666 : vector<16xf32>
        %parallel_loop3A_694 = arith.addf %parallel_loop3A_672, %parallel_loop3A_678 : vector<16xf32>
        %parallel_loop3A_695 = arith.addf %parallel_loop3A_684, %parallel_loop3A_690 : vector<16xf32>
        %parallel_loop3A_696 = arith.addf %parallel_loop3A_691, %parallel_loop3A_692 : vector<16xf32>
        %parallel_loop3A_697 = arith.addf %parallel_loop3A_693, %parallel_loop3A_694 : vector<16xf32>
        %parallel_loop3A_698 = arith.addf %parallel_loop3A_696, %parallel_loop3A_697 : vector<16xf32>
        %parallel_loop3A_699 = arith.addf %parallel_loop3A_698, %parallel_loop3A_695 : vector<16xf32>
        %parallel_loop3A_700 = vector.broadcast %parallel_loop3A_54 : f32 to vector<16xf32>
        %parallel_loop3A_701 = arith.mulf %parallel_loop3A_699, %parallel_loop3A_700 : vector<16xf32>
        %parallel_loop3A_702 = arith.index_cast %parallel_loop3A_96 : i32 to index
        %parallel_loop3A_703 = arith.constant 112 : index
        %parallel_loop3A_704 = tpu.vector_load %arg8[%parallel_loop3A_702, %parallel_loop3A_703] {strides = array<i32>} : memref<16x128xf32, #tpu.memory_space<vmem>>, vector<1x16xf32>,
        %parallel_loop3A_705 = vector.shape_cast %parallel_loop3A_704 : vector<1x16xf32> to vector<16xf32>
        %parallel_loop3A_706 = vector.shape_cast %parallel_loop3A_701 : vector<16xf32> to vector<1x16xf32>
        tpu.vector_store %arg8[%parallel_loop3A_702, %parallel_loop3A_703], %parallel_loop3A_706 {strides = array<i32>} : memref<16x128xf32, #tpu.memory_space<vmem>>, vector<1x16xf32>,
      } {sc.loop_unroll_factor = 4 : i64, sc.parallel_access}
      %mul3A_55 = arith.constant 512 : i32
      %mul3A_56 = arith.muli %add3A, %mul3A_55 : i32
      %mul3A_57 = arith.constant 16 : i32
      %mul3A_58 = arith.muli %mul3A_34, %mul3A_57 : i32
      %add3A_59 = arith.addi %mul3A_56, %mul3A_58 : i32
      %dma_start3A = arith.constant 0 : i32
      %dma_start3A_60 = tpu.memref_slice %arg4[%add3A_59, %dma_start3A] : memref<16384x128xf32, #tpu.memory_space<hbm>> -> memref<16x128xf32, #tpu.memory_space<hbm>>
      %dma_start3A_61 = arith.constant 0 : i32
      %dma_start3A_62 = tpu.memref_slice %arg4[%add3A_59, %dma_start3A_61] : memref<16384x128xf32, #tpu.memory_space<hbm>> -> memref<16x128xf32, #tpu.memory_space<hbm>>
      tpu.enqueue_dma source(%arg8 : memref<16x128xf32, #tpu.memory_space<vmem>>) target(%dma_start3A_62 : memref<16x128xf32, #tpu.memory_space<hbm>>) target_semaphore(%arg12 : memref<!tpu.dma_semaphore, #tpu.memory_space<semaphore_mem>>)
      %mul3A_63 = arith.constant 2 : i32
      %mul3A_64 = arith.muli %mul3A_63, %scan3A_31 : i32
      %add3A_65 = arith.constant 1 : i32
      %add3A_66 = arith.addi %mul3A_64, %add3A_65 : i32
      %lt3A = arith.constant 15 : i32
      %lt3A_67 = arith.cmpi slt, %scan3A_31, %lt3A : i32
      %convert_element_type3A_68 = arith.extui %lt3A_67 : i1 to i32
      %cond3A_69 = arith.constant 0 : i32
      %cond3A_70 = arith.cmpi ne, %convert_element_type3A_68, %cond3A_69 : i32
      scf.if %cond3A_70 {
        %add3A_96 = arith.constant 1 : i32
        %add3A_97 = arith.addi %add3A_66, %add3A_96 : i32
        %scan3A_98 = arith.constant 0 : i32
        %scan3A_99 = arith.constant 0 : i32
        %scan3A_100 = arith.constant 4 : i32
        %scan3A_101 = arith.addi %scan3A_99, %scan3A_100 : i32
        %scan3A_102 = arith.constant 1 : i32
        %scan3A_103 = scf.for %scan3A_105 = %scan3A_99 to %scan3A_101 step %scan3A_102 iter_args(%scan3A_106 = %scan3A_98) -> (i32)  : i32 {
          %mul3A_107 = arith.constant 16 : i32
          %mul3A_108 = arith.muli %add3A_97, %mul3A_107 : i32
          %mul3A_109 = arith.constant 4 : i32
          %mul3A_110 = arith.muli %scan3A_105, %mul3A_109 : i32
          %add3A_111 = arith.addi %mul3A_108, %mul3A_110 : i32
          %add3A_112 = arith.constant 0 : i32
          %add3A_113 = arith.addi %add3A_111, %add3A_112 : i32
          %mul3A_114 = arith.constant 4 : i32
          %mul3A_115 = arith.muli %scan3A_105, %mul3A_114 : i32
          %add3A_116 = arith.constant 0 : i32
          %add3A_117 = arith.addi %mul3A_115, %add3A_116 : i32
          %mul3A_118 = arith.constant 10 : i32
          %mul3A_119 = arith.muli %add3A_117, %mul3A_118 : i32
          %dma_start3A_120 = arith.constant 0 : i32
          %dma_start3A_121 = tpu.memref_slice %arg6[%mul3A_119, %dma_start3A_120] : memref<160x128xf32, #tpu.memory_space<vmem>> -> memref<10x128xf32, #tpu.memory_space<vmem>>
          %dma_start3A_122 = arith.constant 0 : i32
          %dma_start3A_123 = tpu.memref_slice %arg5[%add3A_113, %dma_start3A_122] : memref<512x10xi32, #tpu.memory_space<vmem>> -> memref<1x10xi32, #tpu.memory_space<vmem>>
          %dma_start3A_124 = tpu.memref_squeeze %dma_start3A_123 : memref<1x10xi32, #tpu.memory_space<vmem>> -> memref<10xi32, #tpu.memory_space<vmem>>
          %dma_start3A_125 = arith.constant 0 : i32
          %dma_start3A_126 = arith.constant 0 : i32
          %dma_start3A_127 = tpu.memref_slice %arg3[%dma_start3A_125, %dma_start3A_126] : memref<1000000x128xf32, #tpu.memory_space<hbm>> -> memref<1000000x128xf32, #tpu.memory_space<hbm>>
          tpu.enqueue_indirect_dma source(%dma_start3A_127 : memref<1000000x128xf32, #tpu.memory_space<hbm>>) target(%dma_start3A_121 : memref<10x128xf32, #tpu.memory_space<vmem>>) offsets(%dma_start3A_124 : memref<10xi32, #tpu.memory_space<vmem>>) semaphore(%arg10 : memref<!tpu.dma_semaphore, #tpu.memory_space<semaphore_mem>>)
          %add3A_128 = arith.constant 1 : i32
          %add3A_129 = arith.addi %add3A_111, %add3A_128 : i32
          %mul3A_130 = arith.constant 4 : i32
          %mul3A_131 = arith.muli %scan3A_105, %mul3A_130 : i32
          %add3A_132 = arith.constant 1 : i32
          %add3A_133 = arith.addi %mul3A_131, %add3A_132 : i32
          %mul3A_134 = arith.constant 10 : i32
          %mul3A_135 = arith.muli %add3A_133, %mul3A_134 : i32
          %dma_start3A_136 = arith.constant 0 : i32
          %dma_start3A_137 = tpu.memref_slice %arg6[%mul3A_135, %dma_start3A_136] : memref<160x128xf32, #tpu.memory_space<vmem>> -> memref<10x128xf32, #tpu.memory_space<vmem>>
          %dma_start3A_138 = arith.constant 0 : i32
          %dma_start3A_139 = tpu.memref_slice %arg5[%add3A_129, %dma_start3A_138] : memref<512x10xi32, #tpu.memory_space<vmem>> -> memref<1x10xi32, #tpu.memory_space<vmem>>
          %dma_start3A_140 = tpu.memref_squeeze %dma_start3A_139 : memref<1x10xi32, #tpu.memory_space<vmem>> -> memref<10xi32, #tpu.memory_space<vmem>>
          %dma_start3A_141 = arith.constant 0 : i32
          %dma_start3A_142 = arith.constant 0 : i32
          %dma_start3A_143 = tpu.memref_slice %arg3[%dma_start3A_141, %dma_start3A_142] : memref<1000000x128xf32, #tpu.memory_space<hbm>> -> memref<1000000x128xf32, #tpu.memory_space<hbm>>
          tpu.enqueue_indirect_dma source(%dma_start3A_143 : memref<1000000x128xf32, #tpu.memory_space<hbm>>) target(%dma_start3A_137 : memref<10x128xf32, #tpu.memory_space<vmem>>) offsets(%dma_start3A_140 : memref<10xi32, #tpu.memory_space<vmem>>) semaphore(%arg10 : memref<!tpu.dma_semaphore, #tpu.memory_space<semaphore_mem>>)
          %add3A_144 = arith.constant 2 : i32
          %add3A_145 = arith.addi %add3A_111, %add3A_144 : i32
          %mul3A_146 = arith.constant 4 : i32
          %mul3A_147 = arith.muli %scan3A_105, %mul3A_146 : i32
          %add3A_148 = arith.constant 2 : i32
          %add3A_149 = arith.addi %mul3A_147, %add3A_148 : i32
          %mul3A_150 = arith.constant 10 : i32
          %mul3A_151 = arith.muli %add3A_149, %mul3A_150 : i32
          %dma_start3A_152 = arith.constant 0 : i32
          %dma_start3A_153 = tpu.memref_slice %arg6[%mul3A_151, %dma_start3A_152] : memref<160x128xf32, #tpu.memory_space<vmem>> -> memref<10x128xf32, #tpu.memory_space<vmem>>
          %dma_start3A_154 = arith.constant 0 : i32
          %dma_start3A_155 = tpu.memref_slice %arg5[%add3A_145, %dma_start3A_154] : memref<512x10xi32, #tpu.memory_space<vmem>> -> memref<1x10xi32, #tpu.memory_space<vmem>>
          %dma_start3A_156 = tpu.memref_squeeze %dma_start3A_155 : memref<1x10xi32, #tpu.memory_space<vmem>> -> memref<10xi32, #tpu.memory_space<vmem>>
          %dma_start3A_157 = arith.constant 0 : i32
          %dma_start3A_158 = arith.constant 0 : i32
          %dma_start3A_159 = tpu.memref_slice %arg3[%dma_start3A_157, %dma_start3A_158] : memref<1000000x128xf32, #tpu.memory_space<hbm>> -> memref<1000000x128xf32, #tpu.memory_space<hbm>>
          tpu.enqueue_indirect_dma source(%dma_start3A_159 : memref<1000000x128xf32, #tpu.memory_space<hbm>>) target(%dma_start3A_153 : memref<10x128xf32, #tpu.memory_space<vmem>>) offsets(%dma_start3A_156 : memref<10xi32, #tpu.memory_space<vmem>>) semaphore(%arg10 : memref<!tpu.dma_semaphore, #tpu.memory_space<semaphore_mem>>)
          %add3A_160 = arith.constant 3 : i32
          %add3A_161 = arith.addi %add3A_111, %add3A_160 : i32
          %mul3A_162 = arith.constant 4 : i32
          %mul3A_163 = arith.muli %scan3A_105, %mul3A_162 : i32
          %add3A_164 = arith.constant 3 : i32
          %add3A_165 = arith.addi %mul3A_163, %add3A_164 : i32
          %mul3A_166 = arith.constant 10 : i32
          %mul3A_167 = arith.muli %add3A_165, %mul3A_166 : i32
          %dma_start3A_168 = arith.constant 0 : i32
          %dma_start3A_169 = tpu.memref_slice %arg6[%mul3A_167, %dma_start3A_168] : memref<160x128xf32, #tpu.memory_space<vmem>> -> memref<10x128xf32, #tpu.memory_space<vmem>>
          %dma_start3A_170 = arith.constant 0 : i32
          %dma_start3A_171 = tpu.memref_slice %arg5[%add3A_161, %dma_start3A_170] : memref<512x10xi32, #tpu.memory_space<vmem>> -> memref<1x10xi32, #tpu.memory_space<vmem>>
          %dma_start3A_172 = tpu.memref_squeeze %dma_start3A_171 : memref<1x10xi32, #tpu.memory_space<vmem>> -> memref<10xi32, #tpu.memory_space<vmem>>
          %dma_start3A_173 = arith.constant 0 : i32
          %dma_start3A_174 = arith.constant 0 : i32
          %dma_start3A_175 = tpu.memref_slice %arg3[%dma_start3A_173, %dma_start3A_174] : memref<1000000x128xf32, #tpu.memory_space<hbm>> -> memref<1000000x128xf32, #tpu.memory_space<hbm>>
          tpu.enqueue_indirect_dma source(%dma_start3A_175 : memref<1000000x128xf32, #tpu.memory_space<hbm>>) target(%dma_start3A_169 : memref<10x128xf32, #tpu.memory_space<vmem>>) offsets(%dma_start3A_172 : memref<10xi32, #tpu.memory_space<vmem>>) semaphore(%arg10 : memref<!tpu.dma_semaphore, #tpu.memory_space<semaphore_mem>>)
          %scan3A_176 = arith.constant 0 : i32
          scf.yield %scan3A_176 : i32
        }
        %scan3A_104 = arith.constant 4 : i32
      } else {
      }
      %dma_wait3A_71 = arith.constant 0 : i32
      %dma_wait3A_72 = arith.constant 0 : i32
      %dma_wait3A_73 = tpu.memref_slice %arg3[%dma_wait3A_71, %dma_wait3A_72] : memref<1000000x128xf32, #tpu.memory_space<hbm>> -> memref<160x128xf32, #tpu.memory_space<hbm>>
      %dma_wait3A_74 = arith.constant 0 : i32
      %dma_wait3A_75 = arith.constant 0 : i32
      %dma_wait3A_76 = tpu.memref_slice %arg3[%dma_wait3A_74, %dma_wait3A_75] : memref<1000000x128xf32, #tpu.memory_space<hbm>> -> memref<160x128xf32, #tpu.memory_space<hbm>>
      tpu.wait_dma2 semaphore(%arg11 : memref<!tpu.dma_semaphore, #tpu.memory_space<semaphore_mem>>) src(%dma_wait3A_76 : memref<160x128xf32, #tpu.memory_space<hbm>>) dst(%arg7 : memref<160x128xf32, #tpu.memory_space<vmem>>)
      %gt3A_77 = arith.constant 0 : i32
      %gt3A_78 = arith.cmpi sgt, %scan3A_31, %gt3A_77 : i32
      %convert_element_type3A_79 = arith.extui %gt3A_78 : i1 to i32
      %cond3A_80 = arith.constant 0 : i32
      %cond3A_81 = arith.cmpi ne, %convert_element_type3A_79, %cond3A_80 : i32
      scf.if %cond3A_81 {
        %mul3A_96 = arith.constant 512 : i32
        %mul3A_97 = arith.muli %add3A, %mul3A_96 : i32
        %add3A_98 = arith.constant 0 : i32
        %add3A_99 = arith.addi %mul3A_97, %add3A_98 : i32
        %dma_wait3A_100 = arith.constant 0 : i32
        %dma_wait3A_101 = tpu.memref_slice %arg4[%add3A_99, %dma_wait3A_100] : memref<16384x128xf32, #tpu.memory_space<hbm>> -> memref<16x128xf32, #tpu.memory_space<hbm>>
        %dma_wait3A_102 = arith.constant 0 : i32
        %dma_wait3A_103 = tpu.memref_slice %arg4[%add3A_99, %dma_wait3A_102] : memref<16384x128xf32, #tpu.memory_space<hbm>> -> memref<16x128xf32, #tpu.memory_space<hbm>>
        tpu.wait_dma2 semaphore(%arg13 : memref<!tpu.dma_semaphore, #tpu.memory_space<semaphore_mem>>) src(%arg9 : memref<16x128xf32, #tpu.memory_space<vmem>>) dst(%dma_wait3A_103 : memref<16x128xf32, #tpu.memory_space<hbm>>)
      } else {
      }
      %parallel_loop3A_82 = arith.constant 0 : i32
      %parallel_loop3A_83 = arith.constant 16 : i32
      %parallel_loop3A_84 = arith.constant 1 : i32
      %parallel_loop3A_85 = arith.constant 1.000000e-01 : f32
      scf.for %parallel_loop3A_96 = %parallel_loop3A_82 to %parallel_loop3A_83 step %parallel_loop3A_84  : i32 {
        %parallel_loop3A_97 = arith.constant 10 : i32
        %parallel_loop3A_98 = arith.muli %parallel_loop3A_96, %parallel_loop3A_97 : i32
        %parallel_loop3A_99 = arith.constant 0 : i32
        %parallel_loop3A_100 = arith.addi %parallel_loop3A_98, %parallel_loop3A_99 : i32
        %parallel_loop3A_101 = arith.index_cast %parallel_loop3A_100 : i32 to index
        %parallel_loop3A_102 = arith.constant 0 : index
        %parallel_loop3A_103 = tpu.vector_load %arg7[%parallel_loop3A_101, %parallel_loop3A_102] {strides = array<i32>} : memref<160x128xf32, #tpu.memory_space<vmem>>, vector<1x16xf32>,
        %parallel_loop3A_104 = vector.shape_cast %parallel_loop3A_103 : vector<1x16xf32> to vector<16xf32>
        %parallel_loop3A_105 = arith.constant 1 : i32
        %parallel_loop3A_106 = arith.addi %parallel_loop3A_98, %parallel_loop3A_105 : i32
        %parallel_loop3A_107 = arith.index_cast %parallel_loop3A_106 : i32 to index
        %parallel_loop3A_108 = arith.constant 0 : index
        %parallel_loop3A_109 = tpu.vector_load %arg7[%parallel_loop3A_107, %parallel_loop3A_108] {strides = array<i32>} : memref<160x128xf32, #tpu.memory_space<vmem>>, vector<1x16xf32>,
        %parallel_loop3A_110 = vector.shape_cast %parallel_loop3A_109 : vector<1x16xf32> to vector<16xf32>
        %parallel_loop3A_111 = arith.constant 2 : i32
        %parallel_loop3A_112 = arith.addi %parallel_loop3A_98, %parallel_loop3A_111 : i32
        %parallel_loop3A_113 = arith.index_cast %parallel_loop3A_112 : i32 to index
        %parallel_loop3A_114 = arith.constant 0 : index
        %parallel_loop3A_115 = tpu.vector_load %arg7[%parallel_loop3A_113, %parallel_loop3A_114] {strides = array<i32>} : memref<160x128xf32, #tpu.memory_space<vmem>>, vector<1x16xf32>,
        %parallel_loop3A_116 = vector.shape_cast %parallel_loop3A_115 : vector<1x16xf32> to vector<16xf32>
        %parallel_loop3A_117 = arith.constant 3 : i32
        %parallel_loop3A_118 = arith.addi %parallel_loop3A_98, %parallel_loop3A_117 : i32
        %parallel_loop3A_119 = arith.index_cast %parallel_loop3A_118 : i32 to index
        %parallel_loop3A_120 = arith.constant 0 : index
        %parallel_loop3A_121 = tpu.vector_load %arg7[%parallel_loop3A_119, %parallel_loop3A_120] {strides = array<i32>} : memref<160x128xf32, #tpu.memory_space<vmem>>, vector<1x16xf32>,
        %parallel_loop3A_122 = vector.shape_cast %parallel_loop3A_121 : vector<1x16xf32> to vector<16xf32>
        %parallel_loop3A_123 = arith.constant 4 : i32
        %parallel_loop3A_124 = arith.addi %parallel_loop3A_98, %parallel_loop3A_123 : i32
        %parallel_loop3A_125 = arith.index_cast %parallel_loop3A_124 : i32 to index
        %parallel_loop3A_126 = arith.constant 0 : index
        %parallel_loop3A_127 = tpu.vector_load %arg7[%parallel_loop3A_125, %parallel_loop3A_126] {strides = array<i32>} : memref<160x128xf32, #tpu.memory_space<vmem>>, vector<1x16xf32>,
        %parallel_loop3A_128 = vector.shape_cast %parallel_loop3A_127 : vector<1x16xf32> to vector<16xf32>
        %parallel_loop3A_129 = arith.constant 5 : i32
        %parallel_loop3A_130 = arith.addi %parallel_loop3A_98, %parallel_loop3A_129 : i32
        %parallel_loop3A_131 = arith.index_cast %parallel_loop3A_130 : i32 to index
        %parallel_loop3A_132 = arith.constant 0 : index
        %parallel_loop3A_133 = tpu.vector_load %arg7[%parallel_loop3A_131, %parallel_loop3A_132] {strides = array<i32>} : memref<160x128xf32, #tpu.memory_space<vmem>>, vector<1x16xf32>,
        %parallel_loop3A_134 = vector.shape_cast %parallel_loop3A_133 : vector<1x16xf32> to vector<16xf32>
        %parallel_loop3A_135 = arith.constant 6 : i32
        %parallel_loop3A_136 = arith.addi %parallel_loop3A_98, %parallel_loop3A_135 : i32
        %parallel_loop3A_137 = arith.index_cast %parallel_loop3A_136 : i32 to index
        %parallel_loop3A_138 = arith.constant 0 : index
        %parallel_loop3A_139 = tpu.vector_load %arg7[%parallel_loop3A_137, %parallel_loop3A_138] {strides = array<i32>} : memref<160x128xf32, #tpu.memory_space<vmem>>, vector<1x16xf32>,
        %parallel_loop3A_140 = vector.shape_cast %parallel_loop3A_139 : vector<1x16xf32> to vector<16xf32>
        %parallel_loop3A_141 = arith.constant 7 : i32
        %parallel_loop3A_142 = arith.addi %parallel_loop3A_98, %parallel_loop3A_141 : i32
        %parallel_loop3A_143 = arith.index_cast %parallel_loop3A_142 : i32 to index
        %parallel_loop3A_144 = arith.constant 0 : index
        %parallel_loop3A_145 = tpu.vector_load %arg7[%parallel_loop3A_143, %parallel_loop3A_144] {strides = array<i32>} : memref<160x128xf32, #tpu.memory_space<vmem>>, vector<1x16xf32>,
        %parallel_loop3A_146 = vector.shape_cast %parallel_loop3A_145 : vector<1x16xf32> to vector<16xf32>
        %parallel_loop3A_147 = arith.constant 8 : i32
        %parallel_loop3A_148 = arith.addi %parallel_loop3A_98, %parallel_loop3A_147 : i32
        %parallel_loop3A_149 = arith.index_cast %parallel_loop3A_148 : i32 to index
        %parallel_loop3A_150 = arith.constant 0 : index
        %parallel_loop3A_151 = tpu.vector_load %arg7[%parallel_loop3A_149, %parallel_loop3A_150] {strides = array<i32>} : memref<160x128xf32, #tpu.memory_space<vmem>>, vector<1x16xf32>,
        %parallel_loop3A_152 = vector.shape_cast %parallel_loop3A_151 : vector<1x16xf32> to vector<16xf32>
        %parallel_loop3A_153 = arith.constant 9 : i32
        %parallel_loop3A_154 = arith.addi %parallel_loop3A_98, %parallel_loop3A_153 : i32
        %parallel_loop3A_155 = arith.index_cast %parallel_loop3A_154 : i32 to index
        %parallel_loop3A_156 = arith.constant 0 : index
        %parallel_loop3A_157 = tpu.vector_load %arg7[%parallel_loop3A_155, %parallel_loop3A_156] {strides = array<i32>} : memref<160x128xf32, #tpu.memory_space<vmem>>, vector<1x16xf32>,
        %parallel_loop3A_158 = vector.shape_cast %parallel_loop3A_157 : vector<1x16xf32> to vector<16xf32>
        %parallel_loop3A_159 = arith.addf %parallel_loop3A_104, %parallel_loop3A_110 : vector<16xf32>
        %parallel_loop3A_160 = arith.addf %parallel_loop3A_116, %parallel_loop3A_122 : vector<16xf32>
        %parallel_loop3A_161 = arith.addf %parallel_loop3A_128, %parallel_loop3A_134 : vector<16xf32>
        %parallel_loop3A_162 = arith.addf %parallel_loop3A_140, %parallel_loop3A_146 : vector<16xf32>
        %parallel_loop3A_163 = arith.addf %parallel_loop3A_152, %parallel_loop3A_158 : vector<16xf32>
        %parallel_loop3A_164 = arith.addf %parallel_loop3A_159, %parallel_loop3A_160 : vector<16xf32>
        %parallel_loop3A_165 = arith.addf %parallel_loop3A_161, %parallel_loop3A_162 : vector<16xf32>
        %parallel_loop3A_166 = arith.addf %parallel_loop3A_164, %parallel_loop3A_165 : vector<16xf32>
        %parallel_loop3A_167 = arith.addf %parallel_loop3A_166, %parallel_loop3A_163 : vector<16xf32>
        %parallel_loop3A_168 = vector.broadcast %parallel_loop3A_85 : f32 to vector<16xf32>
        %parallel_loop3A_169 = arith.mulf %parallel_loop3A_167, %parallel_loop3A_168 : vector<16xf32>
        %parallel_loop3A_170 = arith.index_cast %parallel_loop3A_96 : i32 to index
        %parallel_loop3A_171 = arith.constant 0 : index
        %parallel_loop3A_172 = tpu.vector_load %arg9[%parallel_loop3A_170, %parallel_loop3A_171] {strides = array<i32>} : memref<16x128xf32, #tpu.memory_space<vmem>>, vector<1x16xf32>,
        %parallel_loop3A_173 = vector.shape_cast %parallel_loop3A_172 : vector<1x16xf32> to vector<16xf32>
        %parallel_loop3A_174 = vector.shape_cast %parallel_loop3A_169 : vector<16xf32> to vector<1x16xf32>
        tpu.vector_store %arg9[%parallel_loop3A_170, %parallel_loop3A_171], %parallel_loop3A_174 {strides = array<i32>} : memref<16x128xf32, #tpu.memory_space<vmem>>, vector<1x16xf32>,
        %parallel_loop3A_175 = arith.constant 0 : i32
        %parallel_loop3A_176 = arith.addi %parallel_loop3A_98, %parallel_loop3A_175 : i32
        %parallel_loop3A_177 = arith.index_cast %parallel_loop3A_176 : i32 to index
        %parallel_loop3A_178 = arith.constant 16 : index
        %parallel_loop3A_179 = tpu.vector_load %arg7[%parallel_loop3A_177, %parallel_loop3A_178] {strides = array<i32>} : memref<160x128xf32, #tpu.memory_space<vmem>>, vector<1x16xf32>,
        %parallel_loop3A_180 = vector.shape_cast %parallel_loop3A_179 : vector<1x16xf32> to vector<16xf32>
        %parallel_loop3A_181 = arith.constant 1 : i32
        %parallel_loop3A_182 = arith.addi %parallel_loop3A_98, %parallel_loop3A_181 : i32
        %parallel_loop3A_183 = arith.index_cast %parallel_loop3A_182 : i32 to index
        %parallel_loop3A_184 = arith.constant 16 : index
        %parallel_loop3A_185 = tpu.vector_load %arg7[%parallel_loop3A_183, %parallel_loop3A_184] {strides = array<i32>} : memref<160x128xf32, #tpu.memory_space<vmem>>, vector<1x16xf32>,
        %parallel_loop3A_186 = vector.shape_cast %parallel_loop3A_185 : vector<1x16xf32> to vector<16xf32>
        %parallel_loop3A_187 = arith.constant 2 : i32
        %parallel_loop3A_188 = arith.addi %parallel_loop3A_98, %parallel_loop3A_187 : i32
        %parallel_loop3A_189 = arith.index_cast %parallel_loop3A_188 : i32 to index
        %parallel_loop3A_190 = arith.constant 16 : index
        %parallel_loop3A_191 = tpu.vector_load %arg7[%parallel_loop3A_189, %parallel_loop3A_190] {strides = array<i32>} : memref<160x128xf32, #tpu.memory_space<vmem>>, vector<1x16xf32>,
        %parallel_loop3A_192 = vector.shape_cast %parallel_loop3A_191 : vector<1x16xf32> to vector<16xf32>
        %parallel_loop3A_193 = arith.constant 3 : i32
        %parallel_loop3A_194 = arith.addi %parallel_loop3A_98, %parallel_loop3A_193 : i32
        %parallel_loop3A_195 = arith.index_cast %parallel_loop3A_194 : i32 to index
        %parallel_loop3A_196 = arith.constant 16 : index
        %parallel_loop3A_197 = tpu.vector_load %arg7[%parallel_loop3A_195, %parallel_loop3A_196] {strides = array<i32>} : memref<160x128xf32, #tpu.memory_space<vmem>>, vector<1x16xf32>,
        %parallel_loop3A_198 = vector.shape_cast %parallel_loop3A_197 : vector<1x16xf32> to vector<16xf32>
        %parallel_loop3A_199 = arith.constant 4 : i32
        %parallel_loop3A_200 = arith.addi %parallel_loop3A_98, %parallel_loop3A_199 : i32
        %parallel_loop3A_201 = arith.index_cast %parallel_loop3A_200 : i32 to index
        %parallel_loop3A_202 = arith.constant 16 : index
        %parallel_loop3A_203 = tpu.vector_load %arg7[%parallel_loop3A_201, %parallel_loop3A_202] {strides = array<i32>} : memref<160x128xf32, #tpu.memory_space<vmem>>, vector<1x16xf32>,
        %parallel_loop3A_204 = vector.shape_cast %parallel_loop3A_203 : vector<1x16xf32> to vector<16xf32>
        %parallel_loop3A_205 = arith.constant 5 : i32
        %parallel_loop3A_206 = arith.addi %parallel_loop3A_98, %parallel_loop3A_205 : i32
        %parallel_loop3A_207 = arith.index_cast %parallel_loop3A_206 : i32 to index
        %parallel_loop3A_208 = arith.constant 16 : index
        %parallel_loop3A_209 = tpu.vector_load %arg7[%parallel_loop3A_207, %parallel_loop3A_208] {strides = array<i32>} : memref<160x128xf32, #tpu.memory_space<vmem>>, vector<1x16xf32>,
        %parallel_loop3A_210 = vector.shape_cast %parallel_loop3A_209 : vector<1x16xf32> to vector<16xf32>
        %parallel_loop3A_211 = arith.constant 6 : i32
        %parallel_loop3A_212 = arith.addi %parallel_loop3A_98, %parallel_loop3A_211 : i32
        %parallel_loop3A_213 = arith.index_cast %parallel_loop3A_212 : i32 to index
        %parallel_loop3A_214 = arith.constant 16 : index
        %parallel_loop3A_215 = tpu.vector_load %arg7[%parallel_loop3A_213, %parallel_loop3A_214] {strides = array<i32>} : memref<160x128xf32, #tpu.memory_space<vmem>>, vector<1x16xf32>,
        %parallel_loop3A_216 = vector.shape_cast %parallel_loop3A_215 : vector<1x16xf32> to vector<16xf32>
        %parallel_loop3A_217 = arith.constant 7 : i32
        %parallel_loop3A_218 = arith.addi %parallel_loop3A_98, %parallel_loop3A_217 : i32
        %parallel_loop3A_219 = arith.index_cast %parallel_loop3A_218 : i32 to index
        %parallel_loop3A_220 = arith.constant 16 : index
        %parallel_loop3A_221 = tpu.vector_load %arg7[%parallel_loop3A_219, %parallel_loop3A_220] {strides = array<i32>} : memref<160x128xf32, #tpu.memory_space<vmem>>, vector<1x16xf32>,
        %parallel_loop3A_222 = vector.shape_cast %parallel_loop3A_221 : vector<1x16xf32> to vector<16xf32>
        %parallel_loop3A_223 = arith.constant 8 : i32
        %parallel_loop3A_224 = arith.addi %parallel_loop3A_98, %parallel_loop3A_223 : i32
        %parallel_loop3A_225 = arith.index_cast %parallel_loop3A_224 : i32 to index
        %parallel_loop3A_226 = arith.constant 16 : index
        %parallel_loop3A_227 = tpu.vector_load %arg7[%parallel_loop3A_225, %parallel_loop3A_226] {strides = array<i32>} : memref<160x128xf32, #tpu.memory_space<vmem>>, vector<1x16xf32>,
        %parallel_loop3A_228 = vector.shape_cast %parallel_loop3A_227 : vector<1x16xf32> to vector<16xf32>
        %parallel_loop3A_229 = arith.constant 9 : i32
        %parallel_loop3A_230 = arith.addi %parallel_loop3A_98, %parallel_loop3A_229 : i32
        %parallel_loop3A_231 = arith.index_cast %parallel_loop3A_230 : i32 to index
        %parallel_loop3A_232 = arith.constant 16 : index
        %parallel_loop3A_233 = tpu.vector_load %arg7[%parallel_loop3A_231, %parallel_loop3A_232] {strides = array<i32>} : memref<160x128xf32, #tpu.memory_space<vmem>>, vector<1x16xf32>,
        %parallel_loop3A_234 = vector.shape_cast %parallel_loop3A_233 : vector<1x16xf32> to vector<16xf32>
        %parallel_loop3A_235 = arith.addf %parallel_loop3A_180, %parallel_loop3A_186 : vector<16xf32>
        %parallel_loop3A_236 = arith.addf %parallel_loop3A_192, %parallel_loop3A_198 : vector<16xf32>
        %parallel_loop3A_237 = arith.addf %parallel_loop3A_204, %parallel_loop3A_210 : vector<16xf32>
        %parallel_loop3A_238 = arith.addf %parallel_loop3A_216, %parallel_loop3A_222 : vector<16xf32>
        %parallel_loop3A_239 = arith.addf %parallel_loop3A_228, %parallel_loop3A_234 : vector<16xf32>
        %parallel_loop3A_240 = arith.addf %parallel_loop3A_235, %parallel_loop3A_236 : vector<16xf32>
        %parallel_loop3A_241 = arith.addf %parallel_loop3A_237, %parallel_loop3A_238 : vector<16xf32>
        %parallel_loop3A_242 = arith.addf %parallel_loop3A_240, %parallel_loop3A_241 : vector<16xf32>
        %parallel_loop3A_243 = arith.addf %parallel_loop3A_242, %parallel_loop3A_239 : vector<16xf32>
        %parallel_loop3A_244 = vector.broadcast %parallel_loop3A_85 : f32 to vector<16xf32>
        %parallel_loop3A_245 = arith.mulf %parallel_loop3A_243, %parallel_loop3A_244 : vector<16xf32>
        %parallel_loop3A_246 = arith.index_cast %parallel_loop3A_96 : i32 to index
        %parallel_loop3A_247 = arith.constant 16 : index
        %parallel_loop3A_248 = tpu.vector_load %arg9[%parallel_loop3A_246, %parallel_loop3A_247] {strides = array<i32>} : memref<16x128xf32, #tpu.memory_space<vmem>>, vector<1x16xf32>,
        %parallel_loop3A_249 = vector.shape_cast %parallel_loop3A_248 : vector<1x16xf32> to vector<16xf32>
        %parallel_loop3A_250 = vector.shape_cast %parallel_loop3A_245 : vector<16xf32> to vector<1x16xf32>
        tpu.vector_store %arg9[%parallel_loop3A_246, %parallel_loop3A_247], %parallel_loop3A_250 {strides = array<i32>} : memref<16x128xf32, #tpu.memory_space<vmem>>, vector<1x16xf32>,
        %parallel_loop3A_251 = arith.constant 0 : i32
        %parallel_loop3A_252 = arith.addi %parallel_loop3A_98, %parallel_loop3A_251 : i32
        %parallel_loop3A_253 = arith.index_cast %parallel_loop3A_252 : i32 to index
        %parallel_loop3A_254 = arith.constant 32 : index
        %parallel_loop3A_255 = tpu.vector_load %arg7[%parallel_loop3A_253, %parallel_loop3A_254] {strides = array<i32>} : memref<160x128xf32, #tpu.memory_space<vmem>>, vector<1x16xf32>,
        %parallel_loop3A_256 = vector.shape_cast %parallel_loop3A_255 : vector<1x16xf32> to vector<16xf32>
        %parallel_loop3A_257 = arith.constant 1 : i32
        %parallel_loop3A_258 = arith.addi %parallel_loop3A_98, %parallel_loop3A_257 : i32
        %parallel_loop3A_259 = arith.index_cast %parallel_loop3A_258 : i32 to index
        %parallel_loop3A_260 = arith.constant 32 : index
        %parallel_loop3A_261 = tpu.vector_load %arg7[%parallel_loop3A_259, %parallel_loop3A_260] {strides = array<i32>} : memref<160x128xf32, #tpu.memory_space<vmem>>, vector<1x16xf32>,
        %parallel_loop3A_262 = vector.shape_cast %parallel_loop3A_261 : vector<1x16xf32> to vector<16xf32>
        %parallel_loop3A_263 = arith.constant 2 : i32
        %parallel_loop3A_264 = arith.addi %parallel_loop3A_98, %parallel_loop3A_263 : i32
        %parallel_loop3A_265 = arith.index_cast %parallel_loop3A_264 : i32 to index
        %parallel_loop3A_266 = arith.constant 32 : index
        %parallel_loop3A_267 = tpu.vector_load %arg7[%parallel_loop3A_265, %parallel_loop3A_266] {strides = array<i32>} : memref<160x128xf32, #tpu.memory_space<vmem>>, vector<1x16xf32>,
        %parallel_loop3A_268 = vector.shape_cast %parallel_loop3A_267 : vector<1x16xf32> to vector<16xf32>
        %parallel_loop3A_269 = arith.constant 3 : i32
        %parallel_loop3A_270 = arith.addi %parallel_loop3A_98, %parallel_loop3A_269 : i32
        %parallel_loop3A_271 = arith.index_cast %parallel_loop3A_270 : i32 to index
        %parallel_loop3A_272 = arith.constant 32 : index
        %parallel_loop3A_273 = tpu.vector_load %arg7[%parallel_loop3A_271, %parallel_loop3A_272] {strides = array<i32>} : memref<160x128xf32, #tpu.memory_space<vmem>>, vector<1x16xf32>,
        %parallel_loop3A_274 = vector.shape_cast %parallel_loop3A_273 : vector<1x16xf32> to vector<16xf32>
        %parallel_loop3A_275 = arith.constant 4 : i32
        %parallel_loop3A_276 = arith.addi %parallel_loop3A_98, %parallel_loop3A_275 : i32
        %parallel_loop3A_277 = arith.index_cast %parallel_loop3A_276 : i32 to index
        %parallel_loop3A_278 = arith.constant 32 : index
        %parallel_loop3A_279 = tpu.vector_load %arg7[%parallel_loop3A_277, %parallel_loop3A_278] {strides = array<i32>} : memref<160x128xf32, #tpu.memory_space<vmem>>, vector<1x16xf32>,
        %parallel_loop3A_280 = vector.shape_cast %parallel_loop3A_279 : vector<1x16xf32> to vector<16xf32>
        %parallel_loop3A_281 = arith.constant 5 : i32
        %parallel_loop3A_282 = arith.addi %parallel_loop3A_98, %parallel_loop3A_281 : i32
        %parallel_loop3A_283 = arith.index_cast %parallel_loop3A_282 : i32 to index
        %parallel_loop3A_284 = arith.constant 32 : index
        %parallel_loop3A_285 = tpu.vector_load %arg7[%parallel_loop3A_283, %parallel_loop3A_284] {strides = array<i32>} : memref<160x128xf32, #tpu.memory_space<vmem>>, vector<1x16xf32>,
        %parallel_loop3A_286 = vector.shape_cast %parallel_loop3A_285 : vector<1x16xf32> to vector<16xf32>
        %parallel_loop3A_287 = arith.constant 6 : i32
        %parallel_loop3A_288 = arith.addi %parallel_loop3A_98, %parallel_loop3A_287 : i32
        %parallel_loop3A_289 = arith.index_cast %parallel_loop3A_288 : i32 to index
        %parallel_loop3A_290 = arith.constant 32 : index
        %parallel_loop3A_291 = tpu.vector_load %arg7[%parallel_loop3A_289, %parallel_loop3A_290] {strides = array<i32>} : memref<160x128xf32, #tpu.memory_space<vmem>>, vector<1x16xf32>,
        %parallel_loop3A_292 = vector.shape_cast %parallel_loop3A_291 : vector<1x16xf32> to vector<16xf32>
        %parallel_loop3A_293 = arith.constant 7 : i32
        %parallel_loop3A_294 = arith.addi %parallel_loop3A_98, %parallel_loop3A_293 : i32
        %parallel_loop3A_295 = arith.index_cast %parallel_loop3A_294 : i32 to index
        %parallel_loop3A_296 = arith.constant 32 : index
        %parallel_loop3A_297 = tpu.vector_load %arg7[%parallel_loop3A_295, %parallel_loop3A_296] {strides = array<i32>} : memref<160x128xf32, #tpu.memory_space<vmem>>, vector<1x16xf32>,
        %parallel_loop3A_298 = vector.shape_cast %parallel_loop3A_297 : vector<1x16xf32> to vector<16xf32>
        %parallel_loop3A_299 = arith.constant 8 : i32
        %parallel_loop3A_300 = arith.addi %parallel_loop3A_98, %parallel_loop3A_299 : i32
        %parallel_loop3A_301 = arith.index_cast %parallel_loop3A_300 : i32 to index
        %parallel_loop3A_302 = arith.constant 32 : index
        %parallel_loop3A_303 = tpu.vector_load %arg7[%parallel_loop3A_301, %parallel_loop3A_302] {strides = array<i32>} : memref<160x128xf32, #tpu.memory_space<vmem>>, vector<1x16xf32>,
        %parallel_loop3A_304 = vector.shape_cast %parallel_loop3A_303 : vector<1x16xf32> to vector<16xf32>
        %parallel_loop3A_305 = arith.constant 9 : i32
        %parallel_loop3A_306 = arith.addi %parallel_loop3A_98, %parallel_loop3A_305 : i32
        %parallel_loop3A_307 = arith.index_cast %parallel_loop3A_306 : i32 to index
        %parallel_loop3A_308 = arith.constant 32 : index
        %parallel_loop3A_309 = tpu.vector_load %arg7[%parallel_loop3A_307, %parallel_loop3A_308] {strides = array<i32>} : memref<160x128xf32, #tpu.memory_space<vmem>>, vector<1x16xf32>,
        %parallel_loop3A_310 = vector.shape_cast %parallel_loop3A_309 : vector<1x16xf32> to vector<16xf32>
        %parallel_loop3A_311 = arith.addf %parallel_loop3A_256, %parallel_loop3A_262 : vector<16xf32>
        %parallel_loop3A_312 = arith.addf %parallel_loop3A_268, %parallel_loop3A_274 : vector<16xf32>
        %parallel_loop3A_313 = arith.addf %parallel_loop3A_280, %parallel_loop3A_286 : vector<16xf32>
        %parallel_loop3A_314 = arith.addf %parallel_loop3A_292, %parallel_loop3A_298 : vector<16xf32>
        %parallel_loop3A_315 = arith.addf %parallel_loop3A_304, %parallel_loop3A_310 : vector<16xf32>
        %parallel_loop3A_316 = arith.addf %parallel_loop3A_311, %parallel_loop3A_312 : vector<16xf32>
        %parallel_loop3A_317 = arith.addf %parallel_loop3A_313, %parallel_loop3A_314 : vector<16xf32>
        %parallel_loop3A_318 = arith.addf %parallel_loop3A_316, %parallel_loop3A_317 : vector<16xf32>
        %parallel_loop3A_319 = arith.addf %parallel_loop3A_318, %parallel_loop3A_315 : vector<16xf32>
        %parallel_loop3A_320 = vector.broadcast %parallel_loop3A_85 : f32 to vector<16xf32>
        %parallel_loop3A_321 = arith.mulf %parallel_loop3A_319, %parallel_loop3A_320 : vector<16xf32>
        %parallel_loop3A_322 = arith.index_cast %parallel_loop3A_96 : i32 to index
        %parallel_loop3A_323 = arith.constant 32 : index
        %parallel_loop3A_324 = tpu.vector_load %arg9[%parallel_loop3A_322, %parallel_loop3A_323] {strides = array<i32>} : memref<16x128xf32, #tpu.memory_space<vmem>>, vector<1x16xf32>,
        %parallel_loop3A_325 = vector.shape_cast %parallel_loop3A_324 : vector<1x16xf32> to vector<16xf32>
        %parallel_loop3A_326 = vector.shape_cast %parallel_loop3A_321 : vector<16xf32> to vector<1x16xf32>
        tpu.vector_store %arg9[%parallel_loop3A_322, %parallel_loop3A_323], %parallel_loop3A_326 {strides = array<i32>} : memref<16x128xf32, #tpu.memory_space<vmem>>, vector<1x16xf32>,
        %parallel_loop3A_327 = arith.constant 0 : i32
        %parallel_loop3A_328 = arith.addi %parallel_loop3A_98, %parallel_loop3A_327 : i32
        %parallel_loop3A_329 = arith.index_cast %parallel_loop3A_328 : i32 to index
        %parallel_loop3A_330 = arith.constant 48 : index
        %parallel_loop3A_331 = tpu.vector_load %arg7[%parallel_loop3A_329, %parallel_loop3A_330] {strides = array<i32>} : memref<160x128xf32, #tpu.memory_space<vmem>>, vector<1x16xf32>,
        %parallel_loop3A_332 = vector.shape_cast %parallel_loop3A_331 : vector<1x16xf32> to vector<16xf32>
        %parallel_loop3A_333 = arith.constant 1 : i32
        %parallel_loop3A_334 = arith.addi %parallel_loop3A_98, %parallel_loop3A_333 : i32
        %parallel_loop3A_335 = arith.index_cast %parallel_loop3A_334 : i32 to index
        %parallel_loop3A_336 = arith.constant 48 : index
        %parallel_loop3A_337 = tpu.vector_load %arg7[%parallel_loop3A_335, %parallel_loop3A_336] {strides = array<i32>} : memref<160x128xf32, #tpu.memory_space<vmem>>, vector<1x16xf32>,
        %parallel_loop3A_338 = vector.shape_cast %parallel_loop3A_337 : vector<1x16xf32> to vector<16xf32>
        %parallel_loop3A_339 = arith.constant 2 : i32
        %parallel_loop3A_340 = arith.addi %parallel_loop3A_98, %parallel_loop3A_339 : i32
        %parallel_loop3A_341 = arith.index_cast %parallel_loop3A_340 : i32 to index
        %parallel_loop3A_342 = arith.constant 48 : index
        %parallel_loop3A_343 = tpu.vector_load %arg7[%parallel_loop3A_341, %parallel_loop3A_342] {strides = array<i32>} : memref<160x128xf32, #tpu.memory_space<vmem>>, vector<1x16xf32>,
        %parallel_loop3A_344 = vector.shape_cast %parallel_loop3A_343 : vector<1x16xf32> to vector<16xf32>
        %parallel_loop3A_345 = arith.constant 3 : i32
        %parallel_loop3A_346 = arith.addi %parallel_loop3A_98, %parallel_loop3A_345 : i32
        %parallel_loop3A_347 = arith.index_cast %parallel_loop3A_346 : i32 to index
        %parallel_loop3A_348 = arith.constant 48 : index
        %parallel_loop3A_349 = tpu.vector_load %arg7[%parallel_loop3A_347, %parallel_loop3A_348] {strides = array<i32>} : memref<160x128xf32, #tpu.memory_space<vmem>>, vector<1x16xf32>,
        %parallel_loop3A_350 = vector.shape_cast %parallel_loop3A_349 : vector<1x16xf32> to vector<16xf32>
        %parallel_loop3A_351 = arith.constant 4 : i32
        %parallel_loop3A_352 = arith.addi %parallel_loop3A_98, %parallel_loop3A_351 : i32
        %parallel_loop3A_353 = arith.index_cast %parallel_loop3A_352 : i32 to index
        %parallel_loop3A_354 = arith.constant 48 : index
        %parallel_loop3A_355 = tpu.vector_load %arg7[%parallel_loop3A_353, %parallel_loop3A_354] {strides = array<i32>} : memref<160x128xf32, #tpu.memory_space<vmem>>, vector<1x16xf32>,
        %parallel_loop3A_356 = vector.shape_cast %parallel_loop3A_355 : vector<1x16xf32> to vector<16xf32>
        %parallel_loop3A_357 = arith.constant 5 : i32
        %parallel_loop3A_358 = arith.addi %parallel_loop3A_98, %parallel_loop3A_357 : i32
        %parallel_loop3A_359 = arith.index_cast %parallel_loop3A_358 : i32 to index
        %parallel_loop3A_360 = arith.constant 48 : index
        %parallel_loop3A_361 = tpu.vector_load %arg7[%parallel_loop3A_359, %parallel_loop3A_360] {strides = array<i32>} : memref<160x128xf32, #tpu.memory_space<vmem>>, vector<1x16xf32>,
        %parallel_loop3A_362 = vector.shape_cast %parallel_loop3A_361 : vector<1x16xf32> to vector<16xf32>
        %parallel_loop3A_363 = arith.constant 6 : i32
        %parallel_loop3A_364 = arith.addi %parallel_loop3A_98, %parallel_loop3A_363 : i32
        %parallel_loop3A_365 = arith.index_cast %parallel_loop3A_364 : i32 to index
        %parallel_loop3A_366 = arith.constant 48 : index
        %parallel_loop3A_367 = tpu.vector_load %arg7[%parallel_loop3A_365, %parallel_loop3A_366] {strides = array<i32>} : memref<160x128xf32, #tpu.memory_space<vmem>>, vector<1x16xf32>,
        %parallel_loop3A_368 = vector.shape_cast %parallel_loop3A_367 : vector<1x16xf32> to vector<16xf32>
        %parallel_loop3A_369 = arith.constant 7 : i32
        %parallel_loop3A_370 = arith.addi %parallel_loop3A_98, %parallel_loop3A_369 : i32
        %parallel_loop3A_371 = arith.index_cast %parallel_loop3A_370 : i32 to index
        %parallel_loop3A_372 = arith.constant 48 : index
        %parallel_loop3A_373 = tpu.vector_load %arg7[%parallel_loop3A_371, %parallel_loop3A_372] {strides = array<i32>} : memref<160x128xf32, #tpu.memory_space<vmem>>, vector<1x16xf32>,
        %parallel_loop3A_374 = vector.shape_cast %parallel_loop3A_373 : vector<1x16xf32> to vector<16xf32>
        %parallel_loop3A_375 = arith.constant 8 : i32
        %parallel_loop3A_376 = arith.addi %parallel_loop3A_98, %parallel_loop3A_375 : i32
        %parallel_loop3A_377 = arith.index_cast %parallel_loop3A_376 : i32 to index
        %parallel_loop3A_378 = arith.constant 48 : index
        %parallel_loop3A_379 = tpu.vector_load %arg7[%parallel_loop3A_377, %parallel_loop3A_378] {strides = array<i32>} : memref<160x128xf32, #tpu.memory_space<vmem>>, vector<1x16xf32>,
        %parallel_loop3A_380 = vector.shape_cast %parallel_loop3A_379 : vector<1x16xf32> to vector<16xf32>
        %parallel_loop3A_381 = arith.constant 9 : i32
        %parallel_loop3A_382 = arith.addi %parallel_loop3A_98, %parallel_loop3A_381 : i32
        %parallel_loop3A_383 = arith.index_cast %parallel_loop3A_382 : i32 to index
        %parallel_loop3A_384 = arith.constant 48 : index
        %parallel_loop3A_385 = tpu.vector_load %arg7[%parallel_loop3A_383, %parallel_loop3A_384] {strides = array<i32>} : memref<160x128xf32, #tpu.memory_space<vmem>>, vector<1x16xf32>,
        %parallel_loop3A_386 = vector.shape_cast %parallel_loop3A_385 : vector<1x16xf32> to vector<16xf32>
        %parallel_loop3A_387 = arith.addf %parallel_loop3A_332, %parallel_loop3A_338 : vector<16xf32>
        %parallel_loop3A_388 = arith.addf %parallel_loop3A_344, %parallel_loop3A_350 : vector<16xf32>
        %parallel_loop3A_389 = arith.addf %parallel_loop3A_356, %parallel_loop3A_362 : vector<16xf32>
        %parallel_loop3A_390 = arith.addf %parallel_loop3A_368, %parallel_loop3A_374 : vector<16xf32>
        %parallel_loop3A_391 = arith.addf %parallel_loop3A_380, %parallel_loop3A_386 : vector<16xf32>
        %parallel_loop3A_392 = arith.addf %parallel_loop3A_387, %parallel_loop3A_388 : vector<16xf32>
        %parallel_loop3A_393 = arith.addf %parallel_loop3A_389, %parallel_loop3A_390 : vector<16xf32>
        %parallel_loop3A_394 = arith.addf %parallel_loop3A_392, %parallel_loop3A_393 : vector<16xf32>
        %parallel_loop3A_395 = arith.addf %parallel_loop3A_394, %parallel_loop3A_391 : vector<16xf32>
        %parallel_loop3A_396 = vector.broadcast %parallel_loop3A_85 : f32 to vector<16xf32>
        %parallel_loop3A_397 = arith.mulf %parallel_loop3A_395, %parallel_loop3A_396 : vector<16xf32>
        %parallel_loop3A_398 = arith.index_cast %parallel_loop3A_96 : i32 to index
        %parallel_loop3A_399 = arith.constant 48 : index
        %parallel_loop3A_400 = tpu.vector_load %arg9[%parallel_loop3A_398, %parallel_loop3A_399] {strides = array<i32>} : memref<16x128xf32, #tpu.memory_space<vmem>>, vector<1x16xf32>,
        %parallel_loop3A_401 = vector.shape_cast %parallel_loop3A_400 : vector<1x16xf32> to vector<16xf32>
        %parallel_loop3A_402 = vector.shape_cast %parallel_loop3A_397 : vector<16xf32> to vector<1x16xf32>
        tpu.vector_store %arg9[%parallel_loop3A_398, %parallel_loop3A_399], %parallel_loop3A_402 {strides = array<i32>} : memref<16x128xf32, #tpu.memory_space<vmem>>, vector<1x16xf32>,
        %parallel_loop3A_403 = arith.constant 0 : i32
        %parallel_loop3A_404 = arith.addi %parallel_loop3A_98, %parallel_loop3A_403 : i32
        %parallel_loop3A_405 = arith.index_cast %parallel_loop3A_404 : i32 to index
        %parallel_loop3A_406 = arith.constant 64 : index
        %parallel_loop3A_407 = tpu.vector_load %arg7[%parallel_loop3A_405, %parallel_loop3A_406] {strides = array<i32>} : memref<160x128xf32, #tpu.memory_space<vmem>>, vector<1x16xf32>,
        %parallel_loop3A_408 = vector.shape_cast %parallel_loop3A_407 : vector<1x16xf32> to vector<16xf32>
        %parallel_loop3A_409 = arith.constant 1 : i32
        %parallel_loop3A_410 = arith.addi %parallel_loop3A_98, %parallel_loop3A_409 : i32
        %parallel_loop3A_411 = arith.index_cast %parallel_loop3A_410 : i32 to index
        %parallel_loop3A_412 = arith.constant 64 : index
        %parallel_loop3A_413 = tpu.vector_load %arg7[%parallel_loop3A_411, %parallel_loop3A_412] {strides = array<i32>} : memref<160x128xf32, #tpu.memory_space<vmem>>, vector<1x16xf32>,
        %parallel_loop3A_414 = vector.shape_cast %parallel_loop3A_413 : vector<1x16xf32> to vector<16xf32>
        %parallel_loop3A_415 = arith.constant 2 : i32
        %parallel_loop3A_416 = arith.addi %parallel_loop3A_98, %parallel_loop3A_415 : i32
        %parallel_loop3A_417 = arith.index_cast %parallel_loop3A_416 : i32 to index
        %parallel_loop3A_418 = arith.constant 64 : index
        %parallel_loop3A_419 = tpu.vector_load %arg7[%parallel_loop3A_417, %parallel_loop3A_418] {strides = array<i32>} : memref<160x128xf32, #tpu.memory_space<vmem>>, vector<1x16xf32>,
        %parallel_loop3A_420 = vector.shape_cast %parallel_loop3A_419 : vector<1x16xf32> to vector<16xf32>
        %parallel_loop3A_421 = arith.constant 3 : i32
        %parallel_loop3A_422 = arith.addi %parallel_loop3A_98, %parallel_loop3A_421 : i32
        %parallel_loop3A_423 = arith.index_cast %parallel_loop3A_422 : i32 to index
        %parallel_loop3A_424 = arith.constant 64 : index
        %parallel_loop3A_425 = tpu.vector_load %arg7[%parallel_loop3A_423, %parallel_loop3A_424] {strides = array<i32>} : memref<160x128xf32, #tpu.memory_space<vmem>>, vector<1x16xf32>,
        %parallel_loop3A_426 = vector.shape_cast %parallel_loop3A_425 : vector<1x16xf32> to vector<16xf32>
        %parallel_loop3A_427 = arith.constant 4 : i32
        %parallel_loop3A_428 = arith.addi %parallel_loop3A_98, %parallel_loop3A_427 : i32
        %parallel_loop3A_429 = arith.index_cast %parallel_loop3A_428 : i32 to index
        %parallel_loop3A_430 = arith.constant 64 : index
        %parallel_loop3A_431 = tpu.vector_load %arg7[%parallel_loop3A_429, %parallel_loop3A_430] {strides = array<i32>} : memref<160x128xf32, #tpu.memory_space<vmem>>, vector<1x16xf32>,
        %parallel_loop3A_432 = vector.shape_cast %parallel_loop3A_431 : vector<1x16xf32> to vector<16xf32>
        %parallel_loop3A_433 = arith.constant 5 : i32
        %parallel_loop3A_434 = arith.addi %parallel_loop3A_98, %parallel_loop3A_433 : i32
        %parallel_loop3A_435 = arith.index_cast %parallel_loop3A_434 : i32 to index
        %parallel_loop3A_436 = arith.constant 64 : index
        %parallel_loop3A_437 = tpu.vector_load %arg7[%parallel_loop3A_435, %parallel_loop3A_436] {strides = array<i32>} : memref<160x128xf32, #tpu.memory_space<vmem>>, vector<1x16xf32>,
        %parallel_loop3A_438 = vector.shape_cast %parallel_loop3A_437 : vector<1x16xf32> to vector<16xf32>
        %parallel_loop3A_439 = arith.constant 6 : i32
        %parallel_loop3A_440 = arith.addi %parallel_loop3A_98, %parallel_loop3A_439 : i32
        %parallel_loop3A_441 = arith.index_cast %parallel_loop3A_440 : i32 to index
        %parallel_loop3A_442 = arith.constant 64 : index
        %parallel_loop3A_443 = tpu.vector_load %arg7[%parallel_loop3A_441, %parallel_loop3A_442] {strides = array<i32>} : memref<160x128xf32, #tpu.memory_space<vmem>>, vector<1x16xf32>,
        %parallel_loop3A_444 = vector.shape_cast %parallel_loop3A_443 : vector<1x16xf32> to vector<16xf32>
        %parallel_loop3A_445 = arith.constant 7 : i32
        %parallel_loop3A_446 = arith.addi %parallel_loop3A_98, %parallel_loop3A_445 : i32
        %parallel_loop3A_447 = arith.index_cast %parallel_loop3A_446 : i32 to index
        %parallel_loop3A_448 = arith.constant 64 : index
        %parallel_loop3A_449 = tpu.vector_load %arg7[%parallel_loop3A_447, %parallel_loop3A_448] {strides = array<i32>} : memref<160x128xf32, #tpu.memory_space<vmem>>, vector<1x16xf32>,
        %parallel_loop3A_450 = vector.shape_cast %parallel_loop3A_449 : vector<1x16xf32> to vector<16xf32>
        %parallel_loop3A_451 = arith.constant 8 : i32
        %parallel_loop3A_452 = arith.addi %parallel_loop3A_98, %parallel_loop3A_451 : i32
        %parallel_loop3A_453 = arith.index_cast %parallel_loop3A_452 : i32 to index
        %parallel_loop3A_454 = arith.constant 64 : index
        %parallel_loop3A_455 = tpu.vector_load %arg7[%parallel_loop3A_453, %parallel_loop3A_454] {strides = array<i32>} : memref<160x128xf32, #tpu.memory_space<vmem>>, vector<1x16xf32>,
        %parallel_loop3A_456 = vector.shape_cast %parallel_loop3A_455 : vector<1x16xf32> to vector<16xf32>
        %parallel_loop3A_457 = arith.constant 9 : i32
        %parallel_loop3A_458 = arith.addi %parallel_loop3A_98, %parallel_loop3A_457 : i32
        %parallel_loop3A_459 = arith.index_cast %parallel_loop3A_458 : i32 to index
        %parallel_loop3A_460 = arith.constant 64 : index
        %parallel_loop3A_461 = tpu.vector_load %arg7[%parallel_loop3A_459, %parallel_loop3A_460] {strides = array<i32>} : memref<160x128xf32, #tpu.memory_space<vmem>>, vector<1x16xf32>,
        %parallel_loop3A_462 = vector.shape_cast %parallel_loop3A_461 : vector<1x16xf32> to vector<16xf32>
        %parallel_loop3A_463 = arith.addf %parallel_loop3A_408, %parallel_loop3A_414 : vector<16xf32>
        %parallel_loop3A_464 = arith.addf %parallel_loop3A_420, %parallel_loop3A_426 : vector<16xf32>
        %parallel_loop3A_465 = arith.addf %parallel_loop3A_432, %parallel_loop3A_438 : vector<16xf32>
        %parallel_loop3A_466 = arith.addf %parallel_loop3A_444, %parallel_loop3A_450 : vector<16xf32>
        %parallel_loop3A_467 = arith.addf %parallel_loop3A_456, %parallel_loop3A_462 : vector<16xf32>
        %parallel_loop3A_468 = arith.addf %parallel_loop3A_463, %parallel_loop3A_464 : vector<16xf32>
        %parallel_loop3A_469 = arith.addf %parallel_loop3A_465, %parallel_loop3A_466 : vector<16xf32>
        %parallel_loop3A_470 = arith.addf %parallel_loop3A_468, %parallel_loop3A_469 : vector<16xf32>
        %parallel_loop3A_471 = arith.addf %parallel_loop3A_470, %parallel_loop3A_467 : vector<16xf32>
        %parallel_loop3A_472 = vector.broadcast %parallel_loop3A_85 : f32 to vector<16xf32>
        %parallel_loop3A_473 = arith.mulf %parallel_loop3A_471, %parallel_loop3A_472 : vector<16xf32>
        %parallel_loop3A_474 = arith.index_cast %parallel_loop3A_96 : i32 to index
        %parallel_loop3A_475 = arith.constant 64 : index
        %parallel_loop3A_476 = tpu.vector_load %arg9[%parallel_loop3A_474, %parallel_loop3A_475] {strides = array<i32>} : memref<16x128xf32, #tpu.memory_space<vmem>>, vector<1x16xf32>,
        %parallel_loop3A_477 = vector.shape_cast %parallel_loop3A_476 : vector<1x16xf32> to vector<16xf32>
        %parallel_loop3A_478 = vector.shape_cast %parallel_loop3A_473 : vector<16xf32> to vector<1x16xf32>
        tpu.vector_store %arg9[%parallel_loop3A_474, %parallel_loop3A_475], %parallel_loop3A_478 {strides = array<i32>} : memref<16x128xf32, #tpu.memory_space<vmem>>, vector<1x16xf32>,
        %parallel_loop3A_479 = arith.constant 0 : i32
        %parallel_loop3A_480 = arith.addi %parallel_loop3A_98, %parallel_loop3A_479 : i32
        %parallel_loop3A_481 = arith.index_cast %parallel_loop3A_480 : i32 to index
        %parallel_loop3A_482 = arith.constant 80 : index
        %parallel_loop3A_483 = tpu.vector_load %arg7[%parallel_loop3A_481, %parallel_loop3A_482] {strides = array<i32>} : memref<160x128xf32, #tpu.memory_space<vmem>>, vector<1x16xf32>,
        %parallel_loop3A_484 = vector.shape_cast %parallel_loop3A_483 : vector<1x16xf32> to vector<16xf32>
        %parallel_loop3A_485 = arith.constant 1 : i32
        %parallel_loop3A_486 = arith.addi %parallel_loop3A_98, %parallel_loop3A_485 : i32
        %parallel_loop3A_487 = arith.index_cast %parallel_loop3A_486 : i32 to index
        %parallel_loop3A_488 = arith.constant 80 : index
        %parallel_loop3A_489 = tpu.vector_load %arg7[%parallel_loop3A_487, %parallel_loop3A_488] {strides = array<i32>} : memref<160x128xf32, #tpu.memory_space<vmem>>, vector<1x16xf32>,
        %parallel_loop3A_490 = vector.shape_cast %parallel_loop3A_489 : vector<1x16xf32> to vector<16xf32>
        %parallel_loop3A_491 = arith.constant 2 : i32
        %parallel_loop3A_492 = arith.addi %parallel_loop3A_98, %parallel_loop3A_491 : i32
        %parallel_loop3A_493 = arith.index_cast %parallel_loop3A_492 : i32 to index
        %parallel_loop3A_494 = arith.constant 80 : index
        %parallel_loop3A_495 = tpu.vector_load %arg7[%parallel_loop3A_493, %parallel_loop3A_494] {strides = array<i32>} : memref<160x128xf32, #tpu.memory_space<vmem>>, vector<1x16xf32>,
        %parallel_loop3A_496 = vector.shape_cast %parallel_loop3A_495 : vector<1x16xf32> to vector<16xf32>
        %parallel_loop3A_497 = arith.constant 3 : i32
        %parallel_loop3A_498 = arith.addi %parallel_loop3A_98, %parallel_loop3A_497 : i32
        %parallel_loop3A_499 = arith.index_cast %parallel_loop3A_498 : i32 to index
        %parallel_loop3A_500 = arith.constant 80 : index
        %parallel_loop3A_501 = tpu.vector_load %arg7[%parallel_loop3A_499, %parallel_loop3A_500] {strides = array<i32>} : memref<160x128xf32, #tpu.memory_space<vmem>>, vector<1x16xf32>,
        %parallel_loop3A_502 = vector.shape_cast %parallel_loop3A_501 : vector<1x16xf32> to vector<16xf32>
        %parallel_loop3A_503 = arith.constant 4 : i32
        %parallel_loop3A_504 = arith.addi %parallel_loop3A_98, %parallel_loop3A_503 : i32
        %parallel_loop3A_505 = arith.index_cast %parallel_loop3A_504 : i32 to index
        %parallel_loop3A_506 = arith.constant 80 : index
        %parallel_loop3A_507 = tpu.vector_load %arg7[%parallel_loop3A_505, %parallel_loop3A_506] {strides = array<i32>} : memref<160x128xf32, #tpu.memory_space<vmem>>, vector<1x16xf32>,
        %parallel_loop3A_508 = vector.shape_cast %parallel_loop3A_507 : vector<1x16xf32> to vector<16xf32>
        %parallel_loop3A_509 = arith.constant 5 : i32
        %parallel_loop3A_510 = arith.addi %parallel_loop3A_98, %parallel_loop3A_509 : i32
        %parallel_loop3A_511 = arith.index_cast %parallel_loop3A_510 : i32 to index
        %parallel_loop3A_512 = arith.constant 80 : index
        %parallel_loop3A_513 = tpu.vector_load %arg7[%parallel_loop3A_511, %parallel_loop3A_512] {strides = array<i32>} : memref<160x128xf32, #tpu.memory_space<vmem>>, vector<1x16xf32>,
        %parallel_loop3A_514 = vector.shape_cast %parallel_loop3A_513 : vector<1x16xf32> to vector<16xf32>
        %parallel_loop3A_515 = arith.constant 6 : i32
        %parallel_loop3A_516 = arith.addi %parallel_loop3A_98, %parallel_loop3A_515 : i32
        %parallel_loop3A_517 = arith.index_cast %parallel_loop3A_516 : i32 to index
        %parallel_loop3A_518 = arith.constant 80 : index
        %parallel_loop3A_519 = tpu.vector_load %arg7[%parallel_loop3A_517, %parallel_loop3A_518] {strides = array<i32>} : memref<160x128xf32, #tpu.memory_space<vmem>>, vector<1x16xf32>,
        %parallel_loop3A_520 = vector.shape_cast %parallel_loop3A_519 : vector<1x16xf32> to vector<16xf32>
        %parallel_loop3A_521 = arith.constant 7 : i32
        %parallel_loop3A_522 = arith.addi %parallel_loop3A_98, %parallel_loop3A_521 : i32
        %parallel_loop3A_523 = arith.index_cast %parallel_loop3A_522 : i32 to index
        %parallel_loop3A_524 = arith.constant 80 : index
        %parallel_loop3A_525 = tpu.vector_load %arg7[%parallel_loop3A_523, %parallel_loop3A_524] {strides = array<i32>} : memref<160x128xf32, #tpu.memory_space<vmem>>, vector<1x16xf32>,
        %parallel_loop3A_526 = vector.shape_cast %parallel_loop3A_525 : vector<1x16xf32> to vector<16xf32>
        %parallel_loop3A_527 = arith.constant 8 : i32
        %parallel_loop3A_528 = arith.addi %parallel_loop3A_98, %parallel_loop3A_527 : i32
        %parallel_loop3A_529 = arith.index_cast %parallel_loop3A_528 : i32 to index
        %parallel_loop3A_530 = arith.constant 80 : index
        %parallel_loop3A_531 = tpu.vector_load %arg7[%parallel_loop3A_529, %parallel_loop3A_530] {strides = array<i32>} : memref<160x128xf32, #tpu.memory_space<vmem>>, vector<1x16xf32>,
        %parallel_loop3A_532 = vector.shape_cast %parallel_loop3A_531 : vector<1x16xf32> to vector<16xf32>
        %parallel_loop3A_533 = arith.constant 9 : i32
        %parallel_loop3A_534 = arith.addi %parallel_loop3A_98, %parallel_loop3A_533 : i32
        %parallel_loop3A_535 = arith.index_cast %parallel_loop3A_534 : i32 to index
        %parallel_loop3A_536 = arith.constant 80 : index
        %parallel_loop3A_537 = tpu.vector_load %arg7[%parallel_loop3A_535, %parallel_loop3A_536] {strides = array<i32>} : memref<160x128xf32, #tpu.memory_space<vmem>>, vector<1x16xf32>,
        %parallel_loop3A_538 = vector.shape_cast %parallel_loop3A_537 : vector<1x16xf32> to vector<16xf32>
        %parallel_loop3A_539 = arith.addf %parallel_loop3A_484, %parallel_loop3A_490 : vector<16xf32>
        %parallel_loop3A_540 = arith.addf %parallel_loop3A_496, %parallel_loop3A_502 : vector<16xf32>
        %parallel_loop3A_541 = arith.addf %parallel_loop3A_508, %parallel_loop3A_514 : vector<16xf32>
        %parallel_loop3A_542 = arith.addf %parallel_loop3A_520, %parallel_loop3A_526 : vector<16xf32>
        %parallel_loop3A_543 = arith.addf %parallel_loop3A_532, %parallel_loop3A_538 : vector<16xf32>
        %parallel_loop3A_544 = arith.addf %parallel_loop3A_539, %parallel_loop3A_540 : vector<16xf32>
        %parallel_loop3A_545 = arith.addf %parallel_loop3A_541, %parallel_loop3A_542 : vector<16xf32>
        %parallel_loop3A_546 = arith.addf %parallel_loop3A_544, %parallel_loop3A_545 : vector<16xf32>
        %parallel_loop3A_547 = arith.addf %parallel_loop3A_546, %parallel_loop3A_543 : vector<16xf32>
        %parallel_loop3A_548 = vector.broadcast %parallel_loop3A_85 : f32 to vector<16xf32>
        %parallel_loop3A_549 = arith.mulf %parallel_loop3A_547, %parallel_loop3A_548 : vector<16xf32>
        %parallel_loop3A_550 = arith.index_cast %parallel_loop3A_96 : i32 to index
        %parallel_loop3A_551 = arith.constant 80 : index
        %parallel_loop3A_552 = tpu.vector_load %arg9[%parallel_loop3A_550, %parallel_loop3A_551] {strides = array<i32>} : memref<16x128xf32, #tpu.memory_space<vmem>>, vector<1x16xf32>,
        %parallel_loop3A_553 = vector.shape_cast %parallel_loop3A_552 : vector<1x16xf32> to vector<16xf32>
        %parallel_loop3A_554 = vector.shape_cast %parallel_loop3A_549 : vector<16xf32> to vector<1x16xf32>
        tpu.vector_store %arg9[%parallel_loop3A_550, %parallel_loop3A_551], %parallel_loop3A_554 {strides = array<i32>} : memref<16x128xf32, #tpu.memory_space<vmem>>, vector<1x16xf32>,
        %parallel_loop3A_555 = arith.constant 0 : i32
        %parallel_loop3A_556 = arith.addi %parallel_loop3A_98, %parallel_loop3A_555 : i32
        %parallel_loop3A_557 = arith.index_cast %parallel_loop3A_556 : i32 to index
        %parallel_loop3A_558 = arith.constant 96 : index
        %parallel_loop3A_559 = tpu.vector_load %arg7[%parallel_loop3A_557, %parallel_loop3A_558] {strides = array<i32>} : memref<160x128xf32, #tpu.memory_space<vmem>>, vector<1x16xf32>,
        %parallel_loop3A_560 = vector.shape_cast %parallel_loop3A_559 : vector<1x16xf32> to vector<16xf32>
        %parallel_loop3A_561 = arith.constant 1 : i32
        %parallel_loop3A_562 = arith.addi %parallel_loop3A_98, %parallel_loop3A_561 : i32
        %parallel_loop3A_563 = arith.index_cast %parallel_loop3A_562 : i32 to index
        %parallel_loop3A_564 = arith.constant 96 : index
        %parallel_loop3A_565 = tpu.vector_load %arg7[%parallel_loop3A_563, %parallel_loop3A_564] {strides = array<i32>} : memref<160x128xf32, #tpu.memory_space<vmem>>, vector<1x16xf32>,
        %parallel_loop3A_566 = vector.shape_cast %parallel_loop3A_565 : vector<1x16xf32> to vector<16xf32>
        %parallel_loop3A_567 = arith.constant 2 : i32
        %parallel_loop3A_568 = arith.addi %parallel_loop3A_98, %parallel_loop3A_567 : i32
        %parallel_loop3A_569 = arith.index_cast %parallel_loop3A_568 : i32 to index
        %parallel_loop3A_570 = arith.constant 96 : index
        %parallel_loop3A_571 = tpu.vector_load %arg7[%parallel_loop3A_569, %parallel_loop3A_570] {strides = array<i32>} : memref<160x128xf32, #tpu.memory_space<vmem>>, vector<1x16xf32>,
        %parallel_loop3A_572 = vector.shape_cast %parallel_loop3A_571 : vector<1x16xf32> to vector<16xf32>
        %parallel_loop3A_573 = arith.constant 3 : i32
        %parallel_loop3A_574 = arith.addi %parallel_loop3A_98, %parallel_loop3A_573 : i32
        %parallel_loop3A_575 = arith.index_cast %parallel_loop3A_574 : i32 to index
        %parallel_loop3A_576 = arith.constant 96 : index
        %parallel_loop3A_577 = tpu.vector_load %arg7[%parallel_loop3A_575, %parallel_loop3A_576] {strides = array<i32>} : memref<160x128xf32, #tpu.memory_space<vmem>>, vector<1x16xf32>,
        %parallel_loop3A_578 = vector.shape_cast %parallel_loop3A_577 : vector<1x16xf32> to vector<16xf32>
        %parallel_loop3A_579 = arith.constant 4 : i32
        %parallel_loop3A_580 = arith.addi %parallel_loop3A_98, %parallel_loop3A_579 : i32
        %parallel_loop3A_581 = arith.index_cast %parallel_loop3A_580 : i32 to index
        %parallel_loop3A_582 = arith.constant 96 : index
        %parallel_loop3A_583 = tpu.vector_load %arg7[%parallel_loop3A_581, %parallel_loop3A_582] {strides = array<i32>} : memref<160x128xf32, #tpu.memory_space<vmem>>, vector<1x16xf32>,
        %parallel_loop3A_584 = vector.shape_cast %parallel_loop3A_583 : vector<1x16xf32> to vector<16xf32>
        %parallel_loop3A_585 = arith.constant 5 : i32
        %parallel_loop3A_586 = arith.addi %parallel_loop3A_98, %parallel_loop3A_585 : i32
        %parallel_loop3A_587 = arith.index_cast %parallel_loop3A_586 : i32 to index
        %parallel_loop3A_588 = arith.constant 96 : index
        %parallel_loop3A_589 = tpu.vector_load %arg7[%parallel_loop3A_587, %parallel_loop3A_588] {strides = array<i32>} : memref<160x128xf32, #tpu.memory_space<vmem>>, vector<1x16xf32>,
        %parallel_loop3A_590 = vector.shape_cast %parallel_loop3A_589 : vector<1x16xf32> to vector<16xf32>
        %parallel_loop3A_591 = arith.constant 6 : i32
        %parallel_loop3A_592 = arith.addi %parallel_loop3A_98, %parallel_loop3A_591 : i32
        %parallel_loop3A_593 = arith.index_cast %parallel_loop3A_592 : i32 to index
        %parallel_loop3A_594 = arith.constant 96 : index
        %parallel_loop3A_595 = tpu.vector_load %arg7[%parallel_loop3A_593, %parallel_loop3A_594] {strides = array<i32>} : memref<160x128xf32, #tpu.memory_space<vmem>>, vector<1x16xf32>,
        %parallel_loop3A_596 = vector.shape_cast %parallel_loop3A_595 : vector<1x16xf32> to vector<16xf32>
        %parallel_loop3A_597 = arith.constant 7 : i32
        %parallel_loop3A_598 = arith.addi %parallel_loop3A_98, %parallel_loop3A_597 : i32
        %parallel_loop3A_599 = arith.index_cast %parallel_loop3A_598 : i32 to index
        %parallel_loop3A_600 = arith.constant 96 : index
        %parallel_loop3A_601 = tpu.vector_load %arg7[%parallel_loop3A_599, %parallel_loop3A_600] {strides = array<i32>} : memref<160x128xf32, #tpu.memory_space<vmem>>, vector<1x16xf32>,
        %parallel_loop3A_602 = vector.shape_cast %parallel_loop3A_601 : vector<1x16xf32> to vector<16xf32>
        %parallel_loop3A_603 = arith.constant 8 : i32
        %parallel_loop3A_604 = arith.addi %parallel_loop3A_98, %parallel_loop3A_603 : i32
        %parallel_loop3A_605 = arith.index_cast %parallel_loop3A_604 : i32 to index
        %parallel_loop3A_606 = arith.constant 96 : index
        %parallel_loop3A_607 = tpu.vector_load %arg7[%parallel_loop3A_605, %parallel_loop3A_606] {strides = array<i32>} : memref<160x128xf32, #tpu.memory_space<vmem>>, vector<1x16xf32>,
        %parallel_loop3A_608 = vector.shape_cast %parallel_loop3A_607 : vector<1x16xf32> to vector<16xf32>
        %parallel_loop3A_609 = arith.constant 9 : i32
        %parallel_loop3A_610 = arith.addi %parallel_loop3A_98, %parallel_loop3A_609 : i32
        %parallel_loop3A_611 = arith.index_cast %parallel_loop3A_610 : i32 to index
        %parallel_loop3A_612 = arith.constant 96 : index
        %parallel_loop3A_613 = tpu.vector_load %arg7[%parallel_loop3A_611, %parallel_loop3A_612] {strides = array<i32>} : memref<160x128xf32, #tpu.memory_space<vmem>>, vector<1x16xf32>,
        %parallel_loop3A_614 = vector.shape_cast %parallel_loop3A_613 : vector<1x16xf32> to vector<16xf32>
        %parallel_loop3A_615 = arith.addf %parallel_loop3A_560, %parallel_loop3A_566 : vector<16xf32>
        %parallel_loop3A_616 = arith.addf %parallel_loop3A_572, %parallel_loop3A_578 : vector<16xf32>
        %parallel_loop3A_617 = arith.addf %parallel_loop3A_584, %parallel_loop3A_590 : vector<16xf32>
        %parallel_loop3A_618 = arith.addf %parallel_loop3A_596, %parallel_loop3A_602 : vector<16xf32>
        %parallel_loop3A_619 = arith.addf %parallel_loop3A_608, %parallel_loop3A_614 : vector<16xf32>
        %parallel_loop3A_620 = arith.addf %parallel_loop3A_615, %parallel_loop3A_616 : vector<16xf32>
        %parallel_loop3A_621 = arith.addf %parallel_loop3A_617, %parallel_loop3A_618 : vector<16xf32>
        %parallel_loop3A_622 = arith.addf %parallel_loop3A_620, %parallel_loop3A_621 : vector<16xf32>
        %parallel_loop3A_623 = arith.addf %parallel_loop3A_622, %parallel_loop3A_619 : vector<16xf32>
        %parallel_loop3A_624 = vector.broadcast %parallel_loop3A_85 : f32 to vector<16xf32>
        %parallel_loop3A_625 = arith.mulf %parallel_loop3A_623, %parallel_loop3A_624 : vector<16xf32>
        %parallel_loop3A_626 = arith.index_cast %parallel_loop3A_96 : i32 to index
        %parallel_loop3A_627 = arith.constant 96 : index
        %parallel_loop3A_628 = tpu.vector_load %arg9[%parallel_loop3A_626, %parallel_loop3A_627] {strides = array<i32>} : memref<16x128xf32, #tpu.memory_space<vmem>>, vector<1x16xf32>,
        %parallel_loop3A_629 = vector.shape_cast %parallel_loop3A_628 : vector<1x16xf32> to vector<16xf32>
        %parallel_loop3A_630 = vector.shape_cast %parallel_loop3A_625 : vector<16xf32> to vector<1x16xf32>
        tpu.vector_store %arg9[%parallel_loop3A_626, %parallel_loop3A_627], %parallel_loop3A_630 {strides = array<i32>} : memref<16x128xf32, #tpu.memory_space<vmem>>, vector<1x16xf32>,
        %parallel_loop3A_631 = arith.constant 0 : i32
        %parallel_loop3A_632 = arith.addi %parallel_loop3A_98, %parallel_loop3A_631 : i32
        %parallel_loop3A_633 = arith.index_cast %parallel_loop3A_632 : i32 to index
        %parallel_loop3A_634 = arith.constant 112 : index
        %parallel_loop3A_635 = tpu.vector_load %arg7[%parallel_loop3A_633, %parallel_loop3A_634] {strides = array<i32>} : memref<160x128xf32, #tpu.memory_space<vmem>>, vector<1x16xf32>,
        %parallel_loop3A_636 = vector.shape_cast %parallel_loop3A_635 : vector<1x16xf32> to vector<16xf32>
        %parallel_loop3A_637 = arith.constant 1 : i32
        %parallel_loop3A_638 = arith.addi %parallel_loop3A_98, %parallel_loop3A_637 : i32
        %parallel_loop3A_639 = arith.index_cast %parallel_loop3A_638 : i32 to index
        %parallel_loop3A_640 = arith.constant 112 : index
        %parallel_loop3A_641 = tpu.vector_load %arg7[%parallel_loop3A_639, %parallel_loop3A_640] {strides = array<i32>} : memref<160x128xf32, #tpu.memory_space<vmem>>, vector<1x16xf32>,
        %parallel_loop3A_642 = vector.shape_cast %parallel_loop3A_641 : vector<1x16xf32> to vector<16xf32>
        %parallel_loop3A_643 = arith.constant 2 : i32
        %parallel_loop3A_644 = arith.addi %parallel_loop3A_98, %parallel_loop3A_643 : i32
        %parallel_loop3A_645 = arith.index_cast %parallel_loop3A_644 : i32 to index
        %parallel_loop3A_646 = arith.constant 112 : index
        %parallel_loop3A_647 = tpu.vector_load %arg7[%parallel_loop3A_645, %parallel_loop3A_646] {strides = array<i32>} : memref<160x128xf32, #tpu.memory_space<vmem>>, vector<1x16xf32>,
        %parallel_loop3A_648 = vector.shape_cast %parallel_loop3A_647 : vector<1x16xf32> to vector<16xf32>
        %parallel_loop3A_649 = arith.constant 3 : i32
        %parallel_loop3A_650 = arith.addi %parallel_loop3A_98, %parallel_loop3A_649 : i32
        %parallel_loop3A_651 = arith.index_cast %parallel_loop3A_650 : i32 to index
        %parallel_loop3A_652 = arith.constant 112 : index
        %parallel_loop3A_653 = tpu.vector_load %arg7[%parallel_loop3A_651, %parallel_loop3A_652] {strides = array<i32>} : memref<160x128xf32, #tpu.memory_space<vmem>>, vector<1x16xf32>,
        %parallel_loop3A_654 = vector.shape_cast %parallel_loop3A_653 : vector<1x16xf32> to vector<16xf32>
        %parallel_loop3A_655 = arith.constant 4 : i32
        %parallel_loop3A_656 = arith.addi %parallel_loop3A_98, %parallel_loop3A_655 : i32
        %parallel_loop3A_657 = arith.index_cast %parallel_loop3A_656 : i32 to index
        %parallel_loop3A_658 = arith.constant 112 : index
        %parallel_loop3A_659 = tpu.vector_load %arg7[%parallel_loop3A_657, %parallel_loop3A_658] {strides = array<i32>} : memref<160x128xf32, #tpu.memory_space<vmem>>, vector<1x16xf32>,
        %parallel_loop3A_660 = vector.shape_cast %parallel_loop3A_659 : vector<1x16xf32> to vector<16xf32>
        %parallel_loop3A_661 = arith.constant 5 : i32
        %parallel_loop3A_662 = arith.addi %parallel_loop3A_98, %parallel_loop3A_661 : i32
        %parallel_loop3A_663 = arith.index_cast %parallel_loop3A_662 : i32 to index
        %parallel_loop3A_664 = arith.constant 112 : index
        %parallel_loop3A_665 = tpu.vector_load %arg7[%parallel_loop3A_663, %parallel_loop3A_664] {strides = array<i32>} : memref<160x128xf32, #tpu.memory_space<vmem>>, vector<1x16xf32>,
        %parallel_loop3A_666 = vector.shape_cast %parallel_loop3A_665 : vector<1x16xf32> to vector<16xf32>
        %parallel_loop3A_667 = arith.constant 6 : i32
        %parallel_loop3A_668 = arith.addi %parallel_loop3A_98, %parallel_loop3A_667 : i32
        %parallel_loop3A_669 = arith.index_cast %parallel_loop3A_668 : i32 to index
        %parallel_loop3A_670 = arith.constant 112 : index
        %parallel_loop3A_671 = tpu.vector_load %arg7[%parallel_loop3A_669, %parallel_loop3A_670] {strides = array<i32>} : memref<160x128xf32, #tpu.memory_space<vmem>>, vector<1x16xf32>,
        %parallel_loop3A_672 = vector.shape_cast %parallel_loop3A_671 : vector<1x16xf32> to vector<16xf32>
        %parallel_loop3A_673 = arith.constant 7 : i32
        %parallel_loop3A_674 = arith.addi %parallel_loop3A_98, %parallel_loop3A_673 : i32
        %parallel_loop3A_675 = arith.index_cast %parallel_loop3A_674 : i32 to index
        %parallel_loop3A_676 = arith.constant 112 : index
        %parallel_loop3A_677 = tpu.vector_load %arg7[%parallel_loop3A_675, %parallel_loop3A_676] {strides = array<i32>} : memref<160x128xf32, #tpu.memory_space<vmem>>, vector<1x16xf32>,
        %parallel_loop3A_678 = vector.shape_cast %parallel_loop3A_677 : vector<1x16xf32> to vector<16xf32>
        %parallel_loop3A_679 = arith.constant 8 : i32
        %parallel_loop3A_680 = arith.addi %parallel_loop3A_98, %parallel_loop3A_679 : i32
        %parallel_loop3A_681 = arith.index_cast %parallel_loop3A_680 : i32 to index
        %parallel_loop3A_682 = arith.constant 112 : index
        %parallel_loop3A_683 = tpu.vector_load %arg7[%parallel_loop3A_681, %parallel_loop3A_682] {strides = array<i32>} : memref<160x128xf32, #tpu.memory_space<vmem>>, vector<1x16xf32>,
        %parallel_loop3A_684 = vector.shape_cast %parallel_loop3A_683 : vector<1x16xf32> to vector<16xf32>
        %parallel_loop3A_685 = arith.constant 9 : i32
        %parallel_loop3A_686 = arith.addi %parallel_loop3A_98, %parallel_loop3A_685 : i32
        %parallel_loop3A_687 = arith.index_cast %parallel_loop3A_686 : i32 to index
        %parallel_loop3A_688 = arith.constant 112 : index
        %parallel_loop3A_689 = tpu.vector_load %arg7[%parallel_loop3A_687, %parallel_loop3A_688] {strides = array<i32>} : memref<160x128xf32, #tpu.memory_space<vmem>>, vector<1x16xf32>,
        %parallel_loop3A_690 = vector.shape_cast %parallel_loop3A_689 : vector<1x16xf32> to vector<16xf32>
        %parallel_loop3A_691 = arith.addf %parallel_loop3A_636, %parallel_loop3A_642 : vector<16xf32>
        %parallel_loop3A_692 = arith.addf %parallel_loop3A_648, %parallel_loop3A_654 : vector<16xf32>
        %parallel_loop3A_693 = arith.addf %parallel_loop3A_660, %parallel_loop3A_666 : vector<16xf32>
        %parallel_loop3A_694 = arith.addf %parallel_loop3A_672, %parallel_loop3A_678 : vector<16xf32>
        %parallel_loop3A_695 = arith.addf %parallel_loop3A_684, %parallel_loop3A_690 : vector<16xf32>
        %parallel_loop3A_696 = arith.addf %parallel_loop3A_691, %parallel_loop3A_692 : vector<16xf32>
        %parallel_loop3A_697 = arith.addf %parallel_loop3A_693, %parallel_loop3A_694 : vector<16xf32>
        %parallel_loop3A_698 = arith.addf %parallel_loop3A_696, %parallel_loop3A_697 : vector<16xf32>
        %parallel_loop3A_699 = arith.addf %parallel_loop3A_698, %parallel_loop3A_695 : vector<16xf32>
        %parallel_loop3A_700 = vector.broadcast %parallel_loop3A_85 : f32 to vector<16xf32>
        %parallel_loop3A_701 = arith.mulf %parallel_loop3A_699, %parallel_loop3A_700 : vector<16xf32>
        %parallel_loop3A_702 = arith.index_cast %parallel_loop3A_96 : i32 to index
        %parallel_loop3A_703 = arith.constant 112 : index
        %parallel_loop3A_704 = tpu.vector_load %arg9[%parallel_loop3A_702, %parallel_loop3A_703] {strides = array<i32>} : memref<16x128xf32, #tpu.memory_space<vmem>>, vector<1x16xf32>,
        %parallel_loop3A_705 = vector.shape_cast %parallel_loop3A_704 : vector<1x16xf32> to vector<16xf32>
        %parallel_loop3A_706 = vector.shape_cast %parallel_loop3A_701 : vector<16xf32> to vector<1x16xf32>
        tpu.vector_store %arg9[%parallel_loop3A_702, %parallel_loop3A_703], %parallel_loop3A_706 {strides = array<i32>} : memref<16x128xf32, #tpu.memory_space<vmem>>, vector<1x16xf32>,
      } {sc.loop_unroll_factor = 4 : i64, sc.parallel_access}
      %mul3A_86 = arith.constant 512 : i32
      %mul3A_87 = arith.muli %add3A, %mul3A_86 : i32
      %mul3A_88 = arith.constant 16 : i32
      %mul3A_89 = arith.muli %add3A_66, %mul3A_88 : i32
      %add3A_90 = arith.addi %mul3A_87, %mul3A_89 : i32
      %dma_start3A_91 = arith.constant 0 : i32
      %dma_start3A_92 = tpu.memref_slice %arg4[%add3A_90, %dma_start3A_91] : memref<16384x128xf32, #tpu.memory_space<hbm>> -> memref<16x128xf32, #tpu.memory_space<hbm>>
      %dma_start3A_93 = arith.constant 0 : i32
      %dma_start3A_94 = tpu.memref_slice %arg4[%add3A_90, %dma_start3A_93] : memref<16384x128xf32, #tpu.memory_space<hbm>> -> memref<16x128xf32, #tpu.memory_space<hbm>>
      tpu.enqueue_dma source(%arg9 : memref<16x128xf32, #tpu.memory_space<vmem>>) target(%dma_start3A_94 : memref<16x128xf32, #tpu.memory_space<hbm>>) target_semaphore(%arg13 : memref<!tpu.dma_semaphore, #tpu.memory_space<semaphore_mem>>)
      %scan3A_95 = arith.constant 0 : i32
      scf.yield %scan3A_95 : i32
    }
    %scan3A_15 = arith.constant 16 : i32
    %mul3A_16 = arith.constant 512 : i32
    %mul3A_17 = arith.muli %add3A, %mul3A_16 : i32
    %add3A_18 = arith.constant 0 : i32
    %add3A_19 = arith.addi %mul3A_17, %add3A_18 : i32
    %dma_wait3A = arith.constant 0 : i32
    %dma_wait3A_20 = tpu.memref_slice %arg4[%add3A_19, %dma_wait3A] : memref<16384x128xf32, #tpu.memory_space<hbm>> -> memref<16x128xf32, #tpu.memory_space<hbm>>
    %dma_wait3A_21 = arith.constant 0 : i32
    %dma_wait3A_22 = tpu.memref_slice %arg4[%add3A_19, %dma_wait3A_21] : memref<16384x128xf32, #tpu.memory_space<hbm>> -> memref<16x128xf32, #tpu.memory_space<hbm>>
    tpu.wait_dma2 semaphore(%arg12 : memref<!tpu.dma_semaphore, #tpu.memory_space<semaphore_mem>>) src(%arg8 : memref<16x128xf32, #tpu.memory_space<vmem>>) dst(%dma_wait3A_22 : memref<16x128xf32, #tpu.memory_space<hbm>>)
    %mul3A_23 = arith.constant 512 : i32
    %mul3A_24 = arith.muli %add3A, %mul3A_23 : i32
    %add3A_25 = arith.constant 0 : i32
    %add3A_26 = arith.addi %mul3A_24, %add3A_25 : i32
    %dma_wait3A_27 = arith.constant 0 : i32
    %dma_wait3A_28 = tpu.memref_slice %arg4[%add3A_26, %dma_wait3A_27] : memref<16384x128xf32, #tpu.memory_space<hbm>> -> memref<16x128xf32, #tpu.memory_space<hbm>>
    %dma_wait3A_29 = arith.constant 0 : i32
    %dma_wait3A_30 = tpu.memref_slice %arg4[%add3A_26, %dma_wait3A_29] : memref<16384x128xf32, #tpu.memory_space<hbm>> -> memref<16x128xf32, #tpu.memory_space<hbm>>
    tpu.wait_dma2 semaphore(%arg13 : memref<!tpu.dma_semaphore, #tpu.memory_space<semaphore_mem>>) src(%arg9 : memref<16x128xf32, #tpu.memory_space<vmem>>) dst(%dma_wait3A_30 : memref<16x128xf32, #tpu.memory_space<hbm>>)
    return
  }
}

</mosaic_0001>

<sc_bundles>
// kernel: kernel.3.cloned.1.call-start
scs
__scs_entry_jumppad:
0x0: {  	(pc) =	sbr.rel $0x88, $3  }
0x1: {  	(tag) =	ssettag $0x0;
	lr =	simm.s32 $0x1  }
0x2: {  	[smem:$0x3F9F] =	sst lr;
	_ =	strace $0xD0000000  }
0x3: {  	_ = 	snop  }
0x4: {  	_ = 	snop  }
0x5: {  	_ = 	snop  }
0x6: {  	_ = 	snop  }
0x7: {  	_ = 	snop  }
__scs_overlays_trampoline_lowered:
0x8: {  	[smem:$0x3FAE] =	sst s0  }
0x9: {  	[smem:$0x3FAF] =	sst s1  }
0xa: {  	[smem:$0x3FB0] =	sst s2  }
0xb: {  	[smem:$0x3FB1] =	sst s3  }
0xc: {  	[smem:$0x3FB2] =	sst s4  }
0xd: {  	[smem:$0x3FB3] =	sst s5  }
0xe: {  	[smem:$0x3FB4] =	sst s6  }
0xf: {  	[smem:$0x3FB5] =	sst s7  }
0x10: {  	[smem:$0x3FB6] =	sst s8  }
0x11: {  	[smem:$0x3FB7] =	sst s9;
	s0 =	simm.s32 @!p0 $0x0  }
0x12: {  	s1 =	sld [smem:$0x3F9D];
	s0 =	simm.s32 @p0 $0x1  }
0x13: {  	[smem:$0x3FB8] =	sst s0;
	s0 =	simm.s32 @!p1 $0x0  }
0x14: {  	s2 =	sld [smem:$0x3F9C];
	s0 =	simm.s32 @p1 $0x1  }
0x15: {  	[smem:$0x3FB9] =	sst s0;
	s0 =	simm.s32 @!p2 $0x0  }
0x16: {  	s3 =	sld [smem:$0x3FDB];
	s0 =	simm.s32 @p2 $0x1  }
0x17: {  	s4 =	simm.s32 $0x1BF5;
	[smem:$0x3FBB] =	sst s0  }
0x18: {  	s0 =	sld [smem:$0x3F9E];
	_ =	swait.ge [sflag:s4], $0x0  }
0x19: {  	s7 =	sld [smem:$0x3F9F]  }
0x1a: {  	s8 =	sadd.s32 $0xFFFFE003, lr  }
0x1b: {  	s9 =	sadd.s32 $0xFFFFFEF7, lr;
	s5 =	simm.s32 $0xFFFFFFFF;
	p2 =	slt.u32 s8, $0xFFFFF086  }
0x1c: {  	p1 =	slt.u32 s9, $0xF7A;
	s5 =	simm.s32 @!p2 $0x0  }
0x1d: {  	s5 =	simm.s32 @p1 $0x1;
	p0 =	seq.s32 s7, s2  }
0x1e: {  	s7 =	smul.u32 @!p0 $0xF7A, s2;
	p2 =	seq.s32 @!p0 s5, $0x0  }
0x1f: {  	s9 =	smul.u32 $0xF7A, s1;
	s8 =	simm.s32 @!p0 $0x1BF5;
	p2 =	por !p2, p0  }
0x20: {  	[sflag:s8] =	ssyncset.s32 @!p0 $0xFFFFF086;
	s6 =	sadd.s32 @!p0 s3, s7;
	s7 =	simm.s32 @!p0 $0x108  }
0x21: {  	s3 =	sadd.s32 s3, s9;
	s6 =	sadd.s32 @!p0 $0x88, s6;
	s7 =	simm.s32 @p2 $0x1082  }
0x22: {  	[simem:s7], [sflag:s8] =	dma.local @!p0 [hbm:s6], $0xF7A  }
0x23: {  	s9 =	sor.u32 $0xD0000000, s2;
	s6 =	simm.s32 $0x108;
	_ =	swait.ge @!p0 [sflag:s8], $0x0  }
0x24: {  	s3 =	sadd.s32 $0x88, s3;
	s6 =	simm.s32 @!p1 $0x1082;
	[sflag:s4] =	ssyncset.s32 $0xFFFFF086  }
0x25: {  	[simem:s6], [sflag:s4] =	dma.local [hbm:s3], $0xF7A  }
0x26: {  	[smem:$0x3F9F] =	sst s1;
	(tag) =	ssettag s2;
	_ =	strace s9  }
0x27: {  	s1 =	sld [smem:$0x3FAF]  }
0x28: {  	s2 =	sld [smem:$0x3FB0]  }
0x29: {  	s4 =	sld [smem:$0x3FB2]  }
0x2a: {  	p0 =	seq.s32 s5, $0x0;
	s5 =	sld [smem:$0x3FB3]  }
0x2b: {  	s6 =	sld [smem:$0x3FB4]  }
0x2c: {  	s7 =	sld [smem:$0x3FB5]  }
0x2d: {  	s3 =	simm.s32 $0x108;
	s8 =	sld [smem:$0x3FB6]  }
0x2e: {  	s3 =	simm.s32 @!p0 $0x1082;
	s9 =	sld [smem:$0x3FB7]  }
0x2f: {  	lr =	sadd.s32 s0, s3;
	s0 =	sld [smem:$0x3FAE]  }
0x30: {  	s3 =	sld [smem:$0x3FB1]  }
0x31: {  	[smem:$0x3FBA] =	sst s10  }
0x32: {  	s10 =	sld [smem:$0x3FB8];
	_ =	sdelay $0x3  }
0x33: {  	p0 =	seq.s32 s10, $0x1;
	s10 =	sld [smem:$0x3FBA];
	_ =	sdelay $0x3  }
0x34: {  	[smem:$0x3FBA] =	sst s10  }
0x35: {  	s10 =	sld [smem:$0x3FB9];
	_ =	sdelay $0x3  }
0x36: {  	p1 =	seq.s32 s10, $0x1;
	s10 =	sld [smem:$0x3FBA];
	_ =	sdelay $0x3  }
0x37: {  	[smem:$0x3FBA] =	sst s10  }
0x38: {  	s10 =	sld [smem:$0x3FBB]  }
0x39: {  	_ = 	snop;
	(pc) =	sbr.ind lr, $3  }
0x3a: {  	_ = 	snop  }
0x3b: {  	_ = 	snop  }
0x3c: {  	p2 =	seq.s32 s10, $0x1;
	s10 =	sld [smem:$0x3FBA]  }
0x3d: {  	_ =	shalt  }
0x3e: {  	_ =	shalt  }
0x3f: {  	_ =	shalt  }
0x40: {  	_ =	shalt  }
0x41: {  	_ =	shalt  }
0x42: {  	_ =	shalt  }
0x43: {  	_ =	shalt  }
0x44: {  	_ =	shalt  }
0x45: {  	_ =	shalt  }
0x46: {  	_ =	shalt  }
0x47: {  	_ =	shalt  }
0x48: {  	_ =	shalt  }
0x49: {  	_ =	shalt  }
0x4a: {  	_ =	shalt  }
0x4b: {  	_ =	shalt  }
0x4c: {  	_ =	shalt  }
0x4d: {  	_ =	shalt  }
0x4e: {  	_ =	shalt  }
0x4f: {  	_ =	shalt  }
0x50: {  	_ =	shalt  }
0x51: {  	_ =	shalt  }
0x52: {  	_ =	shalt  }
0x53: {  	_ =	shalt  }
0x54: {  	_ =	shalt  }
0x55: {  	_ =	shalt  }
0x56: {  	_ =	shalt  }
0x57: {  	_ =	shalt  }
0x58: {  	_ =	shalt  }
0x59: {  	_ =	shalt  }
0x5a: {  	_ =	shalt  }
0x5b: {  	_ =	shalt  }
0x5c: {  	_ =	shalt  }
0x5d: {  	_ =	shalt  }
0x5e: {  	_ =	shalt  }
0x5f: {  	_ =	shalt  }
0x60: {  	_ =	shalt  }
0x61: {  	_ =	shalt  }
0x62: {  	_ =	shalt  }
0x63: {  	_ =	shalt  }
0x64: {  	_ =	shalt  }
0x65: {  	_ =	shalt  }
0x66: {  	_ =	shalt  }
0x67: {  	_ =	shalt  }
0x68: {  	_ =	shalt  }
0x69: {  	_ =	shalt  }
0x6a: {  	_ =	shalt  }
0x6b: {  	_ =	shalt  }
0x6c: {  	_ =	shalt  }
0x6d: {  	_ =	shalt  }
0x6e: {  	_ =	shalt  }
0x6f: {  	_ =	shalt  }
0x70: {  	_ =	shalt  }
0x71: {  	_ =	shalt  }
0x72: {  	_ =	shalt  }
0x73: {  	_ =	shalt  }
0x74: {  	_ =	shalt  }
0x75: {  	_ =	shalt  }
0x76: {  	_ =	shalt  }
0x77: {  	_ =	shalt  }
0x78: {  	_ =	shalt  }
0x79: {  	_ =	shalt  }
0x7a: {  	_ =	shalt  }
0x7b: {  	_ =	shalt  }
0x7c: {  	_ =	shalt  }
0x7d: {  	_ =	shalt  }
0x7e: {  	_ =	shalt  }
0x7f: {  	_ =	shalt  }
0x80: {  	_ =	shalt  }
0x81: {  	_ =	shalt  }
0x82: {  	_ =	shalt  }
0x83: {  	_ =	shalt  }
0x84: {  	_ =	shalt  }
0x85: {  	_ =	shalt  }
0x86: {  	_ =	shalt  }
0x87: {  	_ =	shalt  }
.Lfunc_end0:
.L_simem_size_0:
called_computation_lowered:
.L_overlay_start_0:
0x88: {  	s2 =	sld [smem:$0x3FD9]  }
0x89: {  	s3 =	sld [smem:$0x3FFE];
	_ =	sdelay $0x1  }
0x8a: {  	s1 =	srdreg.scid  }
0x8b: {  	s0 =	sand.u32 $0x1, s1  }
0x8c: {  	s17 =	sshll.u32 s0, $0xA;
	s2 =	sadd.s32 s3, s2  }
0x8d: {  	s2 =	sadd.s32 s2, s17  }
0x8e: {  	[smem:$0x3FC6] =	sst s2  }
0x8f: {  	_ = 	snop  }
0x90: {  	s2 =	sld [smem:$0x3FC8]  }
0x91: {  	s18 =	sld [smem:$0x3FD0];
	(tm) =	ssettm $0x1  }
0x92: {  	s4 =	sld [smem:$0x3FFB];
	_ =	sdelay $0x3  }
0x93: {  	_ =	strace s4  }
0x94: {  	s4 =	sld [smem:$0x3FFC];
	_ =	sdelay $0x3  }
0x95: {  	_ =	strace s4  }
0x96: {  	s4 =	sld [smem:$0x3FFD];
	_ =	sdelay $0x3  }
0x97: {  	_ =	strace s4  }
0x98: {  	_ =	strace $0x8FFFFFFF  }
0x99: {  	s19 =	sld [smem:$0x3FDB];
	_ =	sdelay $0x1  }
0x9a: {  	s5 =	simm.s32 $_scs_section_size  }
0x9b: {  	s6 =	simm.s32 $_size__tile_overlayer_lowered;
	s7 =	simm.s32 $_tile_overlayer_lowered  }
0x9c: {  	s22 =	simm.s32 $0x1BFF;
	s21 =	sshll.u32 s7, $0x1;
	s4 =	sadd.s32 s5, s19  }
0x9d: {  	s8 =	simm.s32 $0x0;
	s20 =	sshll.u32 s6, $0x1;
	s6 =	sadd.s32 s21, s4  }
0x9e: {  	[timem:s8], [sflag:s22] =	dma.local [hbm:s6], s20  }
0x9f: {  	_ =	swait.ge [sflag:s22], s20  }
0xa0: {  	s5 =	ssub.s32 $0x0, s20;
	[sflag:s22] =	ssyncset.done $0x0  }
0xa1: {  	[sflag:s22] =	ssyncadd.s32 s5;
	_ =	sdelay $0x1  }
0xa2: {  	s23 =	simm.s32 $0x1B8B  }
0xa3: {  	_ =	swait.ge [sflag:s23], $0x1  }
0xa4: {  	[sflag:s23] =	ssyncset.done $0x0  }
0xa5: {  	s25 =	simm.s32 $0x1B8E;
	s24 =	sld [smem:$0x3FFE];
	[sflag:s23] =	ssyncadd.s32 $0xFFFFFFFF  }
0xa6: {  	s26 =	simm.s32 $execute0_lowered;
	[smem:$0x3FD2] =	sst s25  }
0xa7: {  	s6 =	sshll.u32 s26, $0x1;
	_ =	strace $0x80000046;
	[dreg:$0x1] =	wrdreg $0xFFFFFFFF  }
0xa8: {  	s28 =	simm.s32 $_size_execute0_lowered;
	s4 =	sadd.s32 s4, s6;
	[dreg:$0x0] =	wrdreg $0x0  }
0xa9: {  	s6 =	sshll.u32 s28, $0x1;
	[dreg:$0x2] =	wrdreg s4  }
0xaa: {  	[dreg:$0x3] =	wrdreg s6  }
0xab: {  	[dreg:$0x4] =	wrdreg $0xC0  }
0xac: {  	_ =	task [dreg:s8], $0x5FFFF  }
0xad: {  	[dreg:$0x1] =	wrdreg $0xFFFFFFFF  }
0xae: {  	[dreg:$0x0] =	wrdreg $0x60  }
0xaf: {  	[dreg:$0x2] =	wrdreg s24  }
0xb0: {  	[dreg:$0x3] =	wrdreg s2  }
0xb1: {  	[dreg:$0x4] =	wrdreg s18  }
0xb2: {  	[dreg:$0x5] =	wrdreg $0x9  }
0xb3: {  	_ =	task.clear_ibuf [dreg:s8], $0x6FFFF;
	_ =	strace $0x90000046  }
0xb4: {  	s29 =	simm.s32 $0x9;
	_ =	strace $0x80000048  }
0xb5: {  	_ =	swait.ge [sflag:s29], $0x1  }
0xb6: {  	[sflag:s29] =	ssyncadd.s32 $0xFFFFFFFF  }
0xb7: {  	_ =	strace $0x90000048  }
0xb8: {  	_ =	sfence  }
0xb9: {  	s30 =	sld [smem:$0x0];
	_ =	sdelay $0x2  }
0xba: {  	s31 =	sshll.u32 s1, $0xD;
	s1 =	sshrl.u32 s1, $0x2  }
0xbb: {  	s3 =	sand.u32 $0x4000, s31;
	s1 =	sadd.s32 s1, s30  }
0xbc: {  	s0 =	sor.u32 s3, s0;
	s1 =	sshll.u32 s1, $0x11  }
0xbd: {  	s0 =	sor.u32 s1, s0  }
0xbe: {  	s0 =	sadd.s32 $0x8F2B, s0  }
0xbf: {  	[sflag:s0] =	ssyncadd.remote.s32 $0x1  }
0xc0: {  	_ =	sfence.sel $0xFFFF  }
0xc1: {  	[dreg:$0x0] =	wrdreg $0xFFFFFFFF;
	(pc) =	sbr.abs _section_cstart, $3  }
0xc2: {  	[dreg:$0x1] =	wrdreg $0xFFFFFFFF  }
0xc3: {  	_ =	task.clear_ibuf [dreg:s8], $0x2FFFF;
	_ =	strace $0x9FFFFFFF  }
0xc4: {  	(tm) =	ssettm $0x7FFFFFFF  }
0xc5: {  	_ =	shalt  }
tec
execute0_lowered:
.L_overlay_start_1:
0x0: {  	(tag) =	ssettag $0x1  }
0x1: {  	s0 =	rddreg [dreg:$0x0]  }
0x2: {  	s2 =	rddreg [dreg:$0x1]  }
0x3: {  	s1 =	rddreg [dreg:$0x2]  }
0x4: {  	s3 =	srdreg.scid;
	s5 =	stileid.u32  }
0x5: {  	s8 =	simm.s32 $0xA;
	s16 =	simm.s32 $0x16E00;
	s20 =	simm.s32 $0x17300  }
0x6: {  	s7 =	simm.s32 $0x18200;
	s9 =	simm.s32 $0x18700;
	s11 =	simm.s32 $0x18C00  }
0x7: {  	s13 =	simm.s32 $0x19100;
	s15 =	simm.s32 $0x19600;
	s17 =	simm.s32 $0x19B00  }
0x8: {  	s19 =	simm.s32 $0x1;
	s21 =	simm.s32 $0x1A000;
	s23 =	simm.s32 $0x2  }
0x9: {  	s25 =	simm.s32 $0x4;
	s28 =	simm.s32 $0x1A800;
	s4 =	sand.u32 $0x1, s3  }
0xa: {  	s3 =	simm.s32 $0x0;
	s5 =	sshll.u32 s5, $0xE;
	s6 =	sshll.u32 s4, $0xD  }
0xb: {  	[smem:$0x7FF] =	sst s3;
	s4 =	ssub.s32 $0x2, s4;
	s5 =	sor.u32 s6, s5  }
0xc: {  	_ =	strace $0x80000047;
	s30 =	sshrl.u32 s4, $0x1;
	s0 =	sadd.s32 s5, s0  }
0xd: {  	s6 =	simm.s32 $0x17D00;
	s4 =	ssub.s32 s4, s30;
	s0 =	sadd.s32 $0x400, s0  }
0xe: {  	s5 =	sadd.s32 s1, s5;
	s31 =	smax.u32 s4, $0x1;
	[dreg:$0x4] =	wrdreg s0  }
0xf: {  	s1 =	simm.s32 $0x0;
	s4 =	simm.s32 $0x17800;
	[dreg:$0x5] =	wrdreg s31  }
.LBB2_1:
0x10: {  	[dreg:$0x6] =	wrdreg s1  }
0x11: {  	s0 =	rddreg [dreg:$0x4];
	s29 =	simm.s32 $0x5  }
0x12: {  	[tilespmem:s3], [sflag:$0x5] =	stream.linear.gather [hbm4b:s0+s3], $0x10000, $0x38;
	[tilespmem:$0x1B000] =	vst v63  }
0x13: {  	_ =	swait.ge [sflag:s29], $0x10000  }
0x14: {  	[sflag:s29] =	ssyncset.done $0x0  }
0x15: {  	s31 =	simm.s32 $0x10000;
	[sflag:s29] =	ssyncadd.s32 $0xFFFF0000  }
0x16: {  	[tilespmem:s31], [sflag:$0x1] =	stream.indirect.gather [hbm4b:s2+s8], $0x80, s3, s8, $0xb8;
	[tilespmem:$0x1B000] =	vst v63  }
0x17: {  	s1 =	simm.s32 $0x80;
	s10 =	simm.s32 $0x10500  }
0x18: {  	[tilespmem:s10], [sflag:$0x1] =	stream.indirect.gather [hbm4b:s2+s8], $0x80, s1, s8, $0xb8;
	[tilespmem:$0x1B000] =	vst v63  }
0x19: {  	s12 =	simm.s32 $0x100;
	s14 =	simm.s32 $0x10A00  }
0x1a: {  	[tilespmem:s14], [sflag:$0x1] =	stream.indirect.gather [hbm4b:s2+s8], $0x80, s12, s8, $0xb8;
	[tilespmem:$0x1B000] =	vst v63  }
0x1b: {  	s18 =	simm.s32 $0x180;
	s22 =	simm.s32 $0x10F00  }
0x1c: {  	[tilespmem:s22], [sflag:$0x1] =	stream.indirect.gather [hbm4b:s2+s8], $0x80, s18, s8, $0xb8;
	[tilespmem:$0x1B000] =	vst v63  }
0x1d: {  	s24 =	simm.s32 $0x200;
	s26 =	simm.s32 $0x11400  }
0x1e: {  	[tilespmem:s26], [sflag:$0x1] =	stream.indirect.gather [hbm4b:s2+s8], $0x80, s24, s8, $0xb8;
	[tilespmem:$0x1B000] =	vst v63  }
0x1f: {  	s29 =	simm.s32 $0x280;
	s31 =	simm.s32 $0x11900  }
0x20: {  	[tilespmem:s31], [sflag:$0x1] =	stream.indirect.gather [hbm4b:s2+s8], $0x80, s29, s8, $0xb8;
	[tilespmem:$0x1B000] =	vst v63  }
0x21: {  	s1 =	simm.s32 $0x300;
	s10 =	simm.s32 $0x11E00  }
0x22: {  	[tilespmem:s10], [sflag:$0x1] =	stream.indirect.gather [hbm4b:s2+s8], $0x80, s1, s8, $0xb8;
	[tilespmem:$0x1B000] =	vst v63  }
0x23: {  	s12 =	simm.s32 $0x380;
	s14 =	simm.s32 $0x12300  }
0x24: {  	[tilespmem:s14], [sflag:$0x1] =	stream.indirect.gather [hbm4b:s2+s8], $0x80, s12, s8, $0xb8;
	[tilespmem:$0x1B000] =	vst v63  }
0x25: {  	s18 =	simm.s32 $0x400;
	s22 =	simm.s32 $0x12800  }
0x26: {  	[tilespmem:s22], [sflag:$0x1] =	stream.indirect.gather [hbm4b:s2+s8], $0x80, s18, s8, $0xb8;
	[tilespmem:$0x1B000] =	vst v63  }
0x27: {  	s24 =	simm.s32 $0x480;
	s26 =	simm.s32 $0x12D00  }
0x28: {  	[tilespmem:s26], [sflag:$0x1] =	stream.indirect.gather [hbm4b:s2+s8], $0x80, s24, s8, $0xb8;
	[tilespmem:$0x1B000] =	vst v63  }
0x29: {  	s29 =	simm.s32 $0x500;
	s31 =	simm.s32 $0x13200  }
0x2a: {  	[tilespmem:s31], [sflag:$0x1] =	stream.indirect.gather [hbm4b:s2+s8], $0x80, s29, s8, $0xb8;
	[tilespmem:$0x1B000] =	vst v63  }
0x2b: {  	s1 =	simm.s32 $0x580;
	s10 =	simm.s32 $0x13700  }
0x2c: {  	[tilespmem:s10], [sflag:$0x1] =	stream.indirect.gather [hbm4b:s2+s8], $0x80, s1, s8, $0xb8;
	[tilespmem:$0x1B000] =	vst v63  }
0x2d: {  	s12 =	simm.s32 $0x600;
	s14 =	simm.s32 $0x13C00  }
0x2e: {  	[tilespmem:s14], [sflag:$0x1] =	stream.indirect.gather [hbm4b:s2+s8], $0x80, s12, s8, $0xb8;
	[tilespmem:$0x1B000] =	vst v63  }
0x2f: {  	s18 =	simm.s32 $0x680;
	s22 =	simm.s32 $0x14100  }
0x30: {  	[tilespmem:s22], [sflag:$0x1] =	stream.indirect.gather [hbm4b:s2+s8], $0x80, s18, s8, $0xb8;
	[tilespmem:$0x1B000] =	vst v63  }
0x31: {  	s24 =	simm.s32 $0x700;
	s26 =	simm.s32 $0x14600  }
0x32: {  	[tilespmem:s26], [sflag:$0x1] =	stream.indirect.gather [hbm4b:s2+s8], $0x80, s24, s8, $0xb8;
	[tilespmem:$0x1B000] =	vst v63  }
0x33: {  	s30 =	simm.s32 $0x0;
	s29 =	simm.s32 $0x780;
	s31 =	simm.s32 $0x14B00  }
0x34: {  	[tilespmem:s31], [sflag:$0x1] =	stream.indirect.gather [hbm4b:s2+s8], $0x80, s29, s8, $0xb8;
	[tilespmem:$0x1B000] =	vst v63  }
.LBB2_2:
0x35: {  	s0 =	sshllo.u32 s30, $0x1  }
0x36: {  	s1 =	sshll.u32 s0, $0xB  }
0x37: {  	s10 =	simm.s32 $0x15000;
	s1 =	sand.u32 $0x3FFFF800, s1  }
0x38: {  	[tilespmem:s10], [sflag:$0x2] =	stream.indirect.gather [hbm4b:s2+s8], $0x80, s1, s8, $0xb8;
	[tilespmem:$0x1B000] =	vst v63  }
0x39: {  	s12 =	simm.s32 $0x15500;
	s26 =	sor.u32 $0x80, s1  }
0x3a: {  	[tilespmem:s12], [sflag:$0x2] =	stream.indirect.gather [hbm4b:s2+s8], $0x80, s26, s8, $0xb8;
	[tilespmem:$0x1B000] =	vst v63  }
0x3b: {  	s31 =	simm.s32 $0x15A00;
	s29 =	sor.u32 $0x100, s1  }
0x3c: {  	[tilespmem:s31], [sflag:$0x2] =	stream.indirect.gather [hbm4b:s2+s8], $0x80, s29, s8, $0xb8;
	[tilespmem:$0x1B000] =	vst v63  }
0x3d: {  	s18 =	simm.s32 $0x15F00;
	s14 =	sor.u32 $0x180, s1  }
0x3e: {  	[tilespmem:s18], [sflag:$0x2] =	stream.indirect.gather [hbm4b:s2+s8], $0x80, s14, s8, $0xb8;
	[tilespmem:$0x1B000] =	vst v63  }
0x3f: {  	s24 =	simm.s32 $0x16400;
	s22 =	sor.u32 $0x200, s1  }
0x40: {  	[tilespmem:s24], [sflag:$0x2] =	stream.indirect.gather [hbm4b:s2+s8], $0x80, s22, s8, $0xb8;
	[tilespmem:$0x1B000] =	vst v63  }
0x41: {  	s26 =	sor.u32 $0x280, s1;
	s29 =	simm.s32 $0x16900  }
0x42: {  	[tilespmem:s29], [sflag:$0x2] =	stream.indirect.gather [hbm4b:s2+s8], $0x80, s26, s8, $0xb8;
	[tilespmem:$0x1B000] =	vst v63  }
0x43: {  	s31 =	sor.u32 $0x300, s1  }
0x44: {  	[tilespmem:s16], [sflag:$0x2] =	stream.indirect.gather [hbm4b:s2+s8], $0x80, s31, s8, $0xb8;
	[tilespmem:$0x1B000] =	vst v63  }
0x45: {  	s12 =	sor.u32 $0x380, s1  }
0x46: {  	[tilespmem:s20], [sflag:$0x2] =	stream.indirect.gather [hbm4b:s2+s8], $0x80, s12, s8, $0xb8;
	[tilespmem:$0x1B000] =	vst v63  }
0x47: {  	s14 =	sor.u32 $0x400, s1  }
0x48: {  	[tilespmem:s4], [sflag:$0x2] =	stream.indirect.gather [hbm4b:s2+s8], $0x80, s14, s8, $0xb8;
	[tilespmem:$0x1B000] =	vst v63  }
0x49: {  	s18 =	sor.u32 $0x480, s1  }
0x4a: {  	[tilespmem:s6], [sflag:$0x2] =	stream.indirect.gather [hbm4b:s2+s8], $0x80, s18, s8, $0xb8;
	[tilespmem:$0x1B000] =	vst v63  }
0x4b: {  	s22 =	sor.u32 $0x500, s1  }
0x4c: {  	[tilespmem:s7], [sflag:$0x2] =	stream.indirect.gather [hbm4b:s2+s8], $0x80, s22, s8, $0xb8;
	[tilespmem:$0x1B000] =	vst v63  }
0x4d: {  	s24 =	sor.u32 $0x580, s1  }
0x4e: {  	[tilespmem:s9], [sflag:$0x2] =	stream.indirect.gather [hbm4b:s2+s8], $0x80, s24, s8, $0xb8;
	[tilespmem:$0x1B000] =	vst v63  }
0x4f: {  	s26 =	sor.u32 $0x600, s1  }
0x50: {  	[tilespmem:s11], [sflag:$0x2] =	stream.indirect.gather [hbm4b:s2+s8], $0x80, s26, s8, $0xb8;
	[tilespmem:$0x1B000] =	vst v63  }
0x51: {  	s29 =	sor.u32 $0x680, s1  }
0x52: {  	[tilespmem:s13], [sflag:$0x2] =	stream.indirect.gather [hbm4b:s2+s8], $0x80, s29, s8, $0xb8;
	[tilespmem:$0x1B000] =	vst v63  }
0x53: {  	s31 =	sor.u32 $0x700, s1  }
0x54: {  	[tilespmem:s15], [sflag:$0x2] =	stream.indirect.gather [hbm4b:s2+s8], $0x80, s31, s8, $0xb8;
	[tilespmem:$0x1B000] =	vst v63  }
0x55: {  	s1 =	sor.u32 $0x780, s1  }
0x56: {  	[tilespmem:s17], [sflag:$0x2] =	stream.indirect.gather [hbm4b:s2+s8], $0x80, s1, s8, $0xb8;
	[tilespmem:$0x1B000] =	vst v63  }
0x57: {  	_ =	swait.ge [sflag:s19], $0x5000  }
0x58: {  	p0 =	seq.s32 s30, $0x0;
	[sflag:s19] =	ssyncset.done $0x0  }
0x59: {  	s1 =	simm.s32 @!p0 $0x3;
	[sflag:s19] =	ssyncadd.s32 $0xFFFFB000  }
0x5a: {  	_ =	swait.ge @!p0 [sflag:s1], $0x800  }
0x5b: {  	[sflag:s1] =	ssyncset.done @!p0 $0x0  }
0x5c: {  	s10 =	simm.s32 $0x0;
	[sflag:s1] =	ssyncadd.s32 @!p0 $0xFFFFF800  }
.LBB2_3:
0x5d: {  	s1 =	smul.u32 $0x1400, s10;
	_ =	sdelay $0x1  }
0x5e: {  	s24 =	sshra.s32 s1, $0x2  }
0x5f: {  	v0 =	vld [tilespmem:s24+$0x10000]  }
0x60: {  	v1 =	vld [tilespmem:s24+$0x10080]  }
0x61: {  	v2 =	vld [tilespmem:s24+$0x10100]  }
0x62: {  	v3 =	vld [tilespmem:s24+$0x10180]  }
0x63: {  	v4 =	vld [tilespmem:s24+$0x10200]  }
0x64: {  	v5 =	vld [tilespmem:s24+$0x10280]  }
0x65: {  	v6 =	vld [tilespmem:s24+$0x10300]  }
0x66: {  	v7 =	vld [tilespmem:s24+$0x10380];
	_ =	sdelay $0x2  }
0x67: {  	v8 =	vld [tilespmem:s24+$0x10400]  }
0x68: {  	v9 =	vld [tilespmem:s24+$0x10480];
	v0 =	vadd.f32 v1, v0;
	v58 =	vadd.f32 v3, v2  }
0x69: {  	v59 =	vadd.f32 v5, v4;
	v60 =	vadd.f32 v7, v6;
	_ =	sdelay $0x1  }
0x6a: {  	v0 =	vadd.f32 v58, v0;
	v61 =	vadd.f32 v60, v59;
	_ =	sdelay $0x1  }
0x6b: {  	v62 =	vadd.f32 v9, v8;
	v0 =	vadd.f32 v61, v0;
	_ =	sdelay $0x1  }
0x6c: {  	v0 =	vadd.f32 v62, v0;
	_ =	sdelay $0x1  }
0x6d: {  	s26 =	sshll.u32 s10, $0x7;
	v0 =	vmul.f32 $1.000000010e-01, v0  }
0x6e: {  	s14 =	sand.u32 $0x3FFFFF80, s26  }
0x6f: {  	[tilespmem:s14+$0x1A000] =	vst v0  }
0x70: {  	v0 =	vld [tilespmem:s24+$0x10010]  }
0x71: {  	v63 =	vld [tilespmem:s24+$0x10090]  }
0x72: {  	v12 =	vld [tilespmem:s24+$0x10110]  }
0x73: {  	v13 =	vld [tilespmem:s24+$0x10190]  }
0x74: {  	v14 =	vld [tilespmem:s24+$0x10210]  }
0x75: {  	v15 =	vld [tilespmem:s24+$0x10290]  }
0x76: {  	v16 =	vld [tilespmem:s24+$0x10310]  }
0x77: {  	v17 =	vld [tilespmem:s24+$0x10390];
	_ =	sdelay $0x2  }
0x78: {  	v18 =	vld [tilespmem:s24+$0x10410]  }
0x79: {  	v19 =	vld [tilespmem:s24+$0x10490];
	v0 =	vadd.f32 v63, v0;
	v20 =	vadd.f32 v13, v12  }
0x7a: {  	v21 =	vadd.f32 v15, v14;
	v22 =	vadd.f32 v17, v16;
	_ =	sdelay $0x1  }
0x7b: {  	v0 =	vadd.f32 v20, v0;
	v23 =	vadd.f32 v22, v21;
	_ =	sdelay $0x1  }
0x7c: {  	v24 =	vadd.f32 v19, v18;
	v0 =	vadd.f32 v23, v0;
	_ =	sdelay $0x1  }
0x7d: {  	v0 =	vadd.f32 v24, v0;
	_ =	sdelay $0x1  }
0x7e: {  	v0 =	vmul.f32 $1.000000010e-01, v0;
	_ =	sdelay $0x1  }
0x7f: {  	[tilespmem:s14+$0x1A010] =	vst v0  }
0x80: {  	v0 =	vld [tilespmem:s24+$0x10020]  }
0x81: {  	v25 =	vld [tilespmem:s24+$0x100A0]  }
0x82: {  	v26 =	vld [tilespmem:s24+$0x10120]  }
0x83: {  	v27 =	vld [tilespmem:s24+$0x101A0]  }
0x84: {  	v28 =	vld [tilespmem:s24+$0x10220]  }
0x85: {  	v29 =	vld [tilespmem:s24+$0x102A0]  }
0x86: {  	v30 =	vld [tilespmem:s24+$0x10320]  }
0x87: {  	v31 =	vld [tilespmem:s24+$0x103A0];
	_ =	sdelay $0x1  }
0x88: {  	s29 =	sor.u32 $0x1, s10  }
0x89: {  	s18 =	smul.u32 $0x1400, s29;
	v32 =	vld [tilespmem:s24+$0x10420]  }
0x8a: {  	v33 =	vld [tilespmem:s24+$0x104A0];
	v0 =	vadd.f32 v25, v0;
	v34 =	vadd.f32 v27, v26  }
0x8b: {  	s22 =	sshra.s32 s18, $0x2;
	v36 =	vadd.f32 v29, v28;
	v37 =	vadd.f32 v31, v30  }
0x8c: {  	v10 =	vld [tilespmem:s22+$0x10000]  }
0x8d: {  	v35 =	vld [tilespmem:s22+$0x10080];
	v0 =	vadd.f32 v34, v0;
	v40 =	vadd.f32 v37, v36  }
0x8e: {  	v38 =	vld [tilespmem:s22+$0x10100]  }
0x8f: {  	v39 =	vld [tilespmem:s22+$0x10180];
	v43 =	vadd.f32 v33, v32;
	v0 =	vadd.f32 v40, v0  }
0x90: {  	v41 =	vld [tilespmem:s22+$0x10200]  }
0x91: {  	v42 =	vld [tilespmem:s22+$0x10280];
	v0 =	vadd.f32 v43, v0  }
0x92: {  	v44 =	vld [tilespmem:s22+$0x10300]  }
0x93: {  	v45 =	vld [tilespmem:s22+$0x10380];
	v0 =	vmul.f32 $1.000000010e-01, v0  }
0x94: {  	v46 =	vld [tilespmem:s22+$0x10400]  }
0x95: {  	v47 =	vld [tilespmem:s22+$0x10480];
	[tilespmem:s14+$0x1A020] =	vst v0  }
0x96: {  	v49 =	vld [tilespmem:s24+$0x10030]  }
0x97: {  	v2 =	vadd.f32 v35, v10;
	v5 =	vadd.f32 v39, v38;
	v50 =	vld [tilespmem:s24+$0x100B0]  }
0x98: {  	v48 =	vadd.f32 v42, v41;
	v1 =	vadd.f32 v45, v44;
	v51 =	vld [tilespmem:s24+$0x10130]  }
0x99: {  	v52 =	vld [tilespmem:s24+$0x101B0]  }
0x9a: {  	v2 =	vadd.f32 v5, v2;
	v0 =	vadd.f32 v1, v48;
	v54 =	vld [tilespmem:s24+$0x10230]  }
0x9b: {  	v55 =	vld [tilespmem:s24+$0x102B0]  }
0x9c: {  	v53 =	vadd.f32 v47, v46;
	v56 =	vld [tilespmem:s24+$0x10330];
	v0 =	vadd.f32 v0, v2  }
0x9d: {  	v57 =	vld [tilespmem:s24+$0x103B0]  }
0x9e: {  	v0 =	vadd.f32 v53, v0;
	_ =	sdelay $0x1  }
0x9f: {  	s1 =	sshll.u32 s29, $0x7;
	v58 =	vld [tilespmem:s24+$0x10430];
	v0 =	vmul.f32 $1.000000010e-01, v0  }
0xa0: {  	s18 =	sand.u32 $0x3FFFFF80, s1;
	v59 =	vld [tilespmem:s24+$0x104B0];
	v3 =	vadd.f32 v50, v49;
	v1 =	vadd.f32 v52, v51  }
0xa1: {  	v2 =	vadd.f32 v55, v54;
	v61 =	vadd.f32 v57, v56;
	[tilespmem:s18+$0x1A000] =	vst v0  }
0xa2: {  	v0 =	vld [tilespmem:s22+$0x10010]  }
0xa3: {  	v1 =	vadd.f32 v1, v3;
	v2 =	vadd.f32 v61, v2;
	v60 =	vld [tilespmem:s22+$0x10090]  }
0xa4: {  	v62 =	vld [tilespmem:s22+$0x10110]  }
0xa5: {  	v14 =	vadd.f32 v59, v58;
	v63 =	vld [tilespmem:s22+$0x10190];
	v1 =	vadd.f32 v2, v1  }
0xa6: {  	v12 =	vld [tilespmem:s22+$0x10210]  }
0xa7: {  	v13 =	vld [tilespmem:s22+$0x10290];
	v1 =	vadd.f32 v14, v1  }
0xa8: {  	v15 =	vld [tilespmem:s22+$0x10310]  }
0xa9: {  	v16 =	vld [tilespmem:s22+$0x10390];
	v1 =	vmul.f32 $1.000000010e-01, v1  }
0xaa: {  	v17 =	vld [tilespmem:s22+$0x10410]  }
0xab: {  	v18 =	vld [tilespmem:s22+$0x10490];
	[tilespmem:s14+$0x1A030] =	vst v1  }
0xac: {  	v21 =	vld [tilespmem:s24+$0x10040]  }
0xad: {  	v0 =	vadd.f32 v60, v0;
	v19 =	vadd.f32 v63, v62;
	v22 =	vld [tilespmem:s24+$0x100C0]  }
0xae: {  	v20 =	vadd.f32 v13, v12;
	v2 =	vadd.f32 v16, v15;
	v23 =	vld [tilespmem:s24+$0x10140]  }
0xaf: {  	v24 =	vld [tilespmem:s24+$0x101C0]  }
0xb0: {  	v0 =	vadd.f32 v19, v0;
	v1 =	vadd.f32 v2, v20;
	v26 =	vld [tilespmem:s24+$0x10240]  }
0xb1: {  	v27 =	vld [tilespmem:s24+$0x102C0]  }
0xb2: {  	v25 =	vadd.f32 v18, v17;
	v28 =	vld [tilespmem:s24+$0x10340];
	v0 =	vadd.f32 v1, v0  }
0xb3: {  	v29 =	vld [tilespmem:s24+$0x103C0]  }
0xb4: {  	v0 =	vadd.f32 v25, v0;
	_ =	sdelay $0x1  }
0xb5: {  	v30 =	vld [tilespmem:s24+$0x10440];
	v0 =	vmul.f32 $1.000000010e-01, v0  }
0xb6: {  	v31 =	vld [tilespmem:s24+$0x104C0];
	v3 =	vadd.f32 v22, v21;
	v2 =	vadd.f32 v24, v23  }
0xb7: {  	v1 =	vadd.f32 v27, v26;
	v33 =	vadd.f32 v29, v28;
	[tilespmem:s18+$0x1A010] =	vst v0  }
0xb8: {  	v0 =	vld [tilespmem:s22+$0x10020]  }
0xb9: {  	v2 =	vadd.f32 v2, v3;
	v1 =	vadd.f32 v33, v1;
	v32 =	vld [tilespmem:s22+$0x100A0]  }
0xba: {  	v34 =	vld [tilespmem:s22+$0x10120]  }
0xbb: {  	v38 =	vadd.f32 v31, v30;
	v35 =	vld [tilespmem:s22+$0x101A0];
	v1 =	vadd.f32 v1, v2  }
0xbc: {  	v36 =	vld [tilespmem:s22+$0x10220]  }
0xbd: {  	v37 =	vld [tilespmem:s22+$0x102A0];
	v1 =	vadd.f32 v38, v1  }
0xbe: {  	v39 =	vld [tilespmem:s22+$0x10320]  }
0xbf: {  	v40 =	vld [tilespmem:s22+$0x103A0];
	v1 =	vmul.f32 $1.000000010e-01, v1  }
0xc0: {  	v41 =	vld [tilespmem:s22+$0x10420]  }
0xc1: {  	v42 =	vld [tilespmem:s22+$0x104A0];
	[tilespmem:s14+$0x1A040] =	vst v1  }
0xc2: {  	v45 =	vld [tilespmem:s24+$0x10050]  }
0xc3: {  	v46 =	vld [tilespmem:s24+$0x100D0]  }
0xc4: {  	v0 =	vadd.f32 v32, v0;
	v43 =	vadd.f32 v35, v34;
	v47 =	vld [tilespmem:s24+$0x10150]  }
0xc5: {  	v44 =	vadd.f32 v37, v36;
	v2 =	vadd.f32 v40, v39;
	v48 =	vld [tilespmem:s24+$0x101D0]  }
0xc6: {  	v50 =	vld [tilespmem:s24+$0x10250]  }
0xc7: {  	v0 =	vadd.f32 v43, v0;
	v1 =	vadd.f32 v2, v44;
	v51 =	vld [tilespmem:s24+$0x102D0]  }
0xc8: {  	s31 =	sor.u32 $0x2, s10;
	v52 =	vld [tilespmem:s24+$0x10350]  }
0xc9: {  	s12 =	sor.u32 $0x3, s10;
	s26 =	smul.u32 $0x1400, s31;
	v49 =	vadd.f32 v42, v41;
	v54 =	vld [tilespmem:s24+$0x10450];
	v0 =	vadd.f32 v1, v0  }
0xca: {  	s29 =	smul.u32 $0x1400, s12;
	v55 =	vld [tilespmem:s24+$0x104D0]  }
0xcb: {  	s26 =	sshra.s32 s26, $0x2;
	v53 =	vld [tilespmem:s24+$0x103D0];
	v0 =	vadd.f32 v49, v0  }
0xcc: {  	s29 =	sshra.s32 s29, $0x2;
	v3 =	vadd.f32 v46, v45;
	v45 =	vld [tilespmem:s26+$0x10480]  }
0xcd: {  	v0 =	vmul.f32 $1.000000010e-01, v0;
	v2 =	vadd.f32 v48, v47;
	v48 =	vld [tilespmem:s29+$0x10000]  }
0xce: {  	v1 =	vadd.f32 v51, v50;
	v51 =	vld [tilespmem:s29+$0x10080]  }
0xcf: {  	v62 =	vadd.f32 v55, v54;
	v54 =	vld [tilespmem:s29+$0x10100];
	[tilespmem:s18+$0x1A020] =	vst v0  }
0xd0: {  	v0 =	vld [tilespmem:s22+$0x10030]  }
0xd1: {  	v56 =	vld [tilespmem:s22+$0x100B0]  }
0xd2: {  	v58 =	vld [tilespmem:s22+$0x10130]  }
0xd3: {  	v59 =	vld [tilespmem:s22+$0x101B0]  }
0xd4: {  	v57 =	vadd.f32 v53, v52;
	v60 =	vld [tilespmem:s22+$0x10230]  }
0xd5: {  	v61 =	vld [tilespmem:s22+$0x102B0]  }
0xd6: {  	v2 =	vadd.f32 v2, v3;
	v1 =	vadd.f32 v57, v1;
	v63 =	vld [tilespmem:s22+$0x10330]  }
0xd7: {  	v12 =	vld [tilespmem:s22+$0x103B0]  }
0xd8: {  	v13 =	vld [tilespmem:s22+$0x10430];
	v1 =	vadd.f32 v1, v2  }
0xd9: {  	v14 =	vld [tilespmem:s22+$0x104B0]  }
0xda: {  	v1 =	vadd.f32 v62, v1;
	v62 =	vld [tilespmem:s29+$0x10380]  }
0xdb: {  	v0 =	vadd.f32 v56, v0;
	v56 =	vld [tilespmem:s29+$0x10180]  }
0xdc: {  	v1 =	vmul.f32 $1.000000010e-01, v1;
	v15 =	vadd.f32 v59, v58;
	v59 =	vld [tilespmem:s29+$0x10200]  }
0xdd: {  	v16 =	vadd.f32 v61, v60;
	v60 =	vld [tilespmem:s29+$0x10280]  }
0xde: {  	v61 =	vld [tilespmem:s29+$0x10300];
	[tilespmem:s14+$0x1A050] =	vst v1  }
0xdf: {  	v17 =	vld [tilespmem:s24+$0x10060]  }
0xe0: {  	v18 =	vld [tilespmem:s24+$0x100E0]  }
0xe1: {  	v19 =	vld [tilespmem:s24+$0x10160]  }
0xe2: {  	v2 =	vadd.f32 v12, v63;
	v20 =	vld [tilespmem:s24+$0x101E0]  }
0xe3: {  	v22 =	vld [tilespmem:s24+$0x10260]  }
0xe4: {  	v0 =	vadd.f32 v15, v0;
	v1 =	vadd.f32 v2, v16;
	v23 =	vld [tilespmem:s24+$0x102E0]  }
0xe5: {  	v24 =	vld [tilespmem:s24+$0x10360]  }
0xe6: {  	v21 =	vadd.f32 v14, v13;
	v25 =	vld [tilespmem:s24+$0x103E0];
	v0 =	vadd.f32 v1, v0  }
0xe7: {  	v26 =	vld [tilespmem:s24+$0x10460]  }
0xe8: {  	v27 =	vld [tilespmem:s24+$0x104E0];
	v0 =	vadd.f32 v21, v0  }
0xe9: {  	v21 =	vld [tilespmem:s26+$0x10200]  }
0xea: {  	v0 =	vmul.f32 $1.000000010e-01, v0;
	v3 =	vadd.f32 v18, v17;
	v17 =	vld [tilespmem:s26+$0x10000]  }
0xeb: {  	v18 =	vld [tilespmem:s26+$0x10080]  }
0xec: {  	v1 =	vadd.f32 v23, v22;
	v22 =	vld [tilespmem:s26+$0x10280];
	[tilespmem:s18+$0x1A030] =	vst v0  }
0xed: {  	v0 =	vld [tilespmem:s22+$0x10040]  }
0xee: {  	v11 =	vld [tilespmem:s22+$0x100C0]  }
0xef: {  	v12 =	vld [tilespmem:s22+$0x10140]  }
0xf0: {  	v28 =	vld [tilespmem:s22+$0x101C0]  }
0xf1: {  	v2 =	vadd.f32 v20, v19;
	v29 =	vadd.f32 v25, v24;
	v30 =	vld [tilespmem:s22+$0x10240]  }
0xf2: {  	v31 =	vld [tilespmem:s22+$0x102C0]  }
0xf3: {  	v2 =	vadd.f32 v2, v3;
	v1 =	vadd.f32 v29, v1;
	v32 =	vld [tilespmem:s22+$0x10340]  }
0xf4: {  	v33 =	vld [tilespmem:s22+$0x103C0]  }
0xf5: {  	v34 =	vadd.f32 v27, v26;
	v23 =	vld [tilespmem:s26+$0x10300];
	v1 =	vadd.f32 v1, v2  }
0xf6: {  	v24 =	vld [tilespmem:s26+$0x10380]  }
0xf7: {  	v35 =	vld [tilespmem:s22+$0x10440];
	v1 =	vadd.f32 v34, v1  }
0xf8: {  	v36 =	vld [tilespmem:s22+$0x104C0];
	v0 =	vadd.f32 v11, v0;
	v4 =	vadd.f32 v28, v12  }
0xf9: {  	v19 =	vld [tilespmem:s26+$0x10100];
	v6 =	vadd.f32 v31, v30;
	v3 =	vadd.f32 v33, v32  }
0xfa: {  	v20 =	vld [tilespmem:s26+$0x10180]  }
0xfb: {  	v25 =	vld [tilespmem:s26+$0x10400];
	v1 =	vmul.f32 $1.000000010e-01, v1;
	v4 =	vadd.f32 v4, v0;
	v3 =	vadd.f32 v3, v6  }
0xfc: {  	v52 =	vadd.f32 v22, v21;
	v53 =	vadd.f32 v24, v23;
	v22 =	vld [tilespmem:s29+$0x10400]  }
0xfd: {  	v23 =	vld [tilespmem:s29+$0x10480];
	v37 =	vadd.f32 v36, v35;
	[tilespmem:s14+$0x1A060] =	vst v1;
	v3 =	vadd.f32 v3, v4  }
0xfe: {  	v0 =	vld [tilespmem:s24+$0x10070]  }
0xff: {  	v1 =	vld [tilespmem:s24+$0x100F0];
	v5 =	vadd.f32 v37, v3  }
0x100: {  	v2 =	vld [tilespmem:s24+$0x10170]  }
0x101: {  	v6 =	vld [tilespmem:s24+$0x10370];
	v38 =	vmul.f32 $1.000000010e-01, v5  }
0x102: {  	v8 =	vld [tilespmem:s24+$0x103F0]  }
0x103: {  	v4 =	vld [tilespmem:s24+$0x101F0];
	[tilespmem:s18+$0x1A040] =	vst v38  }
0x104: {  	v7 =	vld [tilespmem:s22+$0x10050]  }
0x105: {  	v49 =	vadd.f32 v18, v17;
	v50 =	vadd.f32 v20, v19;
	v39 =	vld [tilespmem:s22+$0x100D0]  }
0x106: {  	v40 =	vld [tilespmem:s22+$0x10150]  }
0x107: {  	v57 =	vadd.f32 v50, v49;
	v58 =	vadd.f32 v53, v52;
	v41 =	vld [tilespmem:s22+$0x101D0]  }
0x108: {  	v42 =	vld [tilespmem:s22+$0x10250]  }
0x109: {  	v9 =	vadd.f32 v45, v25;
	v11 =	vadd.f32 v58, v57;
	v43 =	vld [tilespmem:s22+$0x102D0]  }
0x10a: {  	v13 =	vld [tilespmem:s22+$0x10350]  }
0x10b: {  	v9 =	vadd.f32 v9, v11;
	v14 =	vld [tilespmem:s22+$0x103D0]  }
0x10c: {  	v3 =	vld [tilespmem:s24+$0x10270]  }
0x10d: {  	s1 =	sshll.u32 s31, $0x7;
	v21 =	vmul.f32 $1.000000010e-01, v9;
	v5 =	vld [tilespmem:s24+$0x102F0]  }
0x10e: {  	s31 =	sand.u32 $0x3FFFFF80, s1;
	v10 =	vadd.f32 v56, v54;
	v12 =	vadd.f32 v51, v48;
	v15 =	vld [tilespmem:s22+$0x10450]  }
0x10f: {  	[tilespmem:s31+$0x1A000] =	vst v21;
	v16 =	vld [tilespmem:s22+$0x104D0];
	v7 =	vadd.f32 v39, v7;
	v44 =	vadd.f32 v41, v40  }
0x110: {  	v24 =	vld [tilespmem:s26+$0x10090];
	v46 =	vadd.f32 v43, v42;
	v47 =	vadd.f32 v14, v13  }
0x111: {  	v26 =	vld [tilespmem:s26+$0x10110];
	v14 =	vadd.f32 v60, v59;
	v13 =	vadd.f32 v62, v61  }
0x112: {  	v27 =	vld [tilespmem:s26+$0x10190];
	v7 =	vadd.f32 v44, v7;
	v55 =	vadd.f32 v47, v46  }
0x113: {  	v10 =	vadd.f32 v10, v12;
	v28 =	vld [tilespmem:s26+$0x10210];
	v25 =	vadd.f32 v13, v14  }
0x114: {  	v29 =	vld [tilespmem:s26+$0x10290];
	v15 =	vadd.f32 v16, v15;
	v7 =	vadd.f32 v55, v7  }
0x115: {  	v11 =	vadd.f32 v23, v22;
	v30 =	vld [tilespmem:s26+$0x10310];
	v10 =	vadd.f32 v25, v10  }
0x116: {  	v31 =	vld [tilespmem:s26+$0x10390];
	v15 =	vadd.f32 v15, v7  }
0x117: {  	v32 =	vld [tilespmem:s26+$0x10410];
	v10 =	vadd.f32 v11, v10  }
0x118: {  	v33 =	vld [tilespmem:s26+$0x10490];
	v63 =	vmul.f32 $1.000000010e-01, v15  }
0x119: {  	s12 =	sshll.u32 s12, $0x7;
	v15 =	vld [tilespmem:s26+$0x10010];
	v10 =	vmul.f32 $1.000000010e-01, v10  }
0x11a: {  	s1 =	sand.u32 $0x3FFFFF80, s12;
	v7 =	vld [tilespmem:s24+$0x10470];
	[tilespmem:s18+$0x1A050] =	vst v63  }
0x11b: {  	[tilespmem:s1+$0x1A000] =	vst v10;
	v9 =	vld [tilespmem:s22+$0x10060]  }
0x11c: {  	v10 =	vld [tilespmem:s29+$0x10010]  }
0x11d: {  	v12 =	vadd.f32 v29, v28;
	v13 =	vadd.f32 v27, v26;
	v34 =	vld [tilespmem:s29+$0x10090]  }
0x11e: {  	v11 =	vadd.f32 v31, v30;
	v35 =	vld [tilespmem:s29+$0x10110];
	v15 =	vadd.f32 v24, v15  }
0x11f: {  	v36 =	vld [tilespmem:s29+$0x10190]  }
0x120: {  	v11 =	vadd.f32 v11, v12;
	v37 =	vld [tilespmem:s29+$0x10210];
	v13 =	vadd.f32 v13, v15  }
0x121: {  	v38 =	vld [tilespmem:s29+$0x10290]  }
0x122: {  	v39 =	vadd.f32 v33, v32;
	v40 =	vld [tilespmem:s29+$0x10310];
	v11 =	vadd.f32 v11, v13  }
0x123: {  	v41 =	vld [tilespmem:s29+$0x10390]  }
0x124: {  	v20 =	vld [tilespmem:s22+$0x100E0];
	v11 =	vadd.f32 v39, v11  }
0x125: {  	v18 =	vld [tilespmem:s22+$0x10160]  }
0x126: {  	v42 =	vld [tilespmem:s29+$0x10410];
	v11 =	vmul.f32 $1.000000010e-01, v11  }
0x127: {  	v43 =	vld [tilespmem:s29+$0x10490];
	v10 =	vadd.f32 v34, v10;
	v44 =	vadd.f32 v36, v35  }
0x128: {  	v16 =	vld [tilespmem:s22+$0x101E0];
	v45 =	vadd.f32 v38, v37;
	v46 =	vadd.f32 v41, v40;
	[tilespmem:s31+$0x1A010] =	vst v11  }
0x129: {  	v47 =	vld [tilespmem:s26+$0x10020]  }
0x12a: {  	v10 =	vadd.f32 v44, v10;
	v11 =	vadd.f32 v46, v45;
	v48 =	vld [tilespmem:s26+$0x100A0]  }
0x12b: {  	v49 =	vld [tilespmem:s26+$0x10120]  }
0x12c: {  	v51 =	vadd.f32 v43, v42;
	v50 =	vld [tilespmem:s26+$0x101A0];
	v10 =	vadd.f32 v11, v10  }
0x12d: {  	v52 =	vld [tilespmem:s26+$0x10220]  }
0x12e: {  	v53 =	vld [tilespmem:s26+$0x102A0];
	v10 =	vadd.f32 v51, v10  }
0x12f: {  	v54 =	vld [tilespmem:s26+$0x10320]  }
0x130: {  	v55 =	vld [tilespmem:s26+$0x103A0];
	v10 =	vmul.f32 $1.000000010e-01, v10  }
0x131: {  	v56 =	vld [tilespmem:s26+$0x10420]  }
0x132: {  	v57 =	vld [tilespmem:s26+$0x104A0];
	[tilespmem:s1+$0x1A010] =	vst v10  }
0x133: {  	v10 =	vld [tilespmem:s29+$0x10020]  }
0x134: {  	v13 =	vadd.f32 v48, v47;
	v12 =	vadd.f32 v50, v49;
	v58 =	vld [tilespmem:s29+$0x100A0]  }
0x135: {  	v11 =	vadd.f32 v53, v52;
	v59 =	vadd.f32 v55, v54;
	v60 =	vld [tilespmem:s29+$0x10120]  }
0x136: {  	v61 =	vld [tilespmem:s29+$0x101A0]  }
0x137: {  	v12 =	vadd.f32 v12, v13;
	v11 =	vadd.f32 v59, v11;
	v62 =	vld [tilespmem:s29+$0x10220]  }
0x138: {  	v63 =	vld [tilespmem:s29+$0x102A0]  }
0x139: {  	v27 =	vadd.f32 v57, v56;
	v28 =	vld [tilespmem:s29+$0x10320];
	v11 =	vadd.f32 v11, v12  }
0x13a: {  	v29 =	vld [tilespmem:s29+$0x103A0]  }
0x13b: {  	v30 =	vld [tilespmem:s22+$0x10260];
	v11 =	vadd.f32 v27, v11  }
0x13c: {  	v31 =	vld [tilespmem:s22+$0x102E0]  }
0x13d: {  	v32 =	vld [tilespmem:s29+$0x10420];
	v11 =	vmul.f32 $1.000000010e-01, v11  }
0x13e: {  	v33 =	vld [tilespmem:s29+$0x104A0];
	v10 =	vadd.f32 v58, v10;
	v34 =	vadd.f32 v61, v60  }
0x13f: {  	v35 =	vld [tilespmem:s22+$0x10360];
	v36 =	vadd.f32 v63, v62;
	v12 =	vadd.f32 v29, v28;
	[tilespmem:s31+$0x1A020] =	vst v11  }
0x140: {  	v37 =	vld [tilespmem:s26+$0x10030]  }
0x141: {  	v10 =	vadd.f32 v34, v10;
	v11 =	vadd.f32 v12, v36;
	v38 =	vld [tilespmem:s26+$0x100B0]  }
0x142: {  	v39 =	vld [tilespmem:s26+$0x10130]  }
0x143: {  	v41 =	vadd.f32 v33, v32;
	v40 =	vld [tilespmem:s26+$0x101B0];
	v10 =	vadd.f32 v11, v10  }
0x144: {  	v42 =	vld [tilespmem:s26+$0x10230]  }
0x145: {  	v43 =	vld [tilespmem:s26+$0x102B0];
	v10 =	vadd.f32 v41, v10  }
0x146: {  	v44 =	vld [tilespmem:s26+$0x10330]  }
0x147: {  	v45 =	vld [tilespmem:s26+$0x103B0];
	v10 =	vmul.f32 $1.000000010e-01, v10  }
0x148: {  	v46 =	vld [tilespmem:s26+$0x10430]  }
0x149: {  	v26 =	vld [tilespmem:s26+$0x104B0];
	[tilespmem:s1+$0x1A020] =	vst v10  }
0x14a: {  	v10 =	vld [tilespmem:s29+$0x10030]  }
0x14b: {  	v13 =	vadd.f32 v38, v37;
	v12 =	vadd.f32 v40, v39;
	v47 =	vld [tilespmem:s29+$0x100B0]  }
0x14c: {  	v11 =	vadd.f32 v43, v42;
	v48 =	vadd.f32 v45, v44;
	v49 =	vld [tilespmem:s29+$0x10130]  }
0x14d: {  	v50 =	vld [tilespmem:s29+$0x101B0]  }
0x14e: {  	v12 =	vadd.f32 v12, v13;
	v11 =	vadd.f32 v48, v11;
	v51 =	vld [tilespmem:s29+$0x10230]  }
0x14f: {  	v52 =	vld [tilespmem:s29+$0x102B0]  }
0x150: {  	v53 =	vadd.f32 v26, v46;
	v54 =	vld [tilespmem:s29+$0x10330];
	v11 =	vadd.f32 v11, v12  }
0x151: {  	v55 =	vld [tilespmem:s29+$0x103B0]  }
0x152: {  	v56 =	vld [tilespmem:s22+$0x103E0];
	v11 =	vadd.f32 v53, v11  }
0x153: {  	v57 =	vld [tilespmem:s22+$0x10460]  }
0x154: {  	v27 =	vld [tilespmem:s29+$0x10430];
	v11 =	vmul.f32 $1.000000010e-01, v11  }
0x155: {  	v58 =	vld [tilespmem:s29+$0x104B0];
	v10 =	vadd.f32 v47, v10;
	v19 =	vadd.f32 v50, v49  }
0x156: {  	v59 =	vld [tilespmem:s22+$0x104E0];
	v60 =	vadd.f32 v52, v51;
	v12 =	vadd.f32 v55, v54;
	[tilespmem:s31+$0x1A030] =	vst v11  }
0x157: {  	v61 =	vld [tilespmem:s26+$0x10040]  }
0x158: {  	v10 =	vadd.f32 v19, v10;
	v11 =	vadd.f32 v12, v60;
	v62 =	vld [tilespmem:s26+$0x100C0]  }
0x159: {  	v63 =	vld [tilespmem:s26+$0x10140]  }
0x15a: {  	v14 =	vadd.f32 v58, v27;
	v25 =	vld [tilespmem:s26+$0x101C0];
	v10 =	vadd.f32 v11, v10  }
0x15b: {  	v27 =	vld [tilespmem:s26+$0x10240]  }
0x15c: {  	v28 =	vld [tilespmem:s26+$0x102C0];
	v10 =	vadd.f32 v14, v10  }
0x15d: {  	v29 =	vadd.f32 v31, v30;
	v30 =	vld [tilespmem:s26+$0x10340]  }
0x15e: {  	v9 =	vadd.f32 v20, v9;
	v31 =	vld [tilespmem:s26+$0x103C0];
	v10 =	vmul.f32 $1.000000010e-01, v10  }
0x15f: {  	v16 =	vadd.f32 v16, v18;
	v17 =	vadd.f32 v56, v35;
	v32 =	vld [tilespmem:s26+$0x10440]  }
0x160: {  	v33 =	vld [tilespmem:s26+$0x104C0];
	[tilespmem:s1+$0x1A030] =	vst v10  }
0x161: {  	v9 =	vadd.f32 v16, v9;
	v14 =	vadd.f32 v17, v29;
	v35 =	vld [tilespmem:s29+$0x10040]  }
0x162: {  	v13 =	vadd.f32 v62, v61;
	v12 =	vadd.f32 v25, v63;
	v36 =	vld [tilespmem:s29+$0x100C0]  }
0x163: {  	v11 =	vadd.f32 v28, v27;
	v37 =	vadd.f32 v31, v30;
	v38 =	vld [tilespmem:s29+$0x10140]  }
0x164: {  	v34 =	vadd.f32 v59, v57;
	v9 =	vadd.f32 v14, v9;
	v39 =	vld [tilespmem:s29+$0x101C0]  }
0x165: {  	v12 =	vadd.f32 v12, v13;
	v11 =	vadd.f32 v37, v11;
	v40 =	vld [tilespmem:s29+$0x10240]  }
0x166: {  	v16 =	vadd.f32 v33, v32;
	v41 =	vld [tilespmem:s29+$0x102C0]  }
0x167: {  	v9 =	vadd.f32 v34, v9;
	v43 =	vld [tilespmem:s29+$0x10340];
	v11 =	vadd.f32 v11, v12  }
0x168: {  	v44 =	vld [tilespmem:s29+$0x103C0]  }
0x169: {  	v45 =	vld [tilespmem:s29+$0x10440];
	v42 =	vmul.f32 $1.000000010e-01, v9;
	v11 =	vadd.f32 v16, v11  }
0x16a: {  	v46 =	vld [tilespmem:s29+$0x104C0]  }
0x16b: {  	v9 =	vld [tilespmem:s24+$0x104F0];
	[tilespmem:s18+$0x1A060] =	vst v42;
	v11 =	vmul.f32 $1.000000010e-01, v11  }
0x16c: {  	v16 =	vld [tilespmem:s22+$0x10070];
	v14 =	vadd.f32 v36, v35;
	v10 =	vadd.f32 v39, v38  }
0x16d: {  	v15 =	vld [tilespmem:s22+$0x100F0];
	v47 =	vadd.f32 v41, v40;
	v12 =	vadd.f32 v44, v43;
	[tilespmem:s31+$0x1A040] =	vst v11  }
0x16e: {  	v48 =	vld [tilespmem:s26+$0x10050]  }
0x16f: {  	v10 =	vadd.f32 v10, v14;
	v11 =	vadd.f32 v12, v47;
	v49 =	vld [tilespmem:s26+$0x100D0]  }
0x170: {  	v50 =	vld [tilespmem:s26+$0x10150]  }
0x171: {  	v52 =	vadd.f32 v46, v45;
	v51 =	vld [tilespmem:s26+$0x101D0];
	v10 =	vadd.f32 v11, v10  }
0x172: {  	v53 =	vld [tilespmem:s26+$0x10250]  }
0x173: {  	v54 =	vld [tilespmem:s26+$0x102D0];
	v10 =	vadd.f32 v52, v10  }
0x174: {  	v55 =	vld [tilespmem:s26+$0x10350]  }
0x175: {  	v56 =	vld [tilespmem:s26+$0x103D0];
	v10 =	vmul.f32 $1.000000010e-01, v10  }
0x176: {  	v57 =	vld [tilespmem:s26+$0x10450]  }
0x177: {  	v58 =	vld [tilespmem:s26+$0x104D0];
	[tilespmem:s1+$0x1A040] =	vst v10  }
0x178: {  	v10 =	vld [tilespmem:s29+$0x10050]  }
0x179: {  	v13 =	vadd.f32 v49, v48;
	v12 =	vadd.f32 v51, v50;
	v59 =	vld [tilespmem:s29+$0x100D0]  }
0x17a: {  	v11 =	vadd.f32 v54, v53;
	v60 =	vadd.f32 v56, v55;
	v61 =	vld [tilespmem:s29+$0x10150]  }
0x17b: {  	v62 =	vld [tilespmem:s29+$0x101D0]  }
0x17c: {  	v12 =	vadd.f32 v12, v13;
	v11 =	vadd.f32 v60, v11;
	v63 =	vld [tilespmem:s29+$0x10250]  }
0x17d: {  	v28 =	vld [tilespmem:s29+$0x102D0]  }
0x17e: {  	v29 =	vadd.f32 v58, v57;
	v30 =	vld [tilespmem:s29+$0x10350];
	v11 =	vadd.f32 v11, v12  }
0x17f: {  	v31 =	vld [tilespmem:s29+$0x103D0]  }
0x180: {  	v22 =	vld [tilespmem:s22+$0x10170];
	v11 =	vadd.f32 v29, v11  }
0x181: {  	v20 =	vld [tilespmem:s22+$0x101F0]  }
0x182: {  	v32 =	vld [tilespmem:s29+$0x10450];
	v11 =	vmul.f32 $1.000000010e-01, v11  }
0x183: {  	v33 =	vld [tilespmem:s29+$0x104D0];
	v10 =	vadd.f32 v59, v10;
	v34 =	vadd.f32 v62, v61  }
0x184: {  	v18 =	vld [tilespmem:s22+$0x10270];
	v35 =	vadd.f32 v28, v63;
	v12 =	vadd.f32 v31, v30;
	[tilespmem:s31+$0x1A050] =	vst v11  }
0x185: {  	v36 =	vld [tilespmem:s26+$0x10060]  }
0x186: {  	v10 =	vadd.f32 v34, v10;
	v11 =	vadd.f32 v12, v35;
	v37 =	vld [tilespmem:s26+$0x100E0]  }
0x187: {  	v38 =	vld [tilespmem:s26+$0x10160]  }
0x188: {  	v40 =	vadd.f32 v33, v32;
	v39 =	vld [tilespmem:s26+$0x101E0];
	v10 =	vadd.f32 v11, v10  }
0x189: {  	v41 =	vld [tilespmem:s26+$0x10260]  }
0x18a: {  	v42 =	vld [tilespmem:s26+$0x102E0];
	v10 =	vadd.f32 v40, v10  }
0x18b: {  	v43 =	vld [tilespmem:s26+$0x10360]  }
0x18c: {  	v44 =	vld [tilespmem:s26+$0x103E0];
	v10 =	vmul.f32 $1.000000010e-01, v10  }
0x18d: {  	v45 =	vld [tilespmem:s26+$0x10460]  }
0x18e: {  	v46 =	vld [tilespmem:s26+$0x104E0];
	[tilespmem:s1+$0x1A050] =	vst v10  }
0x18f: {  	v10 =	vld [tilespmem:s29+$0x10060]  }
0x190: {  	v47 =	vld [tilespmem:s29+$0x100E0]  }
0x191: {  	v48 =	vld [tilespmem:s29+$0x10160]  }
0x192: {  	v13 =	vadd.f32 v37, v36;
	v12 =	vadd.f32 v39, v38;
	v49 =	vld [tilespmem:s29+$0x101E0]  }
0x193: {  	v11 =	vadd.f32 v42, v41;
	v50 =	vadd.f32 v44, v43;
	v51 =	vld [tilespmem:s29+$0x10260]  }
0x194: {  	v52 =	vld [tilespmem:s29+$0x102E0]  }
0x195: {  	v12 =	vadd.f32 v12, v13;
	v11 =	vadd.f32 v50, v11;
	v53 =	vld [tilespmem:s29+$0x10360]  }
0x196: {  	v54 =	vld [tilespmem:s29+$0x103E0]  }
0x197: {  	v55 =	vld [tilespmem:s22+$0x102F0];
	v24 =	vadd.f32 v46, v45;
	v11 =	vadd.f32 v11, v12  }
0x198: {  	v56 =	vld [tilespmem:s22+$0x10370]  }
0x199: {  	v57 =	vld [tilespmem:s29+$0x10460];
	v11 =	vadd.f32 v24, v11  }
0x19a: {  	v58 =	vld [tilespmem:s29+$0x104E0];
	v10 =	vadd.f32 v47, v10;
	v14 =	vadd.f32 v49, v48  }
0x19b: {  	v60 =	vld [tilespmem:s22+$0x10470];
	v11 =	vmul.f32 $1.000000010e-01, v11;
	v19 =	vadd.f32 v52, v51;
	v13 =	vadd.f32 v54, v53  }
0x19c: {  	v59 =	vld [tilespmem:s22+$0x103F0]  }
0x19d: {  	v61 =	vld [tilespmem:s22+$0x104F0];
	[tilespmem:s31+$0x1A060] =	vst v11;
	v10 =	vadd.f32 v14, v10;
	v62 =	vadd.f32 v13, v19  }
0x19e: {  	v63 =	vld [tilespmem:s26+$0x10070]  }
0x19f: {  	v31 =	vadd.f32 v58, v57;
	v30 =	vld [tilespmem:s26+$0x100F0];
	v10 =	vadd.f32 v62, v10  }
0x1a0: {  	v32 =	vld [tilespmem:s26+$0x10170]  }
0x1a1: {  	v33 =	vld [tilespmem:s26+$0x101F0];
	v10 =	vadd.f32 v31, v10  }
0x1a2: {  	v34 =	vld [tilespmem:s26+$0x10270]  }
0x1a3: {  	v35 =	vld [tilespmem:s26+$0x102F0];
	v10 =	vmul.f32 $1.000000010e-01, v10  }
0x1a4: {  	v36 =	vld [tilespmem:s26+$0x10370]  }
0x1a5: {  	v0 =	vadd.f32 v1, v0;
	v3 =	vadd.f32 v5, v3;
	v38 =	vld [tilespmem:s26+$0x103F0];
	[tilespmem:s1+$0x1A060] =	vst v10  }
0x1a6: {  	v37 =	vadd.f32 v4, v2;
	v39 =	vadd.f32 v8, v6;
	v40 =	vld [tilespmem:s29+$0x10070]  }
0x1a7: {  	v41 =	vadd.f32 v15, v16;
	v42 =	vadd.f32 v20, v22;
	v10 =	vld [tilespmem:s29+$0x100F0]  }
0x1a8: {  	v43 =	vadd.f32 v55, v18;
	v12 =	vadd.f32 v59, v56;
	v44 =	vld [tilespmem:s29+$0x10170]  }
0x1a9: {  	v0 =	vadd.f32 v37, v0;
	v45 =	vadd.f32 v39, v3;
	v46 =	vld [tilespmem:s29+$0x101F0]  }
0x1aa: {  	v47 =	vadd.f32 v42, v41;
	v48 =	vadd.f32 v12, v43;
	v49 =	vld [tilespmem:s29+$0x10270]  }
0x1ab: {  	v7 =	vadd.f32 v9, v7;
	v0 =	vadd.f32 v45, v0;
	v50 =	vld [tilespmem:s29+$0x102F0]  }
0x1ac: {  	v51 =	vadd.f32 v61, v60;
	v4 =	vadd.f32 v48, v47;
	v52 =	vld [tilespmem:s29+$0x10370]  }
0x1ad: {  	v53 =	vld [tilespmem:s29+$0x103F0]  }
0x1ae: {  	v0 =	vadd.f32 v7, v0;
	v54 =	vld [tilespmem:s26+$0x10470];
	v4 =	vadd.f32 v51, v4  }
0x1af: {  	v55 =	vld [tilespmem:s26+$0x104F0];
	v13 =	vadd.f32 v30, v63;
	v11 =	vadd.f32 v33, v32  }
0x1b0: {  	v56 =	vadd.f32 v35, v34;
	v2 =	vadd.f32 v38, v36;
	v57 =	vld [tilespmem:s29+$0x10470]  }
0x1b1: {  	v58 =	vld [tilespmem:s29+$0x104F0];
	v5 =	vadd.f32 v10, v40;
	v3 =	vadd.f32 v46, v44  }
0x1b2: {  	v1 =	vadd.f32 v50, v49;
	v6 =	vadd.f32 v53, v52  }
0x1b3: {  	v59 =	vadd.f32 v11, v13;
	v2 =	vadd.f32 v2, v56  }
0x1b4: {  	v3 =	vadd.f32 v3, v5;
	v1 =	vadd.f32 v6, v1  }
0x1b5: {  	v60 =	vadd.f32 v55, v54;
	v2 =	vadd.f32 v2, v59  }
0x1b6: {  	v61 =	vadd.f32 v58, v57;
	v1 =	vadd.f32 v1, v3  }
0x1b7: {  	p1 =	slt.u32 s10, $0xC;
	v0 =	vmul.f32 $1.000000010e-01, v0;
	v2 =	vadd.f32 v60, v2  }
.Ltmp0:
0x1b8: {  	v62 =	vmul.f32 $1.000000010e-01, v4;
	v1 =	vadd.f32 v61, v1;
	(pc) =	sbr.rel @p1 .LBB2_3-.Ltmp0, $4  }
0x1b9: {  	[tilespmem:s14+$0x1A070] =	vst v0;
	v63 =	vmul.f32 $1.000000010e-01, v2  }
0x1ba: {  	[tilespmem:s18+$0x1A070] =	vst v62;
	v1 =	vmul.f32 $1.000000010e-01, v1  }
0x1bb: {  	[tilespmem:s31+$0x1A070] =	vst v63;
	s31 =	sadd.s32 $0x4, s10  }
0x1bc: {  	s10 =	smov.u32 s31;
	[tilespmem:s1+$0x1A070] =	vst v1  }
0x1bd: {  	p1 =	seq.s32 s30, $0xF  }
.Ltmp1:
0x1be: {  	_ = 	snop;
	(pc) =	sbr.rel @!p1 .LBB2_5-.Ltmp1, $4  }
0x1bf: {  	_ = 	snop  }
0x1c0: {  	s1 =	sshll.u32 s30, $0x9  }
0x1c1: {  	s1 =	sadd.s32 s1, s5  }
0x1c2: {  	[hbm4b:s1+s3] =	stream.linear.scatter [tilespmem:s21], [sflag:$0x3], $0x800, $0x38;
	[tilespmem:$0x1B000] =	vst v63  }
.Ltmp2:
0x1c3: {  	(pc) =	sbr.rel .LBB2_7-.Ltmp2, $4  }
0x1c4: {  	_ = 	snop  }
0x1c5: {  	_ =	swait.ge [sflag:s23], $0x5000  }
0x1c6: {  	[sflag:s23] =	ssyncset.done $0x0  }
0x1c7: {  	[sflag:s23] =	ssyncadd.s32 $0xFFFFB000  }
.LBB2_5:
0x1c8: {  	s1 =	sshll.u32 s30, $0xC  }
0x1c9: {  	s1 =	sand.u32 $0x3FFFF000, s1  }
0x1ca: {  	s12 =	simm.s32 $0x10000;
	s10 =	sadd.s32 $0x1000, s1  }
0x1cb: {  	[tilespmem:s12], [sflag:$0x1] =	stream.indirect.gather [hbm4b:s2+s8], $0x80, s10, s8, $0xb8;
	[tilespmem:$0x1B000] =	vst v63  }
0x1cc: {  	s22 =	simm.s32 $0x10500;
	s18 =	sadd.s32 $0x1080, s1  }
0x1cd: {  	[tilespmem:s22], [sflag:$0x1] =	stream.indirect.gather [hbm4b:s2+s8], $0x80, s18, s8, $0xb8;
	[tilespmem:$0x1B000] =	vst v63  }
0x1ce: {  	s26 =	simm.s32 $0x10A00;
	s24 =	sadd.s32 $0x1100, s1  }
0x1cf: {  	[tilespmem:s26], [sflag:$0x1] =	stream.indirect.gather [hbm4b:s2+s8], $0x80, s24, s8, $0xb8;
	[tilespmem:$0x1B000] =	vst v63  }
0x1d0: {  	s31 =	simm.s32 $0x10F00;
	s29 =	sadd.s32 $0x1180, s1  }
0x1d1: {  	[tilespmem:s31], [sflag:$0x1] =	stream.indirect.gather [hbm4b:s2+s8], $0x80, s29, s8, $0xb8;
	[tilespmem:$0x1B000] =	vst v63  }
0x1d2: {  	s14 =	simm.s32 $0x11400;
	s12 =	sadd.s32 $0x1200, s1  }
0x1d3: {  	[tilespmem:s14], [sflag:$0x1] =	stream.indirect.gather [hbm4b:s2+s8], $0x80, s12, s8, $0xb8;
	[tilespmem:$0x1B000] =	vst v63  }
0x1d4: {  	s18 =	sadd.s32 $0x1280, s1;
	s22 =	simm.s32 $0x11900  }
0x1d5: {  	[tilespmem:s22], [sflag:$0x1] =	stream.indirect.gather [hbm4b:s2+s8], $0x80, s18, s8, $0xb8;
	[tilespmem:$0x1B000] =	vst v63  }
0x1d6: {  	s24 =	sadd.s32 $0x1300, s1;
	s26 =	simm.s32 $0x11E00  }
0x1d7: {  	[tilespmem:s26], [sflag:$0x1] =	stream.indirect.gather [hbm4b:s2+s8], $0x80, s24, s8, $0xb8;
	[tilespmem:$0x1B000] =	vst v63  }
0x1d8: {  	s29 =	sadd.s32 $0x1380, s1;
	s31 =	simm.s32 $0x12300  }
0x1d9: {  	[tilespmem:s31], [sflag:$0x1] =	stream.indirect.gather [hbm4b:s2+s8], $0x80, s29, s8, $0xb8;
	[tilespmem:$0x1B000] =	vst v63  }
0x1da: {  	s12 =	sadd.s32 $0x1400, s1;
	s14 =	simm.s32 $0x12800  }
0x1db: {  	[tilespmem:s14], [sflag:$0x1] =	stream.indirect.gather [hbm4b:s2+s8], $0x80, s12, s8, $0xb8;
	[tilespmem:$0x1B000] =	vst v63  }
0x1dc: {  	s18 =	sadd.s32 $0x1480, s1;
	s22 =	simm.s32 $0x12D00  }
0x1dd: {  	[tilespmem:s22], [sflag:$0x1] =	stream.indirect.gather [hbm4b:s2+s8], $0x80, s18, s8, $0xb8;
	[tilespmem:$0x1B000] =	vst v63  }
0x1de: {  	s24 =	sadd.s32 $0x1500, s1;
	s26 =	simm.s32 $0x13200  }
0x1df: {  	[tilespmem:s26], [sflag:$0x1] =	stream.indirect.gather [hbm4b:s2+s8], $0x80, s24, s8, $0xb8;
	[tilespmem:$0x1B000] =	vst v63  }
0x1e0: {  	s29 =	sadd.s32 $0x1580, s1;
	s31 =	simm.s32 $0x13700  }
0x1e1: {  	[tilespmem:s31], [sflag:$0x1] =	stream.indirect.gather [hbm4b:s2+s8], $0x80, s29, s8, $0xb8;
	[tilespmem:$0x1B000] =	vst v63  }
0x1e2: {  	s14 =	sadd.s32 $0x1600, s1;
	s18 =	simm.s32 $0x13C00  }
0x1e3: {  	[tilespmem:s18], [sflag:$0x1] =	stream.indirect.gather [hbm4b:s2+s8], $0x80, s14, s8, $0xb8;
	[tilespmem:$0x1B000] =	vst v63  }
0x1e4: {  	s22 =	sadd.s32 $0x1680, s1;
	s24 =	simm.s32 $0x14100  }
0x1e5: {  	[tilespmem:s24], [sflag:$0x1] =	stream.indirect.gather [hbm4b:s2+s8], $0x80, s22, s8, $0xb8;
	[tilespmem:$0x1B000] =	vst v63  }
0x1e6: {  	s26 =	sadd.s32 $0x1700, s1;
	s29 =	simm.s32 $0x14600  }
0x1e7: {  	[tilespmem:s29], [sflag:$0x1] =	stream.indirect.gather [hbm4b:s2+s8], $0x80, s26, s8, $0xb8;
	[tilespmem:$0x1B000] =	vst v63  }
.Ltmp3:
0x1e8: {  	s1 =	sadd.s32 $0x1780, s1;
	s31 =	simm.s32 $0x14B00;
	(pc) =	sbr.rel @p0 .LBB2_8-.Ltmp3, $4  }
0x1e9: {  	[tilespmem:s31], [sflag:$0x1] =	stream.indirect.gather [hbm4b:s2+s8], $0x80, s1, s8, $0xb8;
	[tilespmem:$0x1B000] =	vst v63  }
0x1ea: {  	_ =	swait.ge [sflag:s23], $0x5000  }
0x1eb: {  	[sflag:s23] =	ssyncset.done $0x0  }
0x1ec: {  	[sflag:s23] =	ssyncadd.s32 $0xFFFFB000  }
.LBB2_7:
0x1ed: {  	_ =	swait.ge [sflag:s25], $0x800  }
0x1ee: {  	[sflag:s25] =	ssyncset.done $0x0  }
0x1ef: {  	[sflag:s25] =	ssyncadd.s32 $0xFFFFF800  }
.LBB2_8:
0x1f0: {  	s10 =	simm.s32 $0x0  }
.LBB2_9:
0x1f1: {  	s1 =	smul.u32 $0x1400, s10;
	_ =	sdelay $0x1  }
0x1f2: {  	s24 =	sshra.s32 s1, $0x2  }
0x1f3: {  	v0 =	vld [tilespmem:s24+$0x15000]  }
0x1f4: {  	v1 =	vld [tilespmem:s24+$0x15080]  }
0x1f5: {  	v2 =	vld [tilespmem:s24+$0x15100]  }
0x1f6: {  	v3 =	vld [tilespmem:s24+$0x15180]  }
0x1f7: {  	v4 =	vld [tilespmem:s24+$0x15200]  }
0x1f8: {  	v5 =	vld [tilespmem:s24+$0x15280]  }
0x1f9: {  	v6 =	vld [tilespmem:s24+$0x15300]  }
0x1fa: {  	v7 =	vld [tilespmem:s24+$0x15380];
	_ =	sdelay $0x2  }
0x1fb: {  	v8 =	vld [tilespmem:s24+$0x15400]  }
0x1fc: {  	v9 =	vld [tilespmem:s24+$0x15480];
	v0 =	vadd.f32 v1, v0;
	v58 =	vadd.f32 v3, v2  }
0x1fd: {  	v59 =	vadd.f32 v5, v4;
	v60 =	vadd.f32 v7, v6;
	_ =	sdelay $0x1  }
0x1fe: {  	v0 =	vadd.f32 v58, v0;
	v61 =	vadd.f32 v60, v59;
	_ =	sdelay $0x1  }
0x1ff: {  	v62 =	vadd.f32 v9, v8;
	v0 =	vadd.f32 v61, v0;
	_ =	sdelay $0x1  }
0x200: {  	v0 =	vadd.f32 v62, v0;
	_ =	sdelay $0x1  }
0x201: {  	s26 =	sshll.u32 s10, $0x7;
	v0 =	vmul.f32 $1.000000010e-01, v0  }
0x202: {  	s14 =	sand.u32 $0x3FFFFF80, s26  }
0x203: {  	[tilespmem:s14+$0x1A800] =	vst v0  }
0x204: {  	v0 =	vld [tilespmem:s24+$0x15010]  }
0x205: {  	v63 =	vld [tilespmem:s24+$0x15090]  }
0x206: {  	v12 =	vld [tilespmem:s24+$0x15110]  }
0x207: {  	v13 =	vld [tilespmem:s24+$0x15190]  }
0x208: {  	v14 =	vld [tilespmem:s24+$0x15210]  }
0x209: {  	v15 =	vld [tilespmem:s24+$0x15290]  }
0x20a: {  	v16 =	vld [tilespmem:s24+$0x15310]  }
0x20b: {  	v17 =	vld [tilespmem:s24+$0x15390];
	_ =	sdelay $0x2  }
0x20c: {  	v18 =	vld [tilespmem:s24+$0x15410]  }
0x20d: {  	v19 =	vld [tilespmem:s24+$0x15490];
	v0 =	vadd.f32 v63, v0;
	v20 =	vadd.f32 v13, v12  }
0x20e: {  	v21 =	vadd.f32 v15, v14;
	v22 =	vadd.f32 v17, v16;
	_ =	sdelay $0x1  }
0x20f: {  	v0 =	vadd.f32 v20, v0;
	v23 =	vadd.f32 v22, v21;
	_ =	sdelay $0x1  }
0x210: {  	v24 =	vadd.f32 v19, v18;
	v0 =	vadd.f32 v23, v0;
	_ =	sdelay $0x1  }
0x211: {  	v0 =	vadd.f32 v24, v0;
	_ =	sdelay $0x1  }
0x212: {  	v0 =	vmul.f32 $1.000000010e-01, v0;
	_ =	sdelay $0x1  }
0x213: {  	[tilespmem:s14+$0x1A810] =	vst v0  }
0x214: {  	v0 =	vld [tilespmem:s24+$0x15020]  }
0x215: {  	v25 =	vld [tilespmem:s24+$0x150A0]  }
0x216: {  	v26 =	vld [tilespmem:s24+$0x15120]  }
0x217: {  	v27 =	vld [tilespmem:s24+$0x151A0]  }
0x218: {  	v28 =	vld [tilespmem:s24+$0x15220]  }
0x219: {  	v29 =	vld [tilespmem:s24+$0x152A0]  }
0x21a: {  	v30 =	vld [tilespmem:s24+$0x15320]  }
0x21b: {  	v31 =	vld [tilespmem:s24+$0x153A0];
	_ =	sdelay $0x1  }
0x21c: {  	s29 =	sor.u32 $0x1, s10  }
0x21d: {  	s12 =	smul.u32 $0x1400, s29;
	v32 =	vld [tilespmem:s24+$0x15420]  }
0x21e: {  	v33 =	vld [tilespmem:s24+$0x154A0];
	v0 =	vadd.f32 v25, v0;
	v34 =	vadd.f32 v27, v26  }
0x21f: {  	s22 =	sshra.s32 s12, $0x2;
	v36 =	vadd.f32 v29, v28;
	v37 =	vadd.f32 v31, v30  }
0x220: {  	v10 =	vld [tilespmem:s22+$0x15000]  }
0x221: {  	v35 =	vld [tilespmem:s22+$0x15080];
	v0 =	vadd.f32 v34, v0;
	v40 =	vadd.f32 v37, v36  }
0x222: {  	v38 =	vld [tilespmem:s22+$0x15100]  }
0x223: {  	v39 =	vld [tilespmem:s22+$0x15180];
	v43 =	vadd.f32 v33, v32;
	v0 =	vadd.f32 v40, v0  }
0x224: {  	v41 =	vld [tilespmem:s22+$0x15200]  }
0x225: {  	v42 =	vld [tilespmem:s22+$0x15280];
	v0 =	vadd.f32 v43, v0  }
0x226: {  	v44 =	vld [tilespmem:s22+$0x15300]  }
0x227: {  	v45 =	vld [tilespmem:s22+$0x15380];
	v0 =	vmul.f32 $1.000000010e-01, v0  }
0x228: {  	v46 =	vld [tilespmem:s22+$0x15400]  }
0x229: {  	v47 =	vld [tilespmem:s22+$0x15480];
	[tilespmem:s14+$0x1A820] =	vst v0  }
0x22a: {  	v49 =	vld [tilespmem:s24+$0x15030]  }
0x22b: {  	v2 =	vadd.f32 v35, v10;
	v5 =	vadd.f32 v39, v38;
	v50 =	vld [tilespmem:s24+$0x150B0]  }
0x22c: {  	v48 =	vadd.f32 v42, v41;
	v1 =	vadd.f32 v45, v44;
	v51 =	vld [tilespmem:s24+$0x15130]  }
0x22d: {  	v52 =	vld [tilespmem:s24+$0x151B0]  }
0x22e: {  	v2 =	vadd.f32 v5, v2;
	v0 =	vadd.f32 v1, v48;
	v54 =	vld [tilespmem:s24+$0x15230]  }
0x22f: {  	v55 =	vld [tilespmem:s24+$0x152B0]  }
0x230: {  	v53 =	vadd.f32 v47, v46;
	v56 =	vld [tilespmem:s24+$0x15330];
	v0 =	vadd.f32 v0, v2  }
0x231: {  	v57 =	vld [tilespmem:s24+$0x153B0]  }
0x232: {  	v0 =	vadd.f32 v53, v0;
	_ =	sdelay $0x1  }
0x233: {  	s1 =	sshll.u32 s29, $0x7;
	v58 =	vld [tilespmem:s24+$0x15430];
	v0 =	vmul.f32 $1.000000010e-01, v0  }
0x234: {  	s18 =	sand.u32 $0x3FFFFF80, s1;
	v59 =	vld [tilespmem:s24+$0x154B0];
	v3 =	vadd.f32 v50, v49;
	v1 =	vadd.f32 v52, v51  }
0x235: {  	v2 =	vadd.f32 v55, v54;
	v61 =	vadd.f32 v57, v56;
	[tilespmem:s18+$0x1A800] =	vst v0  }
0x236: {  	v0 =	vld [tilespmem:s22+$0x15010]  }
0x237: {  	v1 =	vadd.f32 v1, v3;
	v2 =	vadd.f32 v61, v2;
	v60 =	vld [tilespmem:s22+$0x15090]  }
0x238: {  	v62 =	vld [tilespmem:s22+$0x15110]  }
0x239: {  	v14 =	vadd.f32 v59, v58;
	v63 =	vld [tilespmem:s22+$0x15190];
	v1 =	vadd.f32 v2, v1  }
0x23a: {  	v12 =	vld [tilespmem:s22+$0x15210]  }
0x23b: {  	v13 =	vld [tilespmem:s22+$0x15290];
	v1 =	vadd.f32 v14, v1  }
0x23c: {  	v15 =	vld [tilespmem:s22+$0x15310]  }
0x23d: {  	v16 =	vld [tilespmem:s22+$0x15390];
	v1 =	vmul.f32 $1.000000010e-01, v1  }
0x23e: {  	v17 =	vld [tilespmem:s22+$0x15410]  }
0x23f: {  	v18 =	vld [tilespmem:s22+$0x15490];
	[tilespmem:s14+$0x1A830] =	vst v1  }
0x240: {  	v21 =	vld [tilespmem:s24+$0x15040]  }
0x241: {  	v0 =	vadd.f32 v60, v0;
	v19 =	vadd.f32 v63, v62;
	v22 =	vld [tilespmem:s24+$0x150C0]  }
0x242: {  	v20 =	vadd.f32 v13, v12;
	v2 =	vadd.f32 v16, v15;
	v23 =	vld [tilespmem:s24+$0x15140]  }
0x243: {  	v24 =	vld [tilespmem:s24+$0x151C0]  }
0x244: {  	v0 =	vadd.f32 v19, v0;
	v1 =	vadd.f32 v2, v20;
	v26 =	vld [tilespmem:s24+$0x15240]  }
0x245: {  	v27 =	vld [tilespmem:s24+$0x152C0]  }
0x246: {  	v25 =	vadd.f32 v18, v17;
	v28 =	vld [tilespmem:s24+$0x15340];
	v0 =	vadd.f32 v1, v0  }
0x247: {  	v29 =	vld [tilespmem:s24+$0x153C0]  }
0x248: {  	v0 =	vadd.f32 v25, v0;
	_ =	sdelay $0x1  }
0x249: {  	v30 =	vld [tilespmem:s24+$0x15440];
	v0 =	vmul.f32 $1.000000010e-01, v0  }
0x24a: {  	v31 =	vld [tilespmem:s24+$0x154C0];
	v3 =	vadd.f32 v22, v21;
	v2 =	vadd.f32 v24, v23  }
0x24b: {  	v1 =	vadd.f32 v27, v26;
	v33 =	vadd.f32 v29, v28;
	[tilespmem:s18+$0x1A810] =	vst v0  }
0x24c: {  	v0 =	vld [tilespmem:s22+$0x15020]  }
0x24d: {  	v2 =	vadd.f32 v2, v3;
	v1 =	vadd.f32 v33, v1;
	v32 =	vld [tilespmem:s22+$0x150A0]  }
0x24e: {  	v34 =	vld [tilespmem:s22+$0x15120]  }
0x24f: {  	v38 =	vadd.f32 v31, v30;
	v35 =	vld [tilespmem:s22+$0x151A0];
	v1 =	vadd.f32 v1, v2  }
0x250: {  	v36 =	vld [tilespmem:s22+$0x15220]  }
0x251: {  	v37 =	vld [tilespmem:s22+$0x152A0];
	v1 =	vadd.f32 v38, v1  }
0x252: {  	v39 =	vld [tilespmem:s22+$0x15320]  }
0x253: {  	v40 =	vld [tilespmem:s22+$0x153A0];
	v1 =	vmul.f32 $1.000000010e-01, v1  }
0x254: {  	v41 =	vld [tilespmem:s22+$0x15420]  }
0x255: {  	v42 =	vld [tilespmem:s22+$0x154A0];
	[tilespmem:s14+$0x1A840] =	vst v1  }
0x256: {  	v45 =	vld [tilespmem:s24+$0x15050]  }
0x257: {  	v46 =	vld [tilespmem:s24+$0x150D0]  }
0x258: {  	v0 =	vadd.f32 v32, v0;
	v43 =	vadd.f32 v35, v34;
	v47 =	vld [tilespmem:s24+$0x15150]  }
0x259: {  	v44 =	vadd.f32 v37, v36;
	v2 =	vadd.f32 v40, v39;
	v48 =	vld [tilespmem:s24+$0x151D0]  }
0x25a: {  	v50 =	vld [tilespmem:s24+$0x15250]  }
0x25b: {  	v0 =	vadd.f32 v43, v0;
	v1 =	vadd.f32 v2, v44;
	v51 =	vld [tilespmem:s24+$0x152D0]  }
0x25c: {  	s1 =	sor.u32 $0x2, s10;
	v52 =	vld [tilespmem:s24+$0x15350]  }
0x25d: {  	s12 =	sor.u32 $0x3, s10;
	s31 =	smul.u32 $0x1400, s1;
	v49 =	vadd.f32 v42, v41;
	v54 =	vld [tilespmem:s24+$0x15450];
	v0 =	vadd.f32 v1, v0  }
0x25e: {  	s29 =	smul.u32 $0x1400, s12;
	v55 =	vld [tilespmem:s24+$0x154D0]  }
0x25f: {  	s26 =	sshra.s32 s31, $0x2;
	v53 =	vld [tilespmem:s24+$0x153D0];
	v0 =	vadd.f32 v49, v0  }
0x260: {  	s29 =	sshra.s32 s29, $0x2;
	v3 =	vadd.f32 v46, v45;
	v45 =	vld [tilespmem:s26+$0x15480]  }
0x261: {  	v0 =	vmul.f32 $1.000000010e-01, v0;
	v2 =	vadd.f32 v48, v47;
	v48 =	vld [tilespmem:s29+$0x15000]  }
0x262: {  	v1 =	vadd.f32 v51, v50;
	v51 =	vld [tilespmem:s29+$0x15080]  }
0x263: {  	v62 =	vadd.f32 v55, v54;
	v54 =	vld [tilespmem:s29+$0x15100];
	[tilespmem:s18+$0x1A820] =	vst v0  }
0x264: {  	v0 =	vld [tilespmem:s22+$0x15030]  }
0x265: {  	v56 =	vld [tilespmem:s22+$0x150B0]  }
0x266: {  	v58 =	vld [tilespmem:s22+$0x15130]  }
0x267: {  	v59 =	vld [tilespmem:s22+$0x151B0]  }
0x268: {  	v57 =	vadd.f32 v53, v52;
	v60 =	vld [tilespmem:s22+$0x15230]  }
0x269: {  	v61 =	vld [tilespmem:s22+$0x152B0]  }
0x26a: {  	v2 =	vadd.f32 v2, v3;
	v1 =	vadd.f32 v57, v1;
	v63 =	vld [tilespmem:s22+$0x15330]  }
0x26b: {  	v12 =	vld [tilespmem:s22+$0x153B0]  }
0x26c: {  	v13 =	vld [tilespmem:s22+$0x15430];
	v1 =	vadd.f32 v1, v2  }
0x26d: {  	v14 =	vld [tilespmem:s22+$0x154B0]  }
0x26e: {  	v1 =	vadd.f32 v62, v1;
	v62 =	vld [tilespmem:s29+$0x15380]  }
0x26f: {  	v0 =	vadd.f32 v56, v0;
	v56 =	vld [tilespmem:s29+$0x15180]  }
0x270: {  	v1 =	vmul.f32 $1.000000010e-01, v1;
	v15 =	vadd.f32 v59, v58;
	v59 =	vld [tilespmem:s29+$0x15200]  }
0x271: {  	v16 =	vadd.f32 v61, v60;
	v60 =	vld [tilespmem:s29+$0x15280]  }
0x272: {  	v61 =	vld [tilespmem:s29+$0x15300];
	[tilespmem:s14+$0x1A850] =	vst v1  }
0x273: {  	v17 =	vld [tilespmem:s24+$0x15060]  }
0x274: {  	v18 =	vld [tilespmem:s24+$0x150E0]  }
0x275: {  	v19 =	vld [tilespmem:s24+$0x15160]  }
0x276: {  	v2 =	vadd.f32 v12, v63;
	v20 =	vld [tilespmem:s24+$0x151E0]  }
0x277: {  	v22 =	vld [tilespmem:s24+$0x15260]  }
0x278: {  	v0 =	vadd.f32 v15, v0;
	v1 =	vadd.f32 v2, v16;
	v23 =	vld [tilespmem:s24+$0x152E0]  }
0x279: {  	v24 =	vld [tilespmem:s24+$0x15360]  }
0x27a: {  	v21 =	vadd.f32 v14, v13;
	v25 =	vld [tilespmem:s24+$0x153E0];
	v0 =	vadd.f32 v1, v0  }
0x27b: {  	v26 =	vld [tilespmem:s24+$0x15460]  }
0x27c: {  	v27 =	vld [tilespmem:s24+$0x154E0];
	v0 =	vadd.f32 v21, v0  }
0x27d: {  	v21 =	vld [tilespmem:s26+$0x15200]  }
0x27e: {  	v0 =	vmul.f32 $1.000000010e-01, v0;
	v3 =	vadd.f32 v18, v17;
	v17 =	vld [tilespmem:s26+$0x15000]  }
0x27f: {  	v18 =	vld [tilespmem:s26+$0x15080]  }
0x280: {  	v1 =	vadd.f32 v23, v22;
	v22 =	vld [tilespmem:s26+$0x15280];
	[tilespmem:s18+$0x1A830] =	vst v0  }
0x281: {  	v0 =	vld [tilespmem:s22+$0x15040]  }
0x282: {  	v11 =	vld [tilespmem:s22+$0x150C0]  }
0x283: {  	v12 =	vld [tilespmem:s22+$0x15140]  }
0x284: {  	v28 =	vld [tilespmem:s22+$0x151C0]  }
0x285: {  	v2 =	vadd.f32 v20, v19;
	v29 =	vadd.f32 v25, v24;
	v30 =	vld [tilespmem:s22+$0x15240]  }
0x286: {  	v31 =	vld [tilespmem:s22+$0x152C0]  }
0x287: {  	v2 =	vadd.f32 v2, v3;
	v1 =	vadd.f32 v29, v1;
	v32 =	vld [tilespmem:s22+$0x15340]  }
0x288: {  	v33 =	vld [tilespmem:s22+$0x153C0]  }
0x289: {  	v34 =	vadd.f32 v27, v26;
	v23 =	vld [tilespmem:s26+$0x15300];
	v1 =	vadd.f32 v1, v2  }
0x28a: {  	v24 =	vld [tilespmem:s26+$0x15380]  }
0x28b: {  	v35 =	vld [tilespmem:s22+$0x15440];
	v1 =	vadd.f32 v34, v1  }
0x28c: {  	v36 =	vld [tilespmem:s22+$0x154C0];
	v0 =	vadd.f32 v11, v0;
	v4 =	vadd.f32 v28, v12  }
0x28d: {  	v19 =	vld [tilespmem:s26+$0x15100];
	v6 =	vadd.f32 v31, v30;
	v3 =	vadd.f32 v33, v32  }
0x28e: {  	v20 =	vld [tilespmem:s26+$0x15180]  }
0x28f: {  	v25 =	vld [tilespmem:s26+$0x15400];
	v1 =	vmul.f32 $1.000000010e-01, v1;
	v4 =	vadd.f32 v4, v0;
	v3 =	vadd.f32 v3, v6  }
0x290: {  	v52 =	vadd.f32 v22, v21;
	v53 =	vadd.f32 v24, v23;
	v22 =	vld [tilespmem:s29+$0x15400]  }
0x291: {  	v23 =	vld [tilespmem:s29+$0x15480];
	v37 =	vadd.f32 v36, v35;
	[tilespmem:s14+$0x1A860] =	vst v1;
	v3 =	vadd.f32 v3, v4  }
0x292: {  	v0 =	vld [tilespmem:s24+$0x15070]  }
0x293: {  	v1 =	vld [tilespmem:s24+$0x150F0];
	v5 =	vadd.f32 v37, v3  }
0x294: {  	v2 =	vld [tilespmem:s24+$0x15170]  }
0x295: {  	v6 =	vld [tilespmem:s24+$0x15370];
	v38 =	vmul.f32 $1.000000010e-01, v5  }
0x296: {  	v8 =	vld [tilespmem:s24+$0x153F0]  }
0x297: {  	v4 =	vld [tilespmem:s24+$0x151F0];
	[tilespmem:s18+$0x1A840] =	vst v38  }
0x298: {  	v7 =	vld [tilespmem:s22+$0x15050]  }
0x299: {  	v49 =	vadd.f32 v18, v17;
	v50 =	vadd.f32 v20, v19;
	v39 =	vld [tilespmem:s22+$0x150D0]  }
0x29a: {  	v40 =	vld [tilespmem:s22+$0x15150]  }
0x29b: {  	v57 =	vadd.f32 v50, v49;
	v58 =	vadd.f32 v53, v52;
	v41 =	vld [tilespmem:s22+$0x151D0]  }
0x29c: {  	v42 =	vld [tilespmem:s22+$0x15250]  }
0x29d: {  	v9 =	vadd.f32 v45, v25;
	v11 =	vadd.f32 v58, v57;
	v43 =	vld [tilespmem:s22+$0x152D0]  }
0x29e: {  	v13 =	vld [tilespmem:s22+$0x15350]  }
0x29f: {  	v9 =	vadd.f32 v9, v11;
	v14 =	vld [tilespmem:s22+$0x153D0]  }
0x2a0: {  	v3 =	vld [tilespmem:s24+$0x15270]  }
0x2a1: {  	s1 =	sshll.u32 s1, $0x7;
	v21 =	vmul.f32 $1.000000010e-01, v9;
	v5 =	vld [tilespmem:s24+$0x152F0]  }
0x2a2: {  	s31 =	sand.u32 $0x3FFFFF80, s1;
	v10 =	vadd.f32 v56, v54;
	v12 =	vadd.f32 v51, v48;
	v15 =	vld [tilespmem:s22+$0x15450]  }
0x2a3: {  	[tilespmem:s31+$0x1A800] =	vst v21;
	v16 =	vld [tilespmem:s22+$0x154D0];
	v7 =	vadd.f32 v39, v7;
	v44 =	vadd.f32 v41, v40  }
0x2a4: {  	v24 =	vld [tilespmem:s26+$0x15090];
	v46 =	vadd.f32 v43, v42;
	v47 =	vadd.f32 v14, v13  }
0x2a5: {  	v26 =	vld [tilespmem:s26+$0x15110];
	v14 =	vadd.f32 v60, v59;
	v13 =	vadd.f32 v62, v61  }
0x2a6: {  	v27 =	vld [tilespmem:s26+$0x15190];
	v7 =	vadd.f32 v44, v7;
	v55 =	vadd.f32 v47, v46  }
0x2a7: {  	v10 =	vadd.f32 v10, v12;
	v28 =	vld [tilespmem:s26+$0x15210];
	v25 =	vadd.f32 v13, v14  }
0x2a8: {  	v29 =	vld [tilespmem:s26+$0x15290];
	v15 =	vadd.f32 v16, v15;
	v7 =	vadd.f32 v55, v7  }
0x2a9: {  	v11 =	vadd.f32 v23, v22;
	v30 =	vld [tilespmem:s26+$0x15310];
	v10 =	vadd.f32 v25, v10  }
0x2aa: {  	v31 =	vld [tilespmem:s26+$0x15390];
	v15 =	vadd.f32 v15, v7  }
0x2ab: {  	v32 =	vld [tilespmem:s26+$0x15410];
	v10 =	vadd.f32 v11, v10  }
0x2ac: {  	v33 =	vld [tilespmem:s26+$0x15490];
	v63 =	vmul.f32 $1.000000010e-01, v15  }
0x2ad: {  	s12 =	sshll.u32 s12, $0x7;
	v15 =	vld [tilespmem:s26+$0x15010];
	v10 =	vmul.f32 $1.000000010e-01, v10  }
0x2ae: {  	s1 =	sand.u32 $0x3FFFFF80, s12;
	v7 =	vld [tilespmem:s24+$0x15470];
	[tilespmem:s18+$0x1A850] =	vst v63  }
0x2af: {  	[tilespmem:s1+$0x1A800] =	vst v10;
	v9 =	vld [tilespmem:s22+$0x15060]  }
0x2b0: {  	v10 =	vld [tilespmem:s29+$0x15010]  }
0x2b1: {  	v12 =	vadd.f32 v29, v28;
	v13 =	vadd.f32 v27, v26;
	v34 =	vld [tilespmem:s29+$0x15090]  }
0x2b2: {  	v11 =	vadd.f32 v31, v30;
	v35 =	vld [tilespmem:s29+$0x15110];
	v15 =	vadd.f32 v24, v15  }
0x2b3: {  	v36 =	vld [tilespmem:s29+$0x15190]  }
0x2b4: {  	v11 =	vadd.f32 v11, v12;
	v37 =	vld [tilespmem:s29+$0x15210];
	v13 =	vadd.f32 v13, v15  }
0x2b5: {  	v38 =	vld [tilespmem:s29+$0x15290]  }
0x2b6: {  	v39 =	vadd.f32 v33, v32;
	v40 =	vld [tilespmem:s29+$0x15310];
	v11 =	vadd.f32 v11, v13  }
0x2b7: {  	v41 =	vld [tilespmem:s29+$0x15390]  }
0x2b8: {  	v20 =	vld [tilespmem:s22+$0x150E0];
	v11 =	vadd.f32 v39, v11  }
0x2b9: {  	v18 =	vld [tilespmem:s22+$0x15160]  }
0x2ba: {  	v42 =	vld [tilespmem:s29+$0x15410];
	v11 =	vmul.f32 $1.000000010e-01, v11  }
0x2bb: {  	v43 =	vld [tilespmem:s29+$0x15490];
	v10 =	vadd.f32 v34, v10;
	v44 =	vadd.f32 v36, v35  }
0x2bc: {  	v16 =	vld [tilespmem:s22+$0x151E0];
	v45 =	vadd.f32 v38, v37;
	v46 =	vadd.f32 v41, v40;
	[tilespmem:s31+$0x1A810] =	vst v11  }
0x2bd: {  	v47 =	vld [tilespmem:s26+$0x15020]  }
0x2be: {  	v10 =	vadd.f32 v44, v10;
	v11 =	vadd.f32 v46, v45;
	v48 =	vld [tilespmem:s26+$0x150A0]  }
0x2bf: {  	v49 =	vld [tilespmem:s26+$0x15120]  }
0x2c0: {  	v51 =	vadd.f32 v43, v42;
	v50 =	vld [tilespmem:s26+$0x151A0];
	v10 =	vadd.f32 v11, v10  }
0x2c1: {  	v52 =	vld [tilespmem:s26+$0x15220]  }
0x2c2: {  	v53 =	vld [tilespmem:s26+$0x152A0];
	v10 =	vadd.f32 v51, v10  }
0x2c3: {  	v54 =	vld [tilespmem:s26+$0x15320]  }
0x2c4: {  	v55 =	vld [tilespmem:s26+$0x153A0];
	v10 =	vmul.f32 $1.000000010e-01, v10  }
0x2c5: {  	v56 =	vld [tilespmem:s26+$0x15420]  }
0x2c6: {  	v57 =	vld [tilespmem:s26+$0x154A0];
	[tilespmem:s1+$0x1A810] =	vst v10  }
0x2c7: {  	v10 =	vld [tilespmem:s29+$0x15020]  }
0x2c8: {  	v13 =	vadd.f32 v48, v47;
	v12 =	vadd.f32 v50, v49;
	v58 =	vld [tilespmem:s29+$0x150A0]  }
0x2c9: {  	v11 =	vadd.f32 v53, v52;
	v59 =	vadd.f32 v55, v54;
	v60 =	vld [tilespmem:s29+$0x15120]  }
0x2ca: {  	v61 =	vld [tilespmem:s29+$0x151A0]  }
0x2cb: {  	v12 =	vadd.f32 v12, v13;
	v11 =	vadd.f32 v59, v11;
	v62 =	vld [tilespmem:s29+$0x15220]  }
0x2cc: {  	v63 =	vld [tilespmem:s29+$0x152A0]  }
0x2cd: {  	v27 =	vadd.f32 v57, v56;
	v28 =	vld [tilespmem:s29+$0x15320];
	v11 =	vadd.f32 v11, v12  }
0x2ce: {  	v29 =	vld [tilespmem:s29+$0x153A0]  }
0x2cf: {  	v30 =	vld [tilespmem:s22+$0x15260];
	v11 =	vadd.f32 v27, v11  }
0x2d0: {  	v31 =	vld [tilespmem:s22+$0x152E0]  }
0x2d1: {  	v32 =	vld [tilespmem:s29+$0x15420];
	v11 =	vmul.f32 $1.000000010e-01, v11  }
0x2d2: {  	v33 =	vld [tilespmem:s29+$0x154A0];
	v10 =	vadd.f32 v58, v10;
	v34 =	vadd.f32 v61, v60  }
0x2d3: {  	v35 =	vld [tilespmem:s22+$0x15360];
	v36 =	vadd.f32 v63, v62;
	v12 =	vadd.f32 v29, v28;
	[tilespmem:s31+$0x1A820] =	vst v11  }
0x2d4: {  	v37 =	vld [tilespmem:s26+$0x15030]  }
0x2d5: {  	v10 =	vadd.f32 v34, v10;
	v11 =	vadd.f32 v12, v36;
	v38 =	vld [tilespmem:s26+$0x150B0]  }
0x2d6: {  	v39 =	vld [tilespmem:s26+$0x15130]  }
0x2d7: {  	v41 =	vadd.f32 v33, v32;
	v40 =	vld [tilespmem:s26+$0x151B0];
	v10 =	vadd.f32 v11, v10  }
0x2d8: {  	v42 =	vld [tilespmem:s26+$0x15230]  }
0x2d9: {  	v43 =	vld [tilespmem:s26+$0x152B0];
	v10 =	vadd.f32 v41, v10  }
0x2da: {  	v44 =	vld [tilespmem:s26+$0x15330]  }
0x2db: {  	v45 =	vld [tilespmem:s26+$0x153B0];
	v10 =	vmul.f32 $1.000000010e-01, v10  }
0x2dc: {  	v46 =	vld [tilespmem:s26+$0x15430]  }
0x2dd: {  	v26 =	vld [tilespmem:s26+$0x154B0];
	[tilespmem:s1+$0x1A820] =	vst v10  }
0x2de: {  	v10 =	vld [tilespmem:s29+$0x15030]  }
0x2df: {  	v13 =	vadd.f32 v38, v37;
	v12 =	vadd.f32 v40, v39;
	v47 =	vld [tilespmem:s29+$0x150B0]  }
0x2e0: {  	v11 =	vadd.f32 v43, v42;
	v48 =	vadd.f32 v45, v44;
	v49 =	vld [tilespmem:s29+$0x15130]  }
0x2e1: {  	v50 =	vld [tilespmem:s29+$0x151B0]  }
0x2e2: {  	v12 =	vadd.f32 v12, v13;
	v11 =	vadd.f32 v48, v11;
	v51 =	vld [tilespmem:s29+$0x15230]  }
0x2e3: {  	v52 =	vld [tilespmem:s29+$0x152B0]  }
0x2e4: {  	v53 =	vadd.f32 v26, v46;
	v54 =	vld [tilespmem:s29+$0x15330];
	v11 =	vadd.f32 v11, v12  }
0x2e5: {  	v55 =	vld [tilespmem:s29+$0x153B0]  }
0x2e6: {  	v56 =	vld [tilespmem:s22+$0x153E0];
	v11 =	vadd.f32 v53, v11  }
0x2e7: {  	v57 =	vld [tilespmem:s22+$0x15460]  }
0x2e8: {  	v27 =	vld [tilespmem:s29+$0x15430];
	v11 =	vmul.f32 $1.000000010e-01, v11  }
0x2e9: {  	v58 =	vld [tilespmem:s29+$0x154B0];
	v10 =	vadd.f32 v47, v10;
	v19 =	vadd.f32 v50, v49  }
0x2ea: {  	v59 =	vld [tilespmem:s22+$0x154E0];
	v60 =	vadd.f32 v52, v51;
	v12 =	vadd.f32 v55, v54;
	[tilespmem:s31+$0x1A830] =	vst v11  }
0x2eb: {  	v61 =	vld [tilespmem:s26+$0x15040]  }
0x2ec: {  	v10 =	vadd.f32 v19, v10;
	v11 =	vadd.f32 v12, v60;
	v62 =	vld [tilespmem:s26+$0x150C0]  }
0x2ed: {  	v63 =	vld [tilespmem:s26+$0x15140]  }
0x2ee: {  	v14 =	vadd.f32 v58, v27;
	v25 =	vld [tilespmem:s26+$0x151C0];
	v10 =	vadd.f32 v11, v10  }
0x2ef: {  	v27 =	vld [tilespmem:s26+$0x15240]  }
0x2f0: {  	v28 =	vld [tilespmem:s26+$0x152C0];
	v10 =	vadd.f32 v14, v10  }
0x2f1: {  	v29 =	vadd.f32 v31, v30;
	v30 =	vld [tilespmem:s26+$0x15340]  }
0x2f2: {  	v9 =	vadd.f32 v20, v9;
	v31 =	vld [tilespmem:s26+$0x153C0];
	v10 =	vmul.f32 $1.000000010e-01, v10  }
0x2f3: {  	v16 =	vadd.f32 v16, v18;
	v17 =	vadd.f32 v56, v35;
	v32 =	vld [tilespmem:s26+$0x15440]  }
0x2f4: {  	v33 =	vld [tilespmem:s26+$0x154C0];
	[tilespmem:s1+$0x1A830] =	vst v10  }
0x2f5: {  	v9 =	vadd.f32 v16, v9;
	v14 =	vadd.f32 v17, v29;
	v35 =	vld [tilespmem:s29+$0x15040]  }
0x2f6: {  	v13 =	vadd.f32 v62, v61;
	v12 =	vadd.f32 v25, v63;
	v36 =	vld [tilespmem:s29+$0x150C0]  }
0x2f7: {  	v11 =	vadd.f32 v28, v27;
	v37 =	vadd.f32 v31, v30;
	v38 =	vld [tilespmem:s29+$0x15140]  }
0x2f8: {  	v34 =	vadd.f32 v59, v57;
	v9 =	vadd.f32 v14, v9;
	v39 =	vld [tilespmem:s29+$0x151C0]  }
0x2f9: {  	v12 =	vadd.f32 v12, v13;
	v11 =	vadd.f32 v37, v11;
	v40 =	vld [tilespmem:s29+$0x15240]  }
0x2fa: {  	v16 =	vadd.f32 v33, v32;
	v41 =	vld [tilespmem:s29+$0x152C0]  }
0x2fb: {  	v9 =	vadd.f32 v34, v9;
	v43 =	vld [tilespmem:s29+$0x15340];
	v11 =	vadd.f32 v11, v12  }
0x2fc: {  	v44 =	vld [tilespmem:s29+$0x153C0]  }
0x2fd: {  	v45 =	vld [tilespmem:s29+$0x15440];
	v42 =	vmul.f32 $1.000000010e-01, v9;
	v11 =	vadd.f32 v16, v11  }
0x2fe: {  	v46 =	vld [tilespmem:s29+$0x154C0]  }
0x2ff: {  	v9 =	vld [tilespmem:s24+$0x154F0];
	[tilespmem:s18+$0x1A860] =	vst v42;
	v11 =	vmul.f32 $1.000000010e-01, v11  }
0x300: {  	v16 =	vld [tilespmem:s22+$0x15070];
	v14 =	vadd.f32 v36, v35;
	v10 =	vadd.f32 v39, v38  }
0x301: {  	v15 =	vld [tilespmem:s22+$0x150F0];
	v47 =	vadd.f32 v41, v40;
	v12 =	vadd.f32 v44, v43;
	[tilespmem:s31+$0x1A840] =	vst v11  }
0x302: {  	v48 =	vld [tilespmem:s26+$0x15050]  }
0x303: {  	v10 =	vadd.f32 v10, v14;
	v11 =	vadd.f32 v12, v47;
	v49 =	vld [tilespmem:s26+$0x150D0]  }
0x304: {  	v50 =	vld [tilespmem:s26+$0x15150]  }
0x305: {  	v52 =	vadd.f32 v46, v45;
	v51 =	vld [tilespmem:s26+$0x151D0];
	v10 =	vadd.f32 v11, v10  }
0x306: {  	v53 =	vld [tilespmem:s26+$0x15250]  }
0x307: {  	v54 =	vld [tilespmem:s26+$0x152D0];
	v10 =	vadd.f32 v52, v10  }
0x308: {  	v55 =	vld [tilespmem:s26+$0x15350]  }
0x309: {  	v56 =	vld [tilespmem:s26+$0x153D0];
	v10 =	vmul.f32 $1.000000010e-01, v10  }
0x30a: {  	v57 =	vld [tilespmem:s26+$0x15450]  }
0x30b: {  	v58 =	vld [tilespmem:s26+$0x154D0];
	[tilespmem:s1+$0x1A840] =	vst v10  }
0x30c: {  	v10 =	vld [tilespmem:s29+$0x15050]  }
0x30d: {  	v13 =	vadd.f32 v49, v48;
	v12 =	vadd.f32 v51, v50;
	v59 =	vld [tilespmem:s29+$0x150D0]  }
0x30e: {  	v11 =	vadd.f32 v54, v53;
	v60 =	vadd.f32 v56, v55;
	v61 =	vld [tilespmem:s29+$0x15150]  }
0x30f: {  	v62 =	vld [tilespmem:s29+$0x151D0]  }
0x310: {  	v12 =	vadd.f32 v12, v13;
	v11 =	vadd.f32 v60, v11;
	v63 =	vld [tilespmem:s29+$0x15250]  }
0x311: {  	v28 =	vld [tilespmem:s29+$0x152D0]  }
0x312: {  	v29 =	vadd.f32 v58, v57;
	v30 =	vld [tilespmem:s29+$0x15350];
	v11 =	vadd.f32 v11, v12  }
0x313: {  	v31 =	vld [tilespmem:s29+$0x153D0]  }
0x314: {  	v22 =	vld [tilespmem:s22+$0x15170];
	v11 =	vadd.f32 v29, v11  }
0x315: {  	v20 =	vld [tilespmem:s22+$0x151F0]  }
0x316: {  	v32 =	vld [tilespmem:s29+$0x15450];
	v11 =	vmul.f32 $1.000000010e-01, v11  }
0x317: {  	v33 =	vld [tilespmem:s29+$0x154D0];
	v10 =	vadd.f32 v59, v10;
	v34 =	vadd.f32 v62, v61  }
0x318: {  	v18 =	vld [tilespmem:s22+$0x15270];
	v35 =	vadd.f32 v28, v63;
	v12 =	vadd.f32 v31, v30;
	[tilespmem:s31+$0x1A850] =	vst v11  }
0x319: {  	v36 =	vld [tilespmem:s26+$0x15060]  }
0x31a: {  	v10 =	vadd.f32 v34, v10;
	v11 =	vadd.f32 v12, v35;
	v37 =	vld [tilespmem:s26+$0x150E0]  }
0x31b: {  	v38 =	vld [tilespmem:s26+$0x15160]  }
0x31c: {  	v40 =	vadd.f32 v33, v32;
	v39 =	vld [tilespmem:s26+$0x151E0];
	v10 =	vadd.f32 v11, v10  }
0x31d: {  	v41 =	vld [tilespmem:s26+$0x15260]  }
0x31e: {  	v42 =	vld [tilespmem:s26+$0x152E0];
	v10 =	vadd.f32 v40, v10  }
0x31f: {  	v43 =	vld [tilespmem:s26+$0x15360]  }
0x320: {  	v44 =	vld [tilespmem:s26+$0x153E0];
	v10 =	vmul.f32 $1.000000010e-01, v10  }
0x321: {  	v45 =	vld [tilespmem:s26+$0x15460]  }
0x322: {  	v46 =	vld [tilespmem:s26+$0x154E0];
	[tilespmem:s1+$0x1A850] =	vst v10  }
0x323: {  	v10 =	vld [tilespmem:s29+$0x15060]  }
0x324: {  	v47 =	vld [tilespmem:s29+$0x150E0]  }
0x325: {  	v48 =	vld [tilespmem:s29+$0x15160]  }
0x326: {  	v13 =	vadd.f32 v37, v36;
	v12 =	vadd.f32 v39, v38;
	v49 =	vld [tilespmem:s29+$0x151E0]  }
0x327: {  	v11 =	vadd.f32 v42, v41;
	v50 =	vadd.f32 v44, v43;
	v51 =	vld [tilespmem:s29+$0x15260]  }
0x328: {  	v52 =	vld [tilespmem:s29+$0x152E0]  }
0x329: {  	v12 =	vadd.f32 v12, v13;
	v11 =	vadd.f32 v50, v11;
	v53 =	vld [tilespmem:s29+$0x15360]  }
0x32a: {  	v54 =	vld [tilespmem:s29+$0x153E0]  }
0x32b: {  	v55 =	vld [tilespmem:s22+$0x152F0];
	v24 =	vadd.f32 v46, v45;
	v11 =	vadd.f32 v11, v12  }
0x32c: {  	v56 =	vld [tilespmem:s22+$0x15370]  }
0x32d: {  	v57 =	vld [tilespmem:s29+$0x15460];
	v11 =	vadd.f32 v24, v11  }
0x32e: {  	v58 =	vld [tilespmem:s29+$0x154E0];
	v10 =	vadd.f32 v47, v10;
	v14 =	vadd.f32 v49, v48  }
0x32f: {  	v60 =	vld [tilespmem:s22+$0x15470];
	v11 =	vmul.f32 $1.000000010e-01, v11;
	v19 =	vadd.f32 v52, v51;
	v13 =	vadd.f32 v54, v53  }
0x330: {  	v59 =	vld [tilespmem:s22+$0x153F0]  }
0x331: {  	v61 =	vld [tilespmem:s22+$0x154F0];
	[tilespmem:s31+$0x1A860] =	vst v11;
	v10 =	vadd.f32 v14, v10;
	v62 =	vadd.f32 v13, v19  }
0x332: {  	v63 =	vld [tilespmem:s26+$0x15070]  }
0x333: {  	v31 =	vadd.f32 v58, v57;
	v30 =	vld [tilespmem:s26+$0x150F0];
	v10 =	vadd.f32 v62, v10  }
0x334: {  	v32 =	vld [tilespmem:s26+$0x15170]  }
0x335: {  	v33 =	vld [tilespmem:s26+$0x151F0];
	v10 =	vadd.f32 v31, v10  }
0x336: {  	v34 =	vld [tilespmem:s26+$0x15270]  }
0x337: {  	v35 =	vld [tilespmem:s26+$0x152F0];
	v10 =	vmul.f32 $1.000000010e-01, v10  }
0x338: {  	v36 =	vld [tilespmem:s26+$0x15370]  }
0x339: {  	v0 =	vadd.f32 v1, v0;
	v3 =	vadd.f32 v5, v3;
	v38 =	vld [tilespmem:s26+$0x153F0];
	[tilespmem:s1+$0x1A860] =	vst v10  }
0x33a: {  	v37 =	vadd.f32 v4, v2;
	v39 =	vadd.f32 v8, v6;
	v40 =	vld [tilespmem:s29+$0x15070]  }
0x33b: {  	v41 =	vadd.f32 v15, v16;
	v42 =	vadd.f32 v20, v22;
	v10 =	vld [tilespmem:s29+$0x150F0]  }
0x33c: {  	v43 =	vadd.f32 v55, v18;
	v12 =	vadd.f32 v59, v56;
	v44 =	vld [tilespmem:s29+$0x15170]  }
0x33d: {  	v0 =	vadd.f32 v37, v0;
	v45 =	vadd.f32 v39, v3;
	v46 =	vld [tilespmem:s29+$0x151F0]  }
0x33e: {  	v47 =	vadd.f32 v42, v41;
	v48 =	vadd.f32 v12, v43;
	v49 =	vld [tilespmem:s29+$0x15270]  }
0x33f: {  	v7 =	vadd.f32 v9, v7;
	v0 =	vadd.f32 v45, v0;
	v50 =	vld [tilespmem:s29+$0x152F0]  }
0x340: {  	v51 =	vadd.f32 v61, v60;
	v4 =	vadd.f32 v48, v47;
	v52 =	vld [tilespmem:s29+$0x15370]  }
0x341: {  	v53 =	vld [tilespmem:s29+$0x153F0]  }
0x342: {  	v0 =	vadd.f32 v7, v0;
	v54 =	vld [tilespmem:s26+$0x15470];
	v4 =	vadd.f32 v51, v4  }
0x343: {  	v55 =	vld [tilespmem:s26+$0x154F0];
	v13 =	vadd.f32 v30, v63;
	v11 =	vadd.f32 v33, v32  }
0x344: {  	v56 =	vadd.f32 v35, v34;
	v2 =	vadd.f32 v38, v36;
	v57 =	vld [tilespmem:s29+$0x15470]  }
0x345: {  	v58 =	vld [tilespmem:s29+$0x154F0];
	v5 =	vadd.f32 v10, v40;
	v3 =	vadd.f32 v46, v44  }
0x346: {  	v1 =	vadd.f32 v50, v49;
	v6 =	vadd.f32 v53, v52  }
0x347: {  	v59 =	vadd.f32 v11, v13;
	v2 =	vadd.f32 v2, v56  }
0x348: {  	v3 =	vadd.f32 v3, v5;
	v1 =	vadd.f32 v6, v1  }
0x349: {  	v60 =	vadd.f32 v55, v54;
	v2 =	vadd.f32 v2, v59  }
0x34a: {  	v61 =	vadd.f32 v58, v57;
	v1 =	vadd.f32 v1, v3  }
0x34b: {  	p0 =	slt.u32 s10, $0xC;
	v0 =	vmul.f32 $1.000000010e-01, v0;
	v2 =	vadd.f32 v60, v2  }
.Ltmp4:
0x34c: {  	v62 =	vmul.f32 $1.000000010e-01, v4;
	v1 =	vadd.f32 v61, v1;
	(pc) =	sbr.rel @p0 .LBB2_9-.Ltmp4, $4  }
0x34d: {  	[tilespmem:s14+$0x1A870] =	vst v0;
	v63 =	vmul.f32 $1.000000010e-01, v2  }
0x34e: {  	[tilespmem:s18+$0x1A870] =	vst v62;
	v1 =	vmul.f32 $1.000000010e-01, v1  }
0x34f: {  	[tilespmem:s31+$0x1A870] =	vst v63;
	s31 =	sadd.s32 $0x4, s10  }
0x350: {  	s10 =	smov.u32 s31;
	[tilespmem:s1+$0x1A870] =	vst v1  }
0x351: {  	s30 =	sadd.s32 $0x1, s30  }
0x352: {  	p0 =	sne.s32 s30, $0x10  }
.Ltmp5:
0x353: {  	_ = 	snop;
	(pc) =	sbr.rel @p0 .LBB2_2-.Ltmp5, $4  }
0x354: {  	_ = 	snop  }
0x355: {  	s0 =	sshll.u32 s0, $0x8  }
0x356: {  	s0 =	sadd.s32 s0, s5  }
0x357: {  	[hbm4b:s0+s3] =	stream.linear.scatter [tilespmem:s28], [sflag:$0x4], $0x800, $0x38;
	[tilespmem:$0x1B000] =	vst v63  }
0x358: {  	s0 =	simm.s32 $0x3  }
0x359: {  	_ =	swait.ge [sflag:s0], $0x800  }
0x35a: {  	[sflag:s0] =	ssyncset.done $0x0  }
0x35b: {  	[sflag:s0] =	ssyncadd.s32 $0xFFFFF800  }
0x35c: {  	_ =	swait.ge [sflag:s25], $0x800  }
0x35d: {  	s1 =	rddreg [dreg:$0x6]  }
0x35e: {  	s31 =	rddreg [dreg:$0x5];
	s1 =	sadd.s32 $0x1, s1  }
0x35f: {  	p0 =	sne.s32 s1, s31  }
.Ltmp6:
0x360: {  	_ = 	snop;
	(pc) =	sbr.rel @p0 .LBB2_1-.Ltmp6, $3  }
0x361: {  	_ =	sdelay $0x1  }
0x362: {  	[sflag:s25] =	ssyncset.done $0x0  }
0x363: {  	[sflag:s25] =	ssyncadd.s32 $0xFFFFF800  }
0x364: {  	_ =	sfence.sel $0x180000  }
0x365: {  	[bflag:$0x0] =	sbarrier.arrive $0xFFFF  }
0x366: {  	_ =	strace $0x90000047  }
0x367: {  	s0 =	stileid.u32;
	[bflag:$0x2] =	sbarrier.arrive $0xFFFF  }
0x368: {  	p0 =	sne.s32 s0, $0x0;
	s0 =	rddreg [dreg:$0x3]  }
0x369: {  	s0 =	sadd.s32 @!p0 $0x100000, s0  }
0x36a: {  	[sflag:s0] =	ssyncadd.tile.s32 @!p0 $0x1;
	_ =	shalt  }
.Lfunc_end2:
_tile_overlayer_lowered:
.L_overlay_start_2:
0x36b: {  	(tag) =	ssettag $0x2  }
0x36c: {  	s0 =	rddreg [dreg:$0x0];
	s2 =	stileid.u32  }
0x36d: {  	s1 =	rddreg [dreg:$0x1];
	p0 =	sne.s32 s2, $0x0  }
0x36e: {  	s3 =	rddreg [dreg:$0x2];
	[bflag:$0x3] =	sbarrier.arrive $0xFFFF;
	s2 =	simm.s32 @!p0 $0x1C05  }
0x36f: {  	[timem:s3], [sflag:s2] =	dma.local @!p0 [hbm:s0], s1  }
0x370: {  	s0 =	simm.s32 @!p0 $0x5  }
0x371: {  	_ =	swait.ge @!p0 [sflag:s0], s1  }
0x372: {  	s1 =	ssub.s32 @!p0 $0x0, s1;
	[sflag:s0] =	ssyncset.done @!p0 $0x0  }
0x373: {  	[sflag:s0] =	ssyncadd.s32 @!p0 s1  }
0x374: {  	[bflag:$0x3] =	sbarrier.arrive $0xFFFF  }
0x375: {  	_ =	shalt  }

</sc_bundles>
